<compile_context>
chip_gen: v7x
topology: tpu7x:2x2x1
jax: 0.10.2.dev20260603
libtpu: 0.0.44.dev20260713+nightly
codegen_flags: <defaults>
</compile_context>

<pallas_src>
import functools

import jax
import jax.numpy as jnp
from jax import lax
from jax.experimental import pallas as pl
from jax.experimental.pallas import tpu as pltpu
from jax.experimental.pallas import tpu_sc as plsc

N_NODES = 10000
N_EDGES = 320000
NC = 2
NS = 16
NW = NC * NS
EPT = N_EDGES // NW

_MESH = functools.partial(
    plsc.VectorSubcoreMesh, core_axis_name="c", subcore_axis_name="s")



def _degree_kernel():

    @functools.partial(
        pl.kernel,
        mesh=_MESH(),
        out_type=(jax.ShapeDtypeStruct((NC * N_NODES,), jnp.float32),
                  jax.ShapeDtypeStruct((NC * N_NODES,), jnp.float32)),
        scratch_types=[
            pltpu.VMEM((EPT,), jnp.int32),
            pltpu.VMEM((EPT,), jnp.int32),
            pltpu.VMEM((EPT,), jnp.float32),
            pltpu.VMEM((1000,), jnp.float32),
            pltpu.VMEM_SHARED((N_NODES,), jnp.float32),
            pltpu.VMEM_SHARED((N_NODES,), jnp.float32),
        ],
    )
    def deg_kernel(src_hbm, dst_hbm, ones_hbm, zeros_hbm, dego_hbm, degi_hbm,
                   src_v, dst_v, ones_v, stage_v, acc_o, acc_i):
        c = lax.axis_index("c")
        s = lax.axis_index("s")
        wid = s * NC + c
        pltpu.sync_copy(ones_hbm, ones_v)
        pltpu.sync_copy(src_hbm.at[wid], src_v)
        pltpu.sync_copy(dst_hbm.at[wid], dst_v)

        @pl.when(s < 10)
        def _zero():
            sl = pl.ds(s * 1000, 1000)
            pltpu.sync_copy(zeros_hbm, stage_v)
            pltpu.sync_copy(stage_v, acc_o.at[sl])
            pltpu.sync_copy(stage_v, acc_i.at[sl])

        plsc.subcore_barrier()
        pltpu.sync_copy(ones_v, acc_o.at[src_v], add=True)
        pltpu.sync_copy(ones_v, acc_i.at[dst_v], add=True)
        plsc.subcore_barrier()

        @pl.when(s < 10)
        def _write():
            sl = pl.ds(s * 1000, 1000)
            osl = pl.ds(c * N_NODES + s * 1000, 1000)
            pltpu.sync_copy(acc_o.at[sl], stage_v)
            pltpu.sync_copy(stage_v, dego_hbm.at[osl])
            pltpu.sync_copy(acc_i.at[sl], stage_v)
            pltpu.sync_copy(stage_v, degi_hbm.at[osl])

    return deg_kernel


def _aggregate_kernel(D, CH, NBUF):
    NCH = EPT // CH
    NZCHK = N_NODES // CH
    NPASS = (NZCHK + NS - 1) // NS

    @functools.partial(
        pl.kernel,
        mesh=_MESH(),
        compiler_params=pltpu.CompilerParams(
            use_tc_tiling_on_sc=(D % 128 == 0)),
        out_type=jax.ShapeDtypeStruct((NC, N_NODES, D), jnp.float32),
        scratch_types=[
            pltpu.VMEM((EPT,), jnp.int32),
            pltpu.VMEM((EPT,), jnp.int32),
        ] + [pltpu.VMEM((CH, D), jnp.float32) for _ in range(NBUF)]
          + [pltpu.VMEM_SHARED((N_NODES, D), jnp.float32)]
          + [pltpu.SemaphoreType.DMA for _ in range(NBUF)],
    )
    def agg_kernel(p_hbm, src_hbm, dst_hbm, zeros_hbm, out_hbm, *scratch):
        src_v, dst_v = scratch[0], scratch[1]
        rows = scratch[2:2 + NBUF]
        acc_sh = scratch[2 + NBUF]
        sems = scratch[3 + NBUF:3 + 2 * NBUF]
        c = lax.axis_index("c")
        s = lax.axis_index("s")
        wid = s * NC + c

        pltpu.sync_copy(zeros_hbm, rows[0])
        for j in range(NPASS):
            k = j * NS + s

            @pl.when(k < NZCHK)
            def _zero():
                pltpu.sync_copy(rows[0], acc_sh.at[pl.ds(k * CH, CH)])

        pltpu.sync_copy(src_hbm.at[wid], src_v)
        pltpu.sync_copy(dst_hbm.at[wid], dst_v)
        plsc.subcore_barrier()

        def _gather(i, b):
            pltpu.async_copy(p_hbm.at[src_v.at[pl.ds(i * CH, CH)]],
                             rows[b], sems[b])

        def _gather_wait(i, b):
            pltpu.make_async_copy(p_hbm.at[src_v.at[pl.ds(i * CH, CH)]],
                                  rows[b], sems[b]).wait()

        def _scatter(i, b):
            pltpu.sync_copy(rows[b], acc_sh.at[dst_v.at[pl.ds(i * CH, CH)]],
                            add=True)

        for b in range(NBUF):
            _gather(b, b)

        def group(g, carry):
            for b in range(NBUF):
                i = g * NBUF + b
                _gather_wait(i, b)
                _scatter(i, b)
                nxt = i + NBUF

                @pl.when(nxt < NCH)
                def _next():
                    _gather(nxt, b)
            return carry

        lax.fori_loop(0, NCH // NBUF, group, 0)
        for b in range(NCH % NBUF):
            i = (NCH // NBUF) * NBUF + b
            _gather_wait(i, b)
            _scatter(i, b)

        plsc.subcore_barrier()

        for j in range(NPASS):
            k = j * NS + s

            @pl.when(k < NZCHK)
            def _write():
                sl = pl.ds(k * CH, CH)
                pltpu.sync_copy(acc_sh.at[sl], rows[0])
                pltpu.sync_copy(rows[0], out_hbm.at[c, sl])

    return agg_kernel



_B = 1000


def _nrm(deg_ref):
    d = deg_ref[:, 0:1] + deg_ref[:, 1:2]
    return lax.rsqrt(jnp.maximum(d, 1.0))


def _stage1_body(feat_ref, dego_ref, w_ref, out_ref):
    h = feat_ref[...] * _nrm(dego_ref)
    out_ref[...] = jnp.dot(h, w_ref[...], preferred_element_type=jnp.float32)


def _stage1(feat, dego_t, W1):
    return pl.pallas_call(
        _stage1_body,
        grid=(N_NODES // _B,),
        in_specs=[pl.BlockSpec((_B, 128), lambda i: (i, 0)),
                  pl.BlockSpec((_B, 2), lambda i: (i, 0)),
                  pl.BlockSpec((128, 128), lambda i: (0, 0))],
        out_specs=pl.BlockSpec((_B, 128), lambda i: (i, 0)),
        out_shape=jax.ShapeDtypeStruct((N_NODES, 128), jnp.float32),
    )(feat, dego_t, W1)


def _stage2_body(agg_ref, dego_ref, degi_ref, b1_ref, w2_ref, out_ref):
    agg = agg_ref[0] + agg_ref[1]
    h = jnp.maximum(agg * _nrm(degi_ref) + b1_ref[...], 0.0)
    h = h * _nrm(dego_ref)
    out_ref[...] = jnp.dot(h, w2_ref[...], preferred_element_type=jnp.float32)


def _stage2(agg1, dego_t, degi_t, b1, W2p, DP):
    return pl.pallas_call(
        _stage2_body,
        grid=(N_NODES // _B,),
        in_specs=[pl.BlockSpec((NC, _B, 128), lambda i: (0, i, 0)),
                  pl.BlockSpec((_B, 2), lambda i: (i, 0)),
                  pl.BlockSpec((_B, 2), lambda i: (i, 0)),
                  pl.BlockSpec((1, 128), lambda i: (0, 0)),
                  pl.BlockSpec((128, DP), lambda i: (0, 0))],
        out_specs=pl.BlockSpec((_B, DP), lambda i: (i, 0)),
        out_shape=jax.ShapeDtypeStruct((N_NODES, DP), jnp.float32),
    )(agg1, dego_t, degi_t, b1, W2p)


def _stage3_body(agg_ref, degi_ref, b2_ref, out_ref):
    agg = agg_ref[0] + agg_ref[1]
    out_ref[...] = agg * _nrm(degi_ref) + b2_ref[...]


def _stage3(agg2, degi_t, b2p, DP):
    return pl.pallas_call(
        _stage3_body,
        grid=(N_NODES // _B,),
        in_specs=[pl.BlockSpec((NC, _B, DP), lambda i: (0, i, 0)),
                  pl.BlockSpec((_B, 2), lambda i: (i, 0)),
                  pl.BlockSpec((1, DP), lambda i: (0, 0))],
        out_specs=pl.BlockSpec((_B, DP), lambda i: (i, 0)),
        out_shape=jax.ShapeDtypeStruct((N_NODES, DP), jnp.float32),
    )(agg2, degi_t, b2p)



DP2 = 48


def kernel(feat, edge_index, W1, b1, W2, b2):
    src = edge_index[0].astype(jnp.int32)
    dst = edge_index[1].astype(jnp.int32)
    src_t = src.reshape(NW, EPT)
    dst_t = dst.reshape(NW, EPT)

    ones_e = jnp.ones((EPT,), jnp.float32)
    zeros_n = jnp.zeros((1000,), jnp.float32)
    zeros_128 = jnp.zeros((80, 128), jnp.float32)
    zeros_dp = jnp.zeros((400, DP2), jnp.float32)

    dego_p, degi_p = _degree_kernel()(src_t, dst_t, ones_e, zeros_n)
    dego_t = dego_p.reshape(NC, N_NODES).T
    degi_t = degi_p.reshape(NC, N_NODES).T

    p1 = _stage1(feat, dego_t, W1)
    agg1 = _aggregate_kernel(128, 80, 3)(p1, src_t, dst_t, zeros_128)

    W2p = jnp.pad(W2, ((0, 0), (0, DP2 - W2.shape[1])))
    b2p = jnp.pad(b2, (0, DP2 - b2.shape[0]))
    p2 = _stage2(agg1, dego_t, degi_t, b1.reshape(1, 128), W2p, DP2)
    agg2 = _aggregate_kernel(DP2, 400, 4)(p2, src_t, dst_t, zeros_dp)

    out = _stage3(agg2, degi_t, b2p.reshape(1, DP2), DP2)
    return out[:, :W2.shape[1]]

# --- scband reference (transcript-rebuilt; emitter-appended) ---
"""Pipeline reference for scband-gcn-68135361184234 (READ-ONLY COPY).

The authoritative reference and input builder live on the scoring server;
editing this copy changes nothing except your own understanding.
"""

import jax, jax.numpy as jnp
import numpy as np

N_NODES = 10000
N_EDGES = 320000
IN_FEATS = 128
HID_FEATS = 128
NUM_CLASSES = 40


def setup_inputs(seed: int = 0) -> dict:
    key = jax.random.key(seed)
    k_feat, k_src, k_dst, k_w1, k_b1, k_w2, k_b2 = jax.random.split(key, 7)
    feat = jax.random.normal(k_feat, (N_NODES, IN_FEATS), dtype=jnp.float32)
    src = jax.random.randint(k_src, (N_EDGES,), 0, N_NODES, dtype=jnp.int64)
    dst = jax.random.randint(k_dst, (N_EDGES,), 0, N_NODES, dtype=jnp.int64)
    edge_index = jnp.stack([src, dst], axis=0)
    # Glorot-style init like DGL GraphConv default
    lim1 = float(np.sqrt(6.0 / (IN_FEATS + HID_FEATS)))
    W1 = jax.random.uniform(k_w1, (IN_FEATS, HID_FEATS), dtype=jnp.float32, minval=-lim1, maxval=lim1)
    b1 = jnp.zeros((HID_FEATS,), dtype=jnp.float32)
    lim2 = float(np.sqrt(6.0 / (HID_FEATS + NUM_CLASSES)))
    W2 = jax.random.uniform(k_w2, (HID_FEATS, NUM_CLASSES), dtype=jnp.float32, minval=-lim2, maxval=lim2)
    b2 = jnp.zeros((NUM_CLASSES,), dtype=jnp.float32)
    return {"feat": feat, "edge_index": edge_index, "W1": W1, "b1": b1, "W2": W2, "b2": b2}


def _graph_conv(feat, src, dst, W, b):
    # DGL GraphConv with norm='both', allow_zero_in_degree=True
    n = feat.shape[0]
    ones = jnp.ones((src.shape[0],), dtype=jnp.float32)
    deg_out = jax.ops.segment_sum(ones, src, num_segments=n)
    deg_in = jax.ops.segment_sum(ones, dst, num_segments=n)
    norm_src = jnp.power(jnp.clip(deg_out, 1.0, None), -0.5)
    norm_dst = jnp.power(jnp.clip(deg_in, 1.0, None), -0.5)
    h = feat * norm_src[:, None]
    msg = jnp.take(h, src, axis=0)
    agg = jax.ops.segment_sum(msg, dst, num_segments=n)
    agg = agg * norm_dst[:, None]
    return agg @ W + b


def reference(feat, edge_index, W1, b1, W2, b2):
    src = edge_index[0]
    dst = edge_index[1]
    h = _graph_conv(feat, src, dst, W1, b1)
    # apply_activation: ReLU then dropout (dropout is identity in eval / deterministic reference)
    h = jax.nn.relu(h)
    out = _graph_conv(h, src, dst, W2, b2)
    return out

if __name__ == "__main__":
    import jax
    _d = setup_inputs()
    print(jax.jit(kernel)(*tuple(_d.values())))

</pallas_src>

<mosaic_0001>
#map = affine_map<(d0, d1) -> (0, 0)>
#map1 = affine_map<(d0, d1) -> (0, 0, 0)>
module attributes {stable_mosaic.version = 14 : i64} {
  func.func @agg_kernel(%arg0: i32, %arg1: i32, %arg2: memref<10000x128xf32, #tpu.memory_space<hbm>>, %arg3: memref<32x10000xi32, #tpu.memory_space<hbm>>, %arg4: memref<32x10000xi32, #tpu.memory_space<hbm>>, %arg5: memref<80x128xf32, #tpu.memory_space<hbm>>, %arg6: memref<2x10000x128xf32, #tpu.memory_space<hbm>>, %arg7: memref<10000xi32, #tpu.memory_space<vmem>>, %arg8: memref<10000xi32, #tpu.memory_space<vmem>>, %arg9: memref<80x128xf32, #tpu.memory_space<vmem>>, %arg10: memref<80x128xf32, #tpu.memory_space<vmem>>, %arg11: memref<80x128xf32, #tpu.memory_space<vmem>>, %arg12: memref<10000x128xf32, #tpu.memory_space<vmem_shared>>, %arg13: memref<!tpu.dma_semaphore, #tpu.memory_space<semaphore_mem>>, %arg14: memref<!tpu.dma_semaphore, #tpu.memory_space<semaphore_mem>>, %arg15: memref<!tpu.dma_semaphore, #tpu.memory_space<semaphore_mem>>) attributes {dimension_semantics = [#tpu.dimension_semantics<core_parallel>, #tpu.dimension_semantics<subcore_parallel>], iteration_bounds = array<i64: 2, 16>, scalar_prefetch = 0 : i64, scratch_operands = 9 : i64, tpu.core_type = #tpu.core_type<sc_vector_subcore>, window_params = [{transform_indices = #map}, {transform_indices = #map}, {transform_indices = #map}, {transform_indices = #map}, {transform_indices = #map1}]} {
    %mul3A = arith.constant 2 : i32
    %mul3A_0 = arith.muli %arg1, %mul3A : i32
    %add3A = arith.addi %mul3A_0, %arg0 : i32
    "tpu.region"() ({
      %run_scoped3A = tpu.sem_alloc : memref<!tpu.dma_semaphore, #tpu.memory_space<semaphore_mem>>
      tpu.enqueue_dma source(%arg5 : memref<80x128xf32, #tpu.memory_space<hbm>>) target(%arg9 : memref<80x128xf32, #tpu.memory_space<vmem>>) target_semaphore(%run_scoped3A : memref<!tpu.dma_semaphore, #tpu.memory_space<semaphore_mem>>)
      tpu.wait_dma2 semaphore(%run_scoped3A : memref<!tpu.dma_semaphore, #tpu.memory_space<semaphore_mem>>) src(%arg5 : memref<80x128xf32, #tpu.memory_space<hbm>>) dst(%arg9 : memref<80x128xf32, #tpu.memory_space<vmem>>)
      tpu.yield
    }) : () -> ()
    %add3A_1 = arith.constant 0 : i32
    %add3A_2 = arith.addi %add3A_1, %arg1 : i32
    %lt3A = arith.constant 125 : i32
    %lt3A_3 = arith.cmpi slt, %add3A_2, %lt3A : i32
    %convert_element_type3A = arith.extui %lt3A_3 : i1 to i32
    %cond3A = arith.constant 0 : i32
    %cond3A_4 = arith.cmpi ne, %convert_element_type3A, %cond3A : i32
    scf.if %cond3A_4 {
      %mul3A_139 = arith.constant 80 : i32
      %mul3A_140 = arith.muli %add3A_2, %mul3A_139 : i32
      "tpu.region"() ({
        %run_scoped3A = tpu.sem_alloc : memref<!tpu.dma_semaphore, #tpu.memory_space<semaphore_mem>>
        %dma_start3A_141 = arith.constant 0 : i32
        %dma_start3A_142 = tpu.memref_slice %arg12[%mul3A_140, %dma_start3A_141] : memref<10000x128xf32, #tpu.memory_space<vmem_shared>> -> memref<80x128xf32, #tpu.memory_space<vmem_shared>>
        %dma_start3A_143 = arith.constant 0 : i32
        %dma_start3A_144 = tpu.memref_slice %arg12[%mul3A_140, %dma_start3A_143] : memref<10000x128xf32, #tpu.memory_space<vmem_shared>> -> memref<80x128xf32, #tpu.memory_space<vmem_shared>>
        tpu.enqueue_dma source(%arg9 : memref<80x128xf32, #tpu.memory_space<vmem>>) target(%dma_start3A_144 : memref<80x128xf32, #tpu.memory_space<vmem_shared>>) target_semaphore(%run_scoped3A : memref<!tpu.dma_semaphore, #tpu.memory_space<semaphore_mem>>)
        %dma_wait3A_145 = arith.constant 0 : i32
        %dma_wait3A_146 = tpu.memref_slice %arg12[%mul3A_140, %dma_wait3A_145] : memref<10000x128xf32, #tpu.memory_space<vmem_shared>> -> memref<80x128xf32, #tpu.memory_space<vmem_shared>>
        %dma_wait3A_147 = arith.constant 0 : i32
        %dma_wait3A_148 = tpu.memref_slice %arg12[%mul3A_140, %dma_wait3A_147] : memref<10000x128xf32, #tpu.memory_space<vmem_shared>> -> memref<80x128xf32, #tpu.memory_space<vmem_shared>>
        tpu.wait_dma2 semaphore(%run_scoped3A : memref<!tpu.dma_semaphore, #tpu.memory_space<semaphore_mem>>) src(%arg9 : memref<80x128xf32, #tpu.memory_space<vmem>>) dst(%dma_wait3A_148 : memref<80x128xf32, #tpu.memory_space<vmem_shared>>)
        tpu.yield
      }) : () -> ()
    } else {
    }
    %add3A_5 = arith.constant 16 : i32
    %add3A_6 = arith.addi %add3A_5, %arg1 : i32
    %lt3A_7 = arith.constant 125 : i32
    %lt3A_8 = arith.cmpi slt, %add3A_6, %lt3A_7 : i32
    %convert_element_type3A_9 = arith.extui %lt3A_8 : i1 to i32
    %cond3A_10 = arith.constant 0 : i32
    %cond3A_11 = arith.cmpi ne, %convert_element_type3A_9, %cond3A_10 : i32
    scf.if %cond3A_11 {
      %mul3A_139 = arith.constant 80 : i32
      %mul3A_140 = arith.muli %add3A_6, %mul3A_139 : i32
      "tpu.region"() ({
        %run_scoped3A = tpu.sem_alloc : memref<!tpu.dma_semaphore, #tpu.memory_space<semaphore_mem>>
        %dma_start3A_141 = arith.constant 0 : i32
        %dma_start3A_142 = tpu.memref_slice %arg12[%mul3A_140, %dma_start3A_141] : memref<10000x128xf32, #tpu.memory_space<vmem_shared>> -> memref<80x128xf32, #tpu.memory_space<vmem_shared>>
        %dma_start3A_143 = arith.constant 0 : i32
        %dma_start3A_144 = tpu.memref_slice %arg12[%mul3A_140, %dma_start3A_143] : memref<10000x128xf32, #tpu.memory_space<vmem_shared>> -> memref<80x128xf32, #tpu.memory_space<vmem_shared>>
        tpu.enqueue_dma source(%arg9 : memref<80x128xf32, #tpu.memory_space<vmem>>) target(%dma_start3A_144 : memref<80x128xf32, #tpu.memory_space<vmem_shared>>) target_semaphore(%run_scoped3A : memref<!tpu.dma_semaphore, #tpu.memory_space<semaphore_mem>>)
        %dma_wait3A_145 = arith.constant 0 : i32
        %dma_wait3A_146 = tpu.memref_slice %arg12[%mul3A_140, %dma_wait3A_145] : memref<10000x128xf32, #tpu.memory_space<vmem_shared>> -> memref<80x128xf32, #tpu.memory_space<vmem_shared>>
        %dma_wait3A_147 = arith.constant 0 : i32
        %dma_wait3A_148 = tpu.memref_slice %arg12[%mul3A_140, %dma_wait3A_147] : memref<10000x128xf32, #tpu.memory_space<vmem_shared>> -> memref<80x128xf32, #tpu.memory_space<vmem_shared>>
        tpu.wait_dma2 semaphore(%run_scoped3A : memref<!tpu.dma_semaphore, #tpu.memory_space<semaphore_mem>>) src(%arg9 : memref<80x128xf32, #tpu.memory_space<vmem>>) dst(%dma_wait3A_148 : memref<80x128xf32, #tpu.memory_space<vmem_shared>>)
        tpu.yield
      }) : () -> ()
    } else {
    }
    %add3A_12 = arith.constant 32 : i32
    %add3A_13 = arith.addi %add3A_12, %arg1 : i32
    %lt3A_14 = arith.constant 125 : i32
    %lt3A_15 = arith.cmpi slt, %add3A_13, %lt3A_14 : i32
    %convert_element_type3A_16 = arith.extui %lt3A_15 : i1 to i32
    %cond3A_17 = arith.constant 0 : i32
    %cond3A_18 = arith.cmpi ne, %convert_element_type3A_16, %cond3A_17 : i32
    scf.if %cond3A_18 {
      %mul3A_139 = arith.constant 80 : i32
      %mul3A_140 = arith.muli %add3A_13, %mul3A_139 : i32
      "tpu.region"() ({
        %run_scoped3A = tpu.sem_alloc : memref<!tpu.dma_semaphore, #tpu.memory_space<semaphore_mem>>
        %dma_start3A_141 = arith.constant 0 : i32
        %dma_start3A_142 = tpu.memref_slice %arg12[%mul3A_140, %dma_start3A_141] : memref<10000x128xf32, #tpu.memory_space<vmem_shared>> -> memref<80x128xf32, #tpu.memory_space<vmem_shared>>
        %dma_start3A_143 = arith.constant 0 : i32
        %dma_start3A_144 = tpu.memref_slice %arg12[%mul3A_140, %dma_start3A_143] : memref<10000x128xf32, #tpu.memory_space<vmem_shared>> -> memref<80x128xf32, #tpu.memory_space<vmem_shared>>
        tpu.enqueue_dma source(%arg9 : memref<80x128xf32, #tpu.memory_space<vmem>>) target(%dma_start3A_144 : memref<80x128xf32, #tpu.memory_space<vmem_shared>>) target_semaphore(%run_scoped3A : memref<!tpu.dma_semaphore, #tpu.memory_space<semaphore_mem>>)
        %dma_wait3A_145 = arith.constant 0 : i32
        %dma_wait3A_146 = tpu.memref_slice %arg12[%mul3A_140, %dma_wait3A_145] : memref<10000x128xf32, #tpu.memory_space<vmem_shared>> -> memref<80x128xf32, #tpu.memory_space<vmem_shared>>
        %dma_wait3A_147 = arith.constant 0 : i32
        %dma_wait3A_148 = tpu.memref_slice %arg12[%mul3A_140, %dma_wait3A_147] : memref<10000x128xf32, #tpu.memory_space<vmem_shared>> -> memref<80x128xf32, #tpu.memory_space<vmem_shared>>
        tpu.wait_dma2 semaphore(%run_scoped3A : memref<!tpu.dma_semaphore, #tpu.memory_space<semaphore_mem>>) src(%arg9 : memref<80x128xf32, #tpu.memory_space<vmem>>) dst(%dma_wait3A_148 : memref<80x128xf32, #tpu.memory_space<vmem_shared>>)
        tpu.yield
      }) : () -> ()
    } else {
    }
    %add3A_19 = arith.constant 48 : i32
    %add3A_20 = arith.addi %add3A_19, %arg1 : i32
    %lt3A_21 = arith.constant 125 : i32
    %lt3A_22 = arith.cmpi slt, %add3A_20, %lt3A_21 : i32
    %convert_element_type3A_23 = arith.extui %lt3A_22 : i1 to i32
    %cond3A_24 = arith.constant 0 : i32
    %cond3A_25 = arith.cmpi ne, %convert_element_type3A_23, %cond3A_24 : i32
    scf.if %cond3A_25 {
      %mul3A_139 = arith.constant 80 : i32
      %mul3A_140 = arith.muli %add3A_20, %mul3A_139 : i32
      "tpu.region"() ({
        %run_scoped3A = tpu.sem_alloc : memref<!tpu.dma_semaphore, #tpu.memory_space<semaphore_mem>>
        %dma_start3A_141 = arith.constant 0 : i32
        %dma_start3A_142 = tpu.memref_slice %arg12[%mul3A_140, %dma_start3A_141] : memref<10000x128xf32, #tpu.memory_space<vmem_shared>> -> memref<80x128xf32, #tpu.memory_space<vmem_shared>>
        %dma_start3A_143 = arith.constant 0 : i32
        %dma_start3A_144 = tpu.memref_slice %arg12[%mul3A_140, %dma_start3A_143] : memref<10000x128xf32, #tpu.memory_space<vmem_shared>> -> memref<80x128xf32, #tpu.memory_space<vmem_shared>>
        tpu.enqueue_dma source(%arg9 : memref<80x128xf32, #tpu.memory_space<vmem>>) target(%dma_start3A_144 : memref<80x128xf32, #tpu.memory_space<vmem_shared>>) target_semaphore(%run_scoped3A : memref<!tpu.dma_semaphore, #tpu.memory_space<semaphore_mem>>)
        %dma_wait3A_145 = arith.constant 0 : i32
        %dma_wait3A_146 = tpu.memref_slice %arg12[%mul3A_140, %dma_wait3A_145] : memref<10000x128xf32, #tpu.memory_space<vmem_shared>> -> memref<80x128xf32, #tpu.memory_space<vmem_shared>>
        %dma_wait3A_147 = arith.constant 0 : i32
        %dma_wait3A_148 = tpu.memref_slice %arg12[%mul3A_140, %dma_wait3A_147] : memref<10000x128xf32, #tpu.memory_space<vmem_shared>> -> memref<80x128xf32, #tpu.memory_space<vmem_shared>>
        tpu.wait_dma2 semaphore(%run_scoped3A : memref<!tpu.dma_semaphore, #tpu.memory_space<semaphore_mem>>) src(%arg9 : memref<80x128xf32, #tpu.memory_space<vmem>>) dst(%dma_wait3A_148 : memref<80x128xf32, #tpu.memory_space<vmem_shared>>)
        tpu.yield
      }) : () -> ()
    } else {
    }
    %add3A_26 = arith.constant 64 : i32
    %add3A_27 = arith.addi %add3A_26, %arg1 : i32
    %lt3A_28 = arith.constant 125 : i32
    %lt3A_29 = arith.cmpi slt, %add3A_27, %lt3A_28 : i32
    %convert_element_type3A_30 = arith.extui %lt3A_29 : i1 to i32
    %cond3A_31 = arith.constant 0 : i32
    %cond3A_32 = arith.cmpi ne, %convert_element_type3A_30, %cond3A_31 : i32
    scf.if %cond3A_32 {
      %mul3A_139 = arith.constant 80 : i32
      %mul3A_140 = arith.muli %add3A_27, %mul3A_139 : i32
      "tpu.region"() ({
        %run_scoped3A = tpu.sem_alloc : memref<!tpu.dma_semaphore, #tpu.memory_space<semaphore_mem>>
        %dma_start3A_141 = arith.constant 0 : i32
        %dma_start3A_142 = tpu.memref_slice %arg12[%mul3A_140, %dma_start3A_141] : memref<10000x128xf32, #tpu.memory_space<vmem_shared>> -> memref<80x128xf32, #tpu.memory_space<vmem_shared>>
        %dma_start3A_143 = arith.constant 0 : i32
        %dma_start3A_144 = tpu.memref_slice %arg12[%mul3A_140, %dma_start3A_143] : memref<10000x128xf32, #tpu.memory_space<vmem_shared>> -> memref<80x128xf32, #tpu.memory_space<vmem_shared>>
        tpu.enqueue_dma source(%arg9 : memref<80x128xf32, #tpu.memory_space<vmem>>) target(%dma_start3A_144 : memref<80x128xf32, #tpu.memory_space<vmem_shared>>) target_semaphore(%run_scoped3A : memref<!tpu.dma_semaphore, #tpu.memory_space<semaphore_mem>>)
        %dma_wait3A_145 = arith.constant 0 : i32
        %dma_wait3A_146 = tpu.memref_slice %arg12[%mul3A_140, %dma_wait3A_145] : memref<10000x128xf32, #tpu.memory_space<vmem_shared>> -> memref<80x128xf32, #tpu.memory_space<vmem_shared>>
        %dma_wait3A_147 = arith.constant 0 : i32
        %dma_wait3A_148 = tpu.memref_slice %arg12[%mul3A_140, %dma_wait3A_147] : memref<10000x128xf32, #tpu.memory_space<vmem_shared>> -> memref<80x128xf32, #tpu.memory_space<vmem_shared>>
        tpu.wait_dma2 semaphore(%run_scoped3A : memref<!tpu.dma_semaphore, #tpu.memory_space<semaphore_mem>>) src(%arg9 : memref<80x128xf32, #tpu.memory_space<vmem>>) dst(%dma_wait3A_148 : memref<80x128xf32, #tpu.memory_space<vmem_shared>>)
        tpu.yield
      }) : () -> ()
    } else {
    }
    %add3A_33 = arith.constant 80 : i32
    %add3A_34 = arith.addi %add3A_33, %arg1 : i32
    %lt3A_35 = arith.constant 125 : i32
    %lt3A_36 = arith.cmpi slt, %add3A_34, %lt3A_35 : i32
    %convert_element_type3A_37 = arith.extui %lt3A_36 : i1 to i32
    %cond3A_38 = arith.constant 0 : i32
    %cond3A_39 = arith.cmpi ne, %convert_element_type3A_37, %cond3A_38 : i32
    scf.if %cond3A_39 {
      %mul3A_139 = arith.constant 80 : i32
      %mul3A_140 = arith.muli %add3A_34, %mul3A_139 : i32
      "tpu.region"() ({
        %run_scoped3A = tpu.sem_alloc : memref<!tpu.dma_semaphore, #tpu.memory_space<semaphore_mem>>
        %dma_start3A_141 = arith.constant 0 : i32
        %dma_start3A_142 = tpu.memref_slice %arg12[%mul3A_140, %dma_start3A_141] : memref<10000x128xf32, #tpu.memory_space<vmem_shared>> -> memref<80x128xf32, #tpu.memory_space<vmem_shared>>
        %dma_start3A_143 = arith.constant 0 : i32
        %dma_start3A_144 = tpu.memref_slice %arg12[%mul3A_140, %dma_start3A_143] : memref<10000x128xf32, #tpu.memory_space<vmem_shared>> -> memref<80x128xf32, #tpu.memory_space<vmem_shared>>
        tpu.enqueue_dma source(%arg9 : memref<80x128xf32, #tpu.memory_space<vmem>>) target(%dma_start3A_144 : memref<80x128xf32, #tpu.memory_space<vmem_shared>>) target_semaphore(%run_scoped3A : memref<!tpu.dma_semaphore, #tpu.memory_space<semaphore_mem>>)
        %dma_wait3A_145 = arith.constant 0 : i32
        %dma_wait3A_146 = tpu.memref_slice %arg12[%mul3A_140, %dma_wait3A_145] : memref<10000x128xf32, #tpu.memory_space<vmem_shared>> -> memref<80x128xf32, #tpu.memory_space<vmem_shared>>
        %dma_wait3A_147 = arith.constant 0 : i32
        %dma_wait3A_148 = tpu.memref_slice %arg12[%mul3A_140, %dma_wait3A_147] : memref<10000x128xf32, #tpu.memory_space<vmem_shared>> -> memref<80x128xf32, #tpu.memory_space<vmem_shared>>
        tpu.wait_dma2 semaphore(%run_scoped3A : memref<!tpu.dma_semaphore, #tpu.memory_space<semaphore_mem>>) src(%arg9 : memref<80x128xf32, #tpu.memory_space<vmem>>) dst(%dma_wait3A_148 : memref<80x128xf32, #tpu.memory_space<vmem_shared>>)
        tpu.yield
      }) : () -> ()
    } else {
    }
    %add3A_40 = arith.constant 96 : i32
    %add3A_41 = arith.addi %add3A_40, %arg1 : i32
    %lt3A_42 = arith.constant 125 : i32
    %lt3A_43 = arith.cmpi slt, %add3A_41, %lt3A_42 : i32
    %convert_element_type3A_44 = arith.extui %lt3A_43 : i1 to i32
    %cond3A_45 = arith.constant 0 : i32
    %cond3A_46 = arith.cmpi ne, %convert_element_type3A_44, %cond3A_45 : i32
    scf.if %cond3A_46 {
      %mul3A_139 = arith.constant 80 : i32
      %mul3A_140 = arith.muli %add3A_41, %mul3A_139 : i32
      "tpu.region"() ({
        %run_scoped3A = tpu.sem_alloc : memref<!tpu.dma_semaphore, #tpu.memory_space<semaphore_mem>>
        %dma_start3A_141 = arith.constant 0 : i32
        %dma_start3A_142 = tpu.memref_slice %arg12[%mul3A_140, %dma_start3A_141] : memref<10000x128xf32, #tpu.memory_space<vmem_shared>> -> memref<80x128xf32, #tpu.memory_space<vmem_shared>>
        %dma_start3A_143 = arith.constant 0 : i32
        %dma_start3A_144 = tpu.memref_slice %arg12[%mul3A_140, %dma_start3A_143] : memref<10000x128xf32, #tpu.memory_space<vmem_shared>> -> memref<80x128xf32, #tpu.memory_space<vmem_shared>>
        tpu.enqueue_dma source(%arg9 : memref<80x128xf32, #tpu.memory_space<vmem>>) target(%dma_start3A_144 : memref<80x128xf32, #tpu.memory_space<vmem_shared>>) target_semaphore(%run_scoped3A : memref<!tpu.dma_semaphore, #tpu.memory_space<semaphore_mem>>)
        %dma_wait3A_145 = arith.constant 0 : i32
        %dma_wait3A_146 = tpu.memref_slice %arg12[%mul3A_140, %dma_wait3A_145] : memref<10000x128xf32, #tpu.memory_space<vmem_shared>> -> memref<80x128xf32, #tpu.memory_space<vmem_shared>>
        %dma_wait3A_147 = arith.constant 0 : i32
        %dma_wait3A_148 = tpu.memref_slice %arg12[%mul3A_140, %dma_wait3A_147] : memref<10000x128xf32, #tpu.memory_space<vmem_shared>> -> memref<80x128xf32, #tpu.memory_space<vmem_shared>>
        tpu.wait_dma2 semaphore(%run_scoped3A : memref<!tpu.dma_semaphore, #tpu.memory_space<semaphore_mem>>) src(%arg9 : memref<80x128xf32, #tpu.memory_space<vmem>>) dst(%dma_wait3A_148 : memref<80x128xf32, #tpu.memory_space<vmem_shared>>)
        tpu.yield
      }) : () -> ()
    } else {
    }
    %add3A_47 = arith.constant 112 : i32
    %add3A_48 = arith.addi %add3A_47, %arg1 : i32
    %lt3A_49 = arith.constant 125 : i32
    %lt3A_50 = arith.cmpi slt, %add3A_48, %lt3A_49 : i32
    %convert_element_type3A_51 = arith.extui %lt3A_50 : i1 to i32
    %cond3A_52 = arith.constant 0 : i32
    %cond3A_53 = arith.cmpi ne, %convert_element_type3A_51, %cond3A_52 : i32
    scf.if %cond3A_53 {
      %mul3A_139 = arith.constant 80 : i32
      %mul3A_140 = arith.muli %add3A_48, %mul3A_139 : i32
      "tpu.region"() ({
        %run_scoped3A = tpu.sem_alloc : memref<!tpu.dma_semaphore, #tpu.memory_space<semaphore_mem>>
        %dma_start3A_141 = arith.constant 0 : i32
        %dma_start3A_142 = tpu.memref_slice %arg12[%mul3A_140, %dma_start3A_141] : memref<10000x128xf32, #tpu.memory_space<vmem_shared>> -> memref<80x128xf32, #tpu.memory_space<vmem_shared>>
        %dma_start3A_143 = arith.constant 0 : i32
        %dma_start3A_144 = tpu.memref_slice %arg12[%mul3A_140, %dma_start3A_143] : memref<10000x128xf32, #tpu.memory_space<vmem_shared>> -> memref<80x128xf32, #tpu.memory_space<vmem_shared>>
        tpu.enqueue_dma source(%arg9 : memref<80x128xf32, #tpu.memory_space<vmem>>) target(%dma_start3A_144 : memref<80x128xf32, #tpu.memory_space<vmem_shared>>) target_semaphore(%run_scoped3A : memref<!tpu.dma_semaphore, #tpu.memory_space<semaphore_mem>>)
        %dma_wait3A_145 = arith.constant 0 : i32
        %dma_wait3A_146 = tpu.memref_slice %arg12[%mul3A_140, %dma_wait3A_145] : memref<10000x128xf32, #tpu.memory_space<vmem_shared>> -> memref<80x128xf32, #tpu.memory_space<vmem_shared>>
        %dma_wait3A_147 = arith.constant 0 : i32
        %dma_wait3A_148 = tpu.memref_slice %arg12[%mul3A_140, %dma_wait3A_147] : memref<10000x128xf32, #tpu.memory_space<vmem_shared>> -> memref<80x128xf32, #tpu.memory_space<vmem_shared>>
        tpu.wait_dma2 semaphore(%run_scoped3A : memref<!tpu.dma_semaphore, #tpu.memory_space<semaphore_mem>>) src(%arg9 : memref<80x128xf32, #tpu.memory_space<vmem>>) dst(%dma_wait3A_148 : memref<80x128xf32, #tpu.memory_space<vmem_shared>>)
        tpu.yield
      }) : () -> ()
    } else {
    }
    "tpu.region"() ({
      %run_scoped3A = tpu.sem_alloc : memref<!tpu.dma_semaphore, #tpu.memory_space<semaphore_mem>>
      %dma_start3A_139 = arith.constant 0 : i32
      %dma_start3A_140 = tpu.memref_slice %arg3[%add3A, %dma_start3A_139] : memref<32x10000xi32, #tpu.memory_space<hbm>> -> memref<1x10000xi32, #tpu.memory_space<hbm>>
      %dma_start3A_141 = tpu.memref_squeeze %dma_start3A_140 : memref<1x10000xi32, #tpu.memory_space<hbm>> -> memref<10000xi32, #tpu.memory_space<hbm>>
      %dma_start3A_142 = arith.constant 0 : i32
      %dma_start3A_143 = tpu.memref_slice %arg3[%add3A, %dma_start3A_142] : memref<32x10000xi32, #tpu.memory_space<hbm>> -> memref<1x10000xi32, #tpu.memory_space<hbm>>
      %dma_start3A_144 = tpu.memref_squeeze %dma_start3A_143 : memref<1x10000xi32, #tpu.memory_space<hbm>> -> memref<10000xi32, #tpu.memory_space<hbm>>
      tpu.enqueue_dma source(%dma_start3A_144 : memref<10000xi32, #tpu.memory_space<hbm>>) target(%arg7 : memref<10000xi32, #tpu.memory_space<vmem>>) target_semaphore(%run_scoped3A : memref<!tpu.dma_semaphore, #tpu.memory_space<semaphore_mem>>)
      %dma_wait3A_145 = arith.constant 0 : i32
      %dma_wait3A_146 = tpu.memref_slice %arg3[%add3A, %dma_wait3A_145] : memref<32x10000xi32, #tpu.memory_space<hbm>> -> memref<1x10000xi32, #tpu.memory_space<hbm>>
      %dma_wait3A_147 = tpu.memref_squeeze %dma_wait3A_146 : memref<1x10000xi32, #tpu.memory_space<hbm>> -> memref<10000xi32, #tpu.memory_space<hbm>>
      %dma_wait3A_148 = arith.constant 0 : i32
      %dma_wait3A_149 = tpu.memref_slice %arg3[%add3A, %dma_wait3A_148] : memref<32x10000xi32, #tpu.memory_space<hbm>> -> memref<1x10000xi32, #tpu.memory_space<hbm>>
      %dma_wait3A_150 = tpu.memref_squeeze %dma_wait3A_149 : memref<1x10000xi32, #tpu.memory_space<hbm>> -> memref<10000xi32, #tpu.memory_space<hbm>>
      tpu.wait_dma2 semaphore(%run_scoped3A : memref<!tpu.dma_semaphore, #tpu.memory_space<semaphore_mem>>) src(%dma_wait3A_150 : memref<10000xi32, #tpu.memory_space<hbm>>) dst(%arg7 : memref<10000xi32, #tpu.memory_space<vmem>>)
      tpu.yield
    }) : () -> ()
    "tpu.region"() ({
      %run_scoped3A = tpu.sem_alloc : memref<!tpu.dma_semaphore, #tpu.memory_space<semaphore_mem>>
      %dma_start3A_139 = arith.constant 0 : i32
      %dma_start3A_140 = tpu.memref_slice %arg4[%add3A, %dma_start3A_139] : memref<32x10000xi32, #tpu.memory_space<hbm>> -> memref<1x10000xi32, #tpu.memory_space<hbm>>
      %dma_start3A_141 = tpu.memref_squeeze %dma_start3A_140 : memref<1x10000xi32, #tpu.memory_space<hbm>> -> memref<10000xi32, #tpu.memory_space<hbm>>
      %dma_start3A_142 = arith.constant 0 : i32
      %dma_start3A_143 = tpu.memref_slice %arg4[%add3A, %dma_start3A_142] : memref<32x10000xi32, #tpu.memory_space<hbm>> -> memref<1x10000xi32, #tpu.memory_space<hbm>>
      %dma_start3A_144 = tpu.memref_squeeze %dma_start3A_143 : memref<1x10000xi32, #tpu.memory_space<hbm>> -> memref<10000xi32, #tpu.memory_space<hbm>>
      tpu.enqueue_dma source(%dma_start3A_144 : memref<10000xi32, #tpu.memory_space<hbm>>) target(%arg8 : memref<10000xi32, #tpu.memory_space<vmem>>) target_semaphore(%run_scoped3A : memref<!tpu.dma_semaphore, #tpu.memory_space<semaphore_mem>>)
      %dma_wait3A_145 = arith.constant 0 : i32
      %dma_wait3A_146 = tpu.memref_slice %arg4[%add3A, %dma_wait3A_145] : memref<32x10000xi32, #tpu.memory_space<hbm>> -> memref<1x10000xi32, #tpu.memory_space<hbm>>
      %dma_wait3A_147 = tpu.memref_squeeze %dma_wait3A_146 : memref<1x10000xi32, #tpu.memory_space<hbm>> -> memref<10000xi32, #tpu.memory_space<hbm>>
      %dma_wait3A_148 = arith.constant 0 : i32
      %dma_wait3A_149 = tpu.memref_slice %arg4[%add3A, %dma_wait3A_148] : memref<32x10000xi32, #tpu.memory_space<hbm>> -> memref<1x10000xi32, #tpu.memory_space<hbm>>
      %dma_wait3A_150 = tpu.memref_squeeze %dma_wait3A_149 : memref<1x10000xi32, #tpu.memory_space<hbm>> -> memref<10000xi32, #tpu.memory_space<hbm>>
      tpu.wait_dma2 semaphore(%run_scoped3A : memref<!tpu.dma_semaphore, #tpu.memory_space<semaphore_mem>>) src(%dma_wait3A_150 : memref<10000xi32, #tpu.memory_space<hbm>>) dst(%arg8 : memref<10000xi32, #tpu.memory_space<vmem>>)
      tpu.yield
    }) : () -> ()
    %barrier3A = arith.constant 0 : index
    tpu.barrier barrier_id(%barrier3A)
    %dma_start3A = arith.constant 0 : i32
    %dma_start3A_54 = tpu.memref_slice %arg7[%dma_start3A] : memref<10000xi32, #tpu.memory_space<vmem>> -> memref<80xi32, #tpu.memory_space<vmem>>
    %dma_start3A_55 = arith.constant 0 : i32
    %dma_start3A_56 = arith.constant 0 : i32
    %dma_start3A_57 = tpu.memref_slice %arg2[%dma_start3A_55, %dma_start3A_56] : memref<10000x128xf32, #tpu.memory_space<hbm>> -> memref<10000x128xf32, #tpu.memory_space<hbm>>
    tpu.enqueue_indirect_dma source(%dma_start3A_57 : memref<10000x128xf32, #tpu.memory_space<hbm>>) target(%arg9 : memref<80x128xf32, #tpu.memory_space<vmem>>) offsets(%dma_start3A_54 : memref<80xi32, #tpu.memory_space<vmem>>) semaphore(%arg13 : memref<!tpu.dma_semaphore, #tpu.memory_space<semaphore_mem>>)
    %dma_start3A_58 = arith.constant 80 : i32
    %dma_start3A_59 = tpu.memref_slice %arg7[%dma_start3A_58] : memref<10000xi32, #tpu.memory_space<vmem>> -> memref<80xi32, #tpu.memory_space<vmem>>
    %dma_start3A_60 = arith.constant 0 : i32
    %dma_start3A_61 = arith.constant 0 : i32
    %dma_start3A_62 = tpu.memref_slice %arg2[%dma_start3A_60, %dma_start3A_61] : memref<10000x128xf32, #tpu.memory_space<hbm>> -> memref<10000x128xf32, #tpu.memory_space<hbm>>
    tpu.enqueue_indirect_dma source(%dma_start3A_62 : memref<10000x128xf32, #tpu.memory_space<hbm>>) target(%arg10 : memref<80x128xf32, #tpu.memory_space<vmem>>) offsets(%dma_start3A_59 : memref<80xi32, #tpu.memory_space<vmem>>) semaphore(%arg14 : memref<!tpu.dma_semaphore, #tpu.memory_space<semaphore_mem>>)
    %dma_start3A_63 = arith.constant 160 : i32
    %dma_start3A_64 = tpu.memref_slice %arg7[%dma_start3A_63] : memref<10000xi32, #tpu.memory_space<vmem>> -> memref<80xi32, #tpu.memory_space<vmem>>
    %dma_start3A_65 = arith.constant 0 : i32
    %dma_start3A_66 = arith.constant 0 : i32
    %dma_start3A_67 = tpu.memref_slice %arg2[%dma_start3A_65, %dma_start3A_66] : memref<10000x128xf32, #tpu.memory_space<hbm>> -> memref<10000x128xf32, #tpu.memory_space<hbm>>
    tpu.enqueue_indirect_dma source(%dma_start3A_67 : memref<10000x128xf32, #tpu.memory_space<hbm>>) target(%arg11 : memref<80x128xf32, #tpu.memory_space<vmem>>) offsets(%dma_start3A_64 : memref<80xi32, #tpu.memory_space<vmem>>) semaphore(%arg15 : memref<!tpu.dma_semaphore, #tpu.memory_space<semaphore_mem>>)
    %scan3A = arith.constant 0 : i32
    %scan3A_68 = arith.constant 0 : i32
    %scan3A_69 = arith.constant 41 : i32
    %scan3A_70 = arith.addi %scan3A_68, %scan3A_69 : i32
    %scan3A_71 = arith.constant 1 : i32
    scf.for %scan3A_139 = %scan3A_68 to %scan3A_70 step %scan3A_71  : i32 {
      %mul3A_140 = arith.constant 3 : i32
      %mul3A_141 = arith.muli %scan3A_139, %mul3A_140 : i32
      %add3A_142 = arith.constant 0 : i32
      %add3A_143 = arith.addi %mul3A_141, %add3A_142 : i32
      %mul3A_144 = arith.constant 80 : i32
      %mul3A_145 = arith.muli %add3A_143, %mul3A_144 : i32
      %dma_wait3A_146 = tpu.memref_slice %arg7[%mul3A_145] : memref<10000xi32, #tpu.memory_space<vmem>> -> memref<80xi32, #tpu.memory_space<vmem>>
      %dma_wait3A_147 = arith.constant 0 : i32
      %dma_wait3A_148 = arith.constant 0 : i32
      %dma_wait3A_149 = tpu.memref_slice %arg2[%dma_wait3A_147, %dma_wait3A_148] : memref<10000x128xf32, #tpu.memory_space<hbm>> -> memref<10000x128xf32, #tpu.memory_space<hbm>>
      tpu.wait_indirect_dma semaphore(%arg13 : memref<!tpu.dma_semaphore, #tpu.memory_space<semaphore_mem>>) src(%dma_wait3A_149 : memref<10000x128xf32, #tpu.memory_space<hbm>>) dst(%arg9 : memref<80x128xf32, #tpu.memory_space<vmem>>)
      %mul3A_150 = arith.constant 80 : i32
      %mul3A_151 = arith.muli %add3A_143, %mul3A_150 : i32
      "tpu.region"() ({
        %run_scoped3A = tpu.sem_alloc : memref<!tpu.dma_semaphore, #tpu.memory_space<semaphore_mem>>
        %dma_start3A_197 = tpu.memref_slice %arg8[%mul3A_151] : memref<10000xi32, #tpu.memory_space<vmem>> -> memref<80xi32, #tpu.memory_space<vmem>>
        %dma_start3A_198 = arith.constant 0 : i32
        %dma_start3A_199 = arith.constant 0 : i32
        %dma_start3A_200 = tpu.memref_slice %arg12[%dma_start3A_198, %dma_start3A_199] : memref<10000x128xf32, #tpu.memory_space<vmem_shared>> -> memref<10000x128xf32, #tpu.memory_space<vmem_shared>>
        tpu.enqueue_indirect_dma source(%arg9 : memref<80x128xf32, #tpu.memory_space<vmem>>) target(%dma_start3A_200 : memref<10000x128xf32, #tpu.memory_space<vmem_shared>>) offsets(%dma_start3A_197 : memref<80xi32, #tpu.memory_space<vmem>>) semaphore(%run_scoped3A : memref<!tpu.dma_semaphore, #tpu.memory_space<semaphore_mem>>) {add = true}
        %dma_wait3A_201 = tpu.memref_slice %arg8[%mul3A_151] : memref<10000xi32, #tpu.memory_space<vmem>> -> memref<80xi32, #tpu.memory_space<vmem>>
        %dma_wait3A_202 = arith.constant 0 : i32
        %dma_wait3A_203 = arith.constant 0 : i32
        %dma_wait3A_204 = tpu.memref_slice %arg12[%dma_wait3A_202, %dma_wait3A_203] : memref<10000x128xf32, #tpu.memory_space<vmem_shared>> -> memref<10000x128xf32, #tpu.memory_space<vmem_shared>>
        tpu.wait_indirect_dma semaphore(%run_scoped3A : memref<!tpu.dma_semaphore, #tpu.memory_space<semaphore_mem>>) src(%arg9 : memref<80x128xf32, #tpu.memory_space<vmem>>) dst(%dma_wait3A_204 : memref<10000x128xf32, #tpu.memory_space<vmem_shared>>)
        tpu.yield
      }) : () -> ()
      %add3A_152 = arith.constant 3 : i32
      %add3A_153 = arith.addi %add3A_143, %add3A_152 : i32
      %lt3A_154 = arith.constant 125 : i32
      %lt3A_155 = arith.cmpi slt, %add3A_153, %lt3A_154 : i32
      %convert_element_type3A_156 = arith.extui %lt3A_155 : i1 to i32
      %cond3A_157 = arith.constant 0 : i32
      %cond3A_158 = arith.cmpi ne, %convert_element_type3A_156, %cond3A_157 : i32
      scf.if %cond3A_158 {
        %mul3A_197 = arith.constant 80 : i32
        %mul3A_198 = arith.muli %add3A_153, %mul3A_197 : i32
        %dma_start3A_199 = tpu.memref_slice %arg7[%mul3A_198] : memref<10000xi32, #tpu.memory_space<vmem>> -> memref<80xi32, #tpu.memory_space<vmem>>
        %dma_start3A_200 = arith.constant 0 : i32
        %dma_start3A_201 = arith.constant 0 : i32
        %dma_start3A_202 = tpu.memref_slice %arg2[%dma_start3A_200, %dma_start3A_201] : memref<10000x128xf32, #tpu.memory_space<hbm>> -> memref<10000x128xf32, #tpu.memory_space<hbm>>
        tpu.enqueue_indirect_dma source(%dma_start3A_202 : memref<10000x128xf32, #tpu.memory_space<hbm>>) target(%arg9 : memref<80x128xf32, #tpu.memory_space<vmem>>) offsets(%dma_start3A_199 : memref<80xi32, #tpu.memory_space<vmem>>) semaphore(%arg13 : memref<!tpu.dma_semaphore, #tpu.memory_space<semaphore_mem>>)
      } else {
      }
      %mul3A_159 = arith.constant 3 : i32
      %mul3A_160 = arith.muli %scan3A_139, %mul3A_159 : i32
      %add3A_161 = arith.constant 1 : i32
      %add3A_162 = arith.addi %mul3A_160, %add3A_161 : i32
      %mul3A_163 = arith.constant 80 : i32
      %mul3A_164 = arith.muli %add3A_162, %mul3A_163 : i32
      %dma_wait3A_165 = tpu.memref_slice %arg7[%mul3A_164] : memref<10000xi32, #tpu.memory_space<vmem>> -> memref<80xi32, #tpu.memory_space<vmem>>
      %dma_wait3A_166 = arith.constant 0 : i32
      %dma_wait3A_167 = arith.constant 0 : i32
      %dma_wait3A_168 = tpu.memref_slice %arg2[%dma_wait3A_166, %dma_wait3A_167] : memref<10000x128xf32, #tpu.memory_space<hbm>> -> memref<10000x128xf32, #tpu.memory_space<hbm>>
      tpu.wait_indirect_dma semaphore(%arg14 : memref<!tpu.dma_semaphore, #tpu.memory_space<semaphore_mem>>) src(%dma_wait3A_168 : memref<10000x128xf32, #tpu.memory_space<hbm>>) dst(%arg10 : memref<80x128xf32, #tpu.memory_space<vmem>>)
      %mul3A_169 = arith.constant 80 : i32
      %mul3A_170 = arith.muli %add3A_162, %mul3A_169 : i32
      "tpu.region"() ({
        %run_scoped3A = tpu.sem_alloc : memref<!tpu.dma_semaphore, #tpu.memory_space<semaphore_mem>>
        %dma_start3A_197 = tpu.memref_slice %arg8[%mul3A_170] : memref<10000xi32, #tpu.memory_space<vmem>> -> memref<80xi32, #tpu.memory_space<vmem>>
        %dma_start3A_198 = arith.constant 0 : i32
        %dma_start3A_199 = arith.constant 0 : i32
        %dma_start3A_200 = tpu.memref_slice %arg12[%dma_start3A_198, %dma_start3A_199] : memref<10000x128xf32, #tpu.memory_space<vmem_shared>> -> memref<10000x128xf32, #tpu.memory_space<vmem_shared>>
        tpu.enqueue_indirect_dma source(%arg10 : memref<80x128xf32, #tpu.memory_space<vmem>>) target(%dma_start3A_200 : memref<10000x128xf32, #tpu.memory_space<vmem_shared>>) offsets(%dma_start3A_197 : memref<80xi32, #tpu.memory_space<vmem>>) semaphore(%run_scoped3A : memref<!tpu.dma_semaphore, #tpu.memory_space<semaphore_mem>>) {add = true}
        %dma_wait3A_201 = tpu.memref_slice %arg8[%mul3A_170] : memref<10000xi32, #tpu.memory_space<vmem>> -> memref<80xi32, #tpu.memory_space<vmem>>
        %dma_wait3A_202 = arith.constant 0 : i32
        %dma_wait3A_203 = arith.constant 0 : i32
        %dma_wait3A_204 = tpu.memref_slice %arg12[%dma_wait3A_202, %dma_wait3A_203] : memref<10000x128xf32, #tpu.memory_space<vmem_shared>> -> memref<10000x128xf32, #tpu.memory_space<vmem_shared>>
        tpu.wait_indirect_dma semaphore(%run_scoped3A : memref<!tpu.dma_semaphore, #tpu.memory_space<semaphore_mem>>) src(%arg10 : memref<80x128xf32, #tpu.memory_space<vmem>>) dst(%dma_wait3A_204 : memref<10000x128xf32, #tpu.memory_space<vmem_shared>>)
        tpu.yield
      }) : () -> ()
      %add3A_171 = arith.constant 3 : i32
      %add3A_172 = arith.addi %add3A_162, %add3A_171 : i32
      %lt3A_173 = arith.constant 125 : i32
      %lt3A_174 = arith.cmpi slt, %add3A_172, %lt3A_173 : i32
      %convert_element_type3A_175 = arith.extui %lt3A_174 : i1 to i32
      %cond3A_176 = arith.constant 0 : i32
      %cond3A_177 = arith.cmpi ne, %convert_element_type3A_175, %cond3A_176 : i32
      scf.if %cond3A_177 {
        %mul3A_197 = arith.constant 80 : i32
        %mul3A_198 = arith.muli %add3A_172, %mul3A_197 : i32
        %dma_start3A_199 = tpu.memref_slice %arg7[%mul3A_198] : memref<10000xi32, #tpu.memory_space<vmem>> -> memref<80xi32, #tpu.memory_space<vmem>>
        %dma_start3A_200 = arith.constant 0 : i32
        %dma_start3A_201 = arith.constant 0 : i32
        %dma_start3A_202 = tpu.memref_slice %arg2[%dma_start3A_200, %dma_start3A_201] : memref<10000x128xf32, #tpu.memory_space<hbm>> -> memref<10000x128xf32, #tpu.memory_space<hbm>>
        tpu.enqueue_indirect_dma source(%dma_start3A_202 : memref<10000x128xf32, #tpu.memory_space<hbm>>) target(%arg10 : memref<80x128xf32, #tpu.memory_space<vmem>>) offsets(%dma_start3A_199 : memref<80xi32, #tpu.memory_space<vmem>>) semaphore(%arg14 : memref<!tpu.dma_semaphore, #tpu.memory_space<semaphore_mem>>)
      } else {
      }
      %mul3A_178 = arith.constant 3 : i32
      %mul3A_179 = arith.muli %scan3A_139, %mul3A_178 : i32
      %add3A_180 = arith.constant 2 : i32
      %add3A_181 = arith.addi %mul3A_179, %add3A_180 : i32
      %mul3A_182 = arith.constant 80 : i32
      %mul3A_183 = arith.muli %add3A_181, %mul3A_182 : i32
      %dma_wait3A_184 = tpu.memref_slice %arg7[%mul3A_183] : memref<10000xi32, #tpu.memory_space<vmem>> -> memref<80xi32, #tpu.memory_space<vmem>>
      %dma_wait3A_185 = arith.constant 0 : i32
      %dma_wait3A_186 = arith.constant 0 : i32
      %dma_wait3A_187 = tpu.memref_slice %arg2[%dma_wait3A_185, %dma_wait3A_186] : memref<10000x128xf32, #tpu.memory_space<hbm>> -> memref<10000x128xf32, #tpu.memory_space<hbm>>
      tpu.wait_indirect_dma semaphore(%arg15 : memref<!tpu.dma_semaphore, #tpu.memory_space<semaphore_mem>>) src(%dma_wait3A_187 : memref<10000x128xf32, #tpu.memory_space<hbm>>) dst(%arg11 : memref<80x128xf32, #tpu.memory_space<vmem>>)
      %mul3A_188 = arith.constant 80 : i32
      %mul3A_189 = arith.muli %add3A_181, %mul3A_188 : i32
      "tpu.region"() ({
        %run_scoped3A = tpu.sem_alloc : memref<!tpu.dma_semaphore, #tpu.memory_space<semaphore_mem>>
        %dma_start3A_197 = tpu.memref_slice %arg8[%mul3A_189] : memref<10000xi32, #tpu.memory_space<vmem>> -> memref<80xi32, #tpu.memory_space<vmem>>
        %dma_start3A_198 = arith.constant 0 : i32
        %dma_start3A_199 = arith.constant 0 : i32
        %dma_start3A_200 = tpu.memref_slice %arg12[%dma_start3A_198, %dma_start3A_199] : memref<10000x128xf32, #tpu.memory_space<vmem_shared>> -> memref<10000x128xf32, #tpu.memory_space<vmem_shared>>
        tpu.enqueue_indirect_dma source(%arg11 : memref<80x128xf32, #tpu.memory_space<vmem>>) target(%dma_start3A_200 : memref<10000x128xf32, #tpu.memory_space<vmem_shared>>) offsets(%dma_start3A_197 : memref<80xi32, #tpu.memory_space<vmem>>) semaphore(%run_scoped3A : memref<!tpu.dma_semaphore, #tpu.memory_space<semaphore_mem>>) {add = true}
        %dma_wait3A_201 = tpu.memref_slice %arg8[%mul3A_189] : memref<10000xi32, #tpu.memory_space<vmem>> -> memref<80xi32, #tpu.memory_space<vmem>>
        %dma_wait3A_202 = arith.constant 0 : i32
        %dma_wait3A_203 = arith.constant 0 : i32
        %dma_wait3A_204 = tpu.memref_slice %arg12[%dma_wait3A_202, %dma_wait3A_203] : memref<10000x128xf32, #tpu.memory_space<vmem_shared>> -> memref<10000x128xf32, #tpu.memory_space<vmem_shared>>
        tpu.wait_indirect_dma semaphore(%run_scoped3A : memref<!tpu.dma_semaphore, #tpu.memory_space<semaphore_mem>>) src(%arg11 : memref<80x128xf32, #tpu.memory_space<vmem>>) dst(%dma_wait3A_204 : memref<10000x128xf32, #tpu.memory_space<vmem_shared>>)
        tpu.yield
      }) : () -> ()
      %add3A_190 = arith.constant 3 : i32
      %add3A_191 = arith.addi %add3A_181, %add3A_190 : i32
      %lt3A_192 = arith.constant 125 : i32
      %lt3A_193 = arith.cmpi slt, %add3A_191, %lt3A_192 : i32
      %convert_element_type3A_194 = arith.extui %lt3A_193 : i1 to i32
      %cond3A_195 = arith.constant 0 : i32
      %cond3A_196 = arith.cmpi ne, %convert_element_type3A_194, %cond3A_195 : i32
      scf.if %cond3A_196 {
        %mul3A_197 = arith.constant 80 : i32
        %mul3A_198 = arith.muli %add3A_191, %mul3A_197 : i32
        %dma_start3A_199 = tpu.memref_slice %arg7[%mul3A_198] : memref<10000xi32, #tpu.memory_space<vmem>> -> memref<80xi32, #tpu.memory_space<vmem>>
        %dma_start3A_200 = arith.constant 0 : i32
        %dma_start3A_201 = arith.constant 0 : i32
        %dma_start3A_202 = tpu.memref_slice %arg2[%dma_start3A_200, %dma_start3A_201] : memref<10000x128xf32, #tpu.memory_space<hbm>> -> memref<10000x128xf32, #tpu.memory_space<hbm>>
        tpu.enqueue_indirect_dma source(%dma_start3A_202 : memref<10000x128xf32, #tpu.memory_space<hbm>>) target(%arg11 : memref<80x128xf32, #tpu.memory_space<vmem>>) offsets(%dma_start3A_199 : memref<80xi32, #tpu.memory_space<vmem>>) semaphore(%arg15 : memref<!tpu.dma_semaphore, #tpu.memory_space<semaphore_mem>>)
      } else {
      }
    }
    %scan3A_72 = arith.constant 41 : i32
    %dma_wait3A = arith.constant 9840 : i32
    %dma_wait3A_73 = tpu.memref_slice %arg7[%dma_wait3A] : memref<10000xi32, #tpu.memory_space<vmem>> -> memref<80xi32, #tpu.memory_space<vmem>>
    %dma_wait3A_74 = arith.constant 0 : i32
    %dma_wait3A_75 = arith.constant 0 : i32
    %dma_wait3A_76 = tpu.memref_slice %arg2[%dma_wait3A_74, %dma_wait3A_75] : memref<10000x128xf32, #tpu.memory_space<hbm>> -> memref<10000x128xf32, #tpu.memory_space<hbm>>
    tpu.wait_indirect_dma semaphore(%arg13 : memref<!tpu.dma_semaphore, #tpu.memory_space<semaphore_mem>>) src(%dma_wait3A_76 : memref<10000x128xf32, #tpu.memory_space<hbm>>) dst(%arg9 : memref<80x128xf32, #tpu.memory_space<vmem>>)
    "tpu.region"() ({
      %run_scoped3A = tpu.sem_alloc : memref<!tpu.dma_semaphore, #tpu.memory_space<semaphore_mem>>
      %dma_start3A_139 = arith.constant 9840 : i32
      %dma_start3A_140 = tpu.memref_slice %arg8[%dma_start3A_139] : memref<10000xi32, #tpu.memory_space<vmem>> -> memref<80xi32, #tpu.memory_space<vmem>>
      %dma_start3A_141 = arith.constant 0 : i32
      %dma_start3A_142 = arith.constant 0 : i32
      %dma_start3A_143 = tpu.memref_slice %arg12[%dma_start3A_141, %dma_start3A_142] : memref<10000x128xf32, #tpu.memory_space<vmem_shared>> -> memref<10000x128xf32, #tpu.memory_space<vmem_shared>>
      tpu.enqueue_indirect_dma source(%arg9 : memref<80x128xf32, #tpu.memory_space<vmem>>) target(%dma_start3A_143 : memref<10000x128xf32, #tpu.memory_space<vmem_shared>>) offsets(%dma_start3A_140 : memref<80xi32, #tpu.memory_space<vmem>>) semaphore(%run_scoped3A : memref<!tpu.dma_semaphore, #tpu.memory_space<semaphore_mem>>) {add = true}
      %dma_wait3A_144 = arith.constant 9840 : i32
      %dma_wait3A_145 = tpu.memref_slice %arg8[%dma_wait3A_144] : memref<10000xi32, #tpu.memory_space<vmem>> -> memref<80xi32, #tpu.memory_space<vmem>>
      %dma_wait3A_146 = arith.constant 0 : i32
      %dma_wait3A_147 = arith.constant 0 : i32
      %dma_wait3A_148 = tpu.memref_slice %arg12[%dma_wait3A_146, %dma_wait3A_147] : memref<10000x128xf32, #tpu.memory_space<vmem_shared>> -> memref<10000x128xf32, #tpu.memory_space<vmem_shared>>
      tpu.wait_indirect_dma semaphore(%run_scoped3A : memref<!tpu.dma_semaphore, #tpu.memory_space<semaphore_mem>>) src(%arg9 : memref<80x128xf32, #tpu.memory_space<vmem>>) dst(%dma_wait3A_148 : memref<10000x128xf32, #tpu.memory_space<vmem_shared>>)
      tpu.yield
    }) : () -> ()
    %dma_wait3A_77 = arith.constant 9920 : i32
    %dma_wait3A_78 = tpu.memref_slice %arg7[%dma_wait3A_77] : memref<10000xi32, #tpu.memory_space<vmem>> -> memref<80xi32, #tpu.memory_space<vmem>>
    %dma_wait3A_79 = arith.constant 0 : i32
    %dma_wait3A_80 = arith.constant 0 : i32
    %dma_wait3A_81 = tpu.memref_slice %arg2[%dma_wait3A_79, %dma_wait3A_80] : memref<10000x128xf32, #tpu.memory_space<hbm>> -> memref<10000x128xf32, #tpu.memory_space<hbm>>
    tpu.wait_indirect_dma semaphore(%arg14 : memref<!tpu.dma_semaphore, #tpu.memory_space<semaphore_mem>>) src(%dma_wait3A_81 : memref<10000x128xf32, #tpu.memory_space<hbm>>) dst(%arg10 : memref<80x128xf32, #tpu.memory_space<vmem>>)
    "tpu.region"() ({
      %run_scoped3A = tpu.sem_alloc : memref<!tpu.dma_semaphore, #tpu.memory_space<semaphore_mem>>
      %dma_start3A_139 = arith.constant 9920 : i32
      %dma_start3A_140 = tpu.memref_slice %arg8[%dma_start3A_139] : memref<10000xi32, #tpu.memory_space<vmem>> -> memref<80xi32, #tpu.memory_space<vmem>>
      %dma_start3A_141 = arith.constant 0 : i32
      %dma_start3A_142 = arith.constant 0 : i32
      %dma_start3A_143 = tpu.memref_slice %arg12[%dma_start3A_141, %dma_start3A_142] : memref<10000x128xf32, #tpu.memory_space<vmem_shared>> -> memref<10000x128xf32, #tpu.memory_space<vmem_shared>>
      tpu.enqueue_indirect_dma source(%arg10 : memref<80x128xf32, #tpu.memory_space<vmem>>) target(%dma_start3A_143 : memref<10000x128xf32, #tpu.memory_space<vmem_shared>>) offsets(%dma_start3A_140 : memref<80xi32, #tpu.memory_space<vmem>>) semaphore(%run_scoped3A : memref<!tpu.dma_semaphore, #tpu.memory_space<semaphore_mem>>) {add = true}
      %dma_wait3A_144 = arith.constant 9920 : i32
      %dma_wait3A_145 = tpu.memref_slice %arg8[%dma_wait3A_144] : memref<10000xi32, #tpu.memory_space<vmem>> -> memref<80xi32, #tpu.memory_space<vmem>>
      %dma_wait3A_146 = arith.constant 0 : i32
      %dma_wait3A_147 = arith.constant 0 : i32
      %dma_wait3A_148 = tpu.memref_slice %arg12[%dma_wait3A_146, %dma_wait3A_147] : memref<10000x128xf32, #tpu.memory_space<vmem_shared>> -> memref<10000x128xf32, #tpu.memory_space<vmem_shared>>
      tpu.wait_indirect_dma semaphore(%run_scoped3A : memref<!tpu.dma_semaphore, #tpu.memory_space<semaphore_mem>>) src(%arg10 : memref<80x128xf32, #tpu.memory_space<vmem>>) dst(%dma_wait3A_148 : memref<10000x128xf32, #tpu.memory_space<vmem_shared>>)
      tpu.yield
    }) : () -> ()
    %barrier3A_82 = arith.constant 0 : index
    tpu.barrier barrier_id(%barrier3A_82)
    %add3A_83 = arith.constant 0 : i32
    %add3A_84 = arith.addi %add3A_83, %arg1 : i32
    %lt3A_85 = arith.constant 125 : i32
    %lt3A_86 = arith.cmpi slt, %add3A_84, %lt3A_85 : i32
    %convert_element_type3A_87 = arith.extui %lt3A_86 : i1 to i32
    %cond3A_88 = arith.constant 0 : i32
    %cond3A_89 = arith.cmpi ne, %convert_element_type3A_87, %cond3A_88 : i32
    scf.if %cond3A_89 {
      %mul3A_139 = arith.constant 80 : i32
      %mul3A_140 = arith.muli %add3A_84, %mul3A_139 : i32
      "tpu.region"() ({
        %run_scoped3A = tpu.sem_alloc : memref<!tpu.dma_semaphore, #tpu.memory_space<semaphore_mem>>
        %dma_start3A_141 = arith.constant 0 : i32
        %dma_start3A_142 = tpu.memref_slice %arg12[%mul3A_140, %dma_start3A_141] : memref<10000x128xf32, #tpu.memory_space<vmem_shared>> -> memref<80x128xf32, #tpu.memory_space<vmem_shared>>
        %dma_start3A_143 = arith.constant 0 : i32
        %dma_start3A_144 = tpu.memref_slice %arg12[%mul3A_140, %dma_start3A_143] : memref<10000x128xf32, #tpu.memory_space<vmem_shared>> -> memref<80x128xf32, #tpu.memory_space<vmem_shared>>
        tpu.enqueue_dma source(%dma_start3A_144 : memref<80x128xf32, #tpu.memory_space<vmem_shared>>) target(%arg9 : memref<80x128xf32, #tpu.memory_space<vmem>>) target_semaphore(%run_scoped3A : memref<!tpu.dma_semaphore, #tpu.memory_space<semaphore_mem>>)
        %dma_wait3A_145 = arith.constant 0 : i32
        %dma_wait3A_146 = tpu.memref_slice %arg12[%mul3A_140, %dma_wait3A_145] : memref<10000x128xf32, #tpu.memory_space<vmem_shared>> -> memref<80x128xf32, #tpu.memory_space<vmem_shared>>
        %dma_wait3A_147 = arith.constant 0 : i32
        %dma_wait3A_148 = tpu.memref_slice %arg12[%mul3A_140, %dma_wait3A_147] : memref<10000x128xf32, #tpu.memory_space<vmem_shared>> -> memref<80x128xf32, #tpu.memory_space<vmem_shared>>
        tpu.wait_dma2 semaphore(%run_scoped3A : memref<!tpu.dma_semaphore, #tpu.memory_space<semaphore_mem>>) src(%dma_wait3A_148 : memref<80x128xf32, #tpu.memory_space<vmem_shared>>) dst(%arg9 : memref<80x128xf32, #tpu.memory_space<vmem>>)
        tpu.yield
      }) : () -> ()
      "tpu.region"() ({
        %run_scoped3A = tpu.sem_alloc : memref<!tpu.dma_semaphore, #tpu.memory_space<semaphore_mem>>
        %dma_start3A_141 = arith.constant 0 : i32
        %dma_start3A_142 = tpu.memref_slice %arg6[%arg0, %mul3A_140, %dma_start3A_141] : memref<2x10000x128xf32, #tpu.memory_space<hbm>> -> memref<1x80x128xf32, #tpu.memory_space<hbm>>
        %dma_start3A_143 = tpu.memref_squeeze %dma_start3A_142 : memref<1x80x128xf32, #tpu.memory_space<hbm>> -> memref<80x128xf32, #tpu.memory_space<hbm>>
        %dma_start3A_144 = arith.constant 0 : i32
        %dma_start3A_145 = tpu.memref_slice %arg6[%arg0, %mul3A_140, %dma_start3A_144] : memref<2x10000x128xf32, #tpu.memory_space<hbm>> -> memref<1x80x128xf32, #tpu.memory_space<hbm>>
        %dma_start3A_146 = tpu.memref_squeeze %dma_start3A_145 : memref<1x80x128xf32, #tpu.memory_space<hbm>> -> memref<80x128xf32, #tpu.memory_space<hbm>>
        tpu.enqueue_dma source(%arg9 : memref<80x128xf32, #tpu.memory_space<vmem>>) target(%dma_start3A_146 : memref<80x128xf32, #tpu.memory_space<hbm>>) target_semaphore(%run_scoped3A : memref<!tpu.dma_semaphore, #tpu.memory_space<semaphore_mem>>)
        %dma_wait3A_147 = arith.constant 0 : i32
        %dma_wait3A_148 = tpu.memref_slice %arg6[%arg0, %mul3A_140, %dma_wait3A_147] : memref<2x10000x128xf32, #tpu.memory_space<hbm>> -> memref<1x80x128xf32, #tpu.memory_space<hbm>>
        %dma_wait3A_149 = tpu.memref_squeeze %dma_wait3A_148 : memref<1x80x128xf32, #tpu.memory_space<hbm>> -> memref<80x128xf32, #tpu.memory_space<hbm>>
        %dma_wait3A_150 = arith.constant 0 : i32
        %dma_wait3A_151 = tpu.memref_slice %arg6[%arg0, %mul3A_140, %dma_wait3A_150] : memref<2x10000x128xf32, #tpu.memory_space<hbm>> -> memref<1x80x128xf32, #tpu.memory_space<hbm>>
        %dma_wait3A_152 = tpu.memref_squeeze %dma_wait3A_151 : memref<1x80x128xf32, #tpu.memory_space<hbm>> -> memref<80x128xf32, #tpu.memory_space<hbm>>
        tpu.wait_dma2 semaphore(%run_scoped3A : memref<!tpu.dma_semaphore, #tpu.memory_space<semaphore_mem>>) src(%arg9 : memref<80x128xf32, #tpu.memory_space<vmem>>) dst(%dma_wait3A_152 : memref<80x128xf32, #tpu.memory_space<hbm>>)
        tpu.yield
      }) : () -> ()
    } else {
    }
    %add3A_90 = arith.constant 16 : i32
    %add3A_91 = arith.addi %add3A_90, %arg1 : i32
    %lt3A_92 = arith.constant 125 : i32
    %lt3A_93 = arith.cmpi slt, %add3A_91, %lt3A_92 : i32
    %convert_element_type3A_94 = arith.extui %lt3A_93 : i1 to i32
    %cond3A_95 = arith.constant 0 : i32
    %cond3A_96 = arith.cmpi ne, %convert_element_type3A_94, %cond3A_95 : i32
    scf.if %cond3A_96 {
      %mul3A_139 = arith.constant 80 : i32
      %mul3A_140 = arith.muli %add3A_91, %mul3A_139 : i32
      "tpu.region"() ({
        %run_scoped3A = tpu.sem_alloc : memref<!tpu.dma_semaphore, #tpu.memory_space<semaphore_mem>>
        %dma_start3A_141 = arith.constant 0 : i32
        %dma_start3A_142 = tpu.memref_slice %arg12[%mul3A_140, %dma_start3A_141] : memref<10000x128xf32, #tpu.memory_space<vmem_shared>> -> memref<80x128xf32, #tpu.memory_space<vmem_shared>>
        %dma_start3A_143 = arith.constant 0 : i32
        %dma_start3A_144 = tpu.memref_slice %arg12[%mul3A_140, %dma_start3A_143] : memref<10000x128xf32, #tpu.memory_space<vmem_shared>> -> memref<80x128xf32, #tpu.memory_space<vmem_shared>>
        tpu.enqueue_dma source(%dma_start3A_144 : memref<80x128xf32, #tpu.memory_space<vmem_shared>>) target(%arg9 : memref<80x128xf32, #tpu.memory_space<vmem>>) target_semaphore(%run_scoped3A : memref<!tpu.dma_semaphore, #tpu.memory_space<semaphore_mem>>)
        %dma_wait3A_145 = arith.constant 0 : i32
        %dma_wait3A_146 = tpu.memref_slice %arg12[%mul3A_140, %dma_wait3A_145] : memref<10000x128xf32, #tpu.memory_space<vmem_shared>> -> memref<80x128xf32, #tpu.memory_space<vmem_shared>>
        %dma_wait3A_147 = arith.constant 0 : i32
        %dma_wait3A_148 = tpu.memref_slice %arg12[%mul3A_140, %dma_wait3A_147] : memref<10000x128xf32, #tpu.memory_space<vmem_shared>> -> memref<80x128xf32, #tpu.memory_space<vmem_shared>>
        tpu.wait_dma2 semaphore(%run_scoped3A : memref<!tpu.dma_semaphore, #tpu.memory_space<semaphore_mem>>) src(%dma_wait3A_148 : memref<80x128xf32, #tpu.memory_space<vmem_shared>>) dst(%arg9 : memref<80x128xf32, #tpu.memory_space<vmem>>)
        tpu.yield
      }) : () -> ()
      "tpu.region"() ({
        %run_scoped3A = tpu.sem_alloc : memref<!tpu.dma_semaphore, #tpu.memory_space<semaphore_mem>>
        %dma_start3A_141 = arith.constant 0 : i32
        %dma_start3A_142 = tpu.memref_slice %arg6[%arg0, %mul3A_140, %dma_start3A_141] : memref<2x10000x128xf32, #tpu.memory_space<hbm>> -> memref<1x80x128xf32, #tpu.memory_space<hbm>>
        %dma_start3A_143 = tpu.memref_squeeze %dma_start3A_142 : memref<1x80x128xf32, #tpu.memory_space<hbm>> -> memref<80x128xf32, #tpu.memory_space<hbm>>
        %dma_start3A_144 = arith.constant 0 : i32
        %dma_start3A_145 = tpu.memref_slice %arg6[%arg0, %mul3A_140, %dma_start3A_144] : memref<2x10000x128xf32, #tpu.memory_space<hbm>> -> memref<1x80x128xf32, #tpu.memory_space<hbm>>
        %dma_start3A_146 = tpu.memref_squeeze %dma_start3A_145 : memref<1x80x128xf32, #tpu.memory_space<hbm>> -> memref<80x128xf32, #tpu.memory_space<hbm>>
        tpu.enqueue_dma source(%arg9 : memref<80x128xf32, #tpu.memory_space<vmem>>) target(%dma_start3A_146 : memref<80x128xf32, #tpu.memory_space<hbm>>) target_semaphore(%run_scoped3A : memref<!tpu.dma_semaphore, #tpu.memory_space<semaphore_mem>>)
        %dma_wait3A_147 = arith.constant 0 : i32
        %dma_wait3A_148 = tpu.memref_slice %arg6[%arg0, %mul3A_140, %dma_wait3A_147] : memref<2x10000x128xf32, #tpu.memory_space<hbm>> -> memref<1x80x128xf32, #tpu.memory_space<hbm>>
        %dma_wait3A_149 = tpu.memref_squeeze %dma_wait3A_148 : memref<1x80x128xf32, #tpu.memory_space<hbm>> -> memref<80x128xf32, #tpu.memory_space<hbm>>
        %dma_wait3A_150 = arith.constant 0 : i32
        %dma_wait3A_151 = tpu.memref_slice %arg6[%arg0, %mul3A_140, %dma_wait3A_150] : memref<2x10000x128xf32, #tpu.memory_space<hbm>> -> memref<1x80x128xf32, #tpu.memory_space<hbm>>
        %dma_wait3A_152 = tpu.memref_squeeze %dma_wait3A_151 : memref<1x80x128xf32, #tpu.memory_space<hbm>> -> memref<80x128xf32, #tpu.memory_space<hbm>>
        tpu.wait_dma2 semaphore(%run_scoped3A : memref<!tpu.dma_semaphore, #tpu.memory_space<semaphore_mem>>) src(%arg9 : memref<80x128xf32, #tpu.memory_space<vmem>>) dst(%dma_wait3A_152 : memref<80x128xf32, #tpu.memory_space<hbm>>)
        tpu.yield
      }) : () -> ()
    } else {
    }
    %add3A_97 = arith.constant 32 : i32
    %add3A_98 = arith.addi %add3A_97, %arg1 : i32
    %lt3A_99 = arith.constant 125 : i32
    %lt3A_100 = arith.cmpi slt, %add3A_98, %lt3A_99 : i32
    %convert_element_type3A_101 = arith.extui %lt3A_100 : i1 to i32
    %cond3A_102 = arith.constant 0 : i32
    %cond3A_103 = arith.cmpi ne, %convert_element_type3A_101, %cond3A_102 : i32
    scf.if %cond3A_103 {
      %mul3A_139 = arith.constant 80 : i32
      %mul3A_140 = arith.muli %add3A_98, %mul3A_139 : i32
      "tpu.region"() ({
        %run_scoped3A = tpu.sem_alloc : memref<!tpu.dma_semaphore, #tpu.memory_space<semaphore_mem>>
        %dma_start3A_141 = arith.constant 0 : i32
        %dma_start3A_142 = tpu.memref_slice %arg12[%mul3A_140, %dma_start3A_141] : memref<10000x128xf32, #tpu.memory_space<vmem_shared>> -> memref<80x128xf32, #tpu.memory_space<vmem_shared>>
        %dma_start3A_143 = arith.constant 0 : i32
        %dma_start3A_144 = tpu.memref_slice %arg12[%mul3A_140, %dma_start3A_143] : memref<10000x128xf32, #tpu.memory_space<vmem_shared>> -> memref<80x128xf32, #tpu.memory_space<vmem_shared>>
        tpu.enqueue_dma source(%dma_start3A_144 : memref<80x128xf32, #tpu.memory_space<vmem_shared>>) target(%arg9 : memref<80x128xf32, #tpu.memory_space<vmem>>) target_semaphore(%run_scoped3A : memref<!tpu.dma_semaphore, #tpu.memory_space<semaphore_mem>>)
        %dma_wait3A_145 = arith.constant 0 : i32
        %dma_wait3A_146 = tpu.memref_slice %arg12[%mul3A_140, %dma_wait3A_145] : memref<10000x128xf32, #tpu.memory_space<vmem_shared>> -> memref<80x128xf32, #tpu.memory_space<vmem_shared>>
        %dma_wait3A_147 = arith.constant 0 : i32
        %dma_wait3A_148 = tpu.memref_slice %arg12[%mul3A_140, %dma_wait3A_147] : memref<10000x128xf32, #tpu.memory_space<vmem_shared>> -> memref<80x128xf32, #tpu.memory_space<vmem_shared>>
        tpu.wait_dma2 semaphore(%run_scoped3A : memref<!tpu.dma_semaphore, #tpu.memory_space<semaphore_mem>>) src(%dma_wait3A_148 : memref<80x128xf32, #tpu.memory_space<vmem_shared>>) dst(%arg9 : memref<80x128xf32, #tpu.memory_space<vmem>>)
        tpu.yield
      }) : () -> ()
      "tpu.region"() ({
        %run_scoped3A = tpu.sem_alloc : memref<!tpu.dma_semaphore, #tpu.memory_space<semaphore_mem>>
        %dma_start3A_141 = arith.constant 0 : i32
        %dma_start3A_142 = tpu.memref_slice %arg6[%arg0, %mul3A_140, %dma_start3A_141] : memref<2x10000x128xf32, #tpu.memory_space<hbm>> -> memref<1x80x128xf32, #tpu.memory_space<hbm>>
        %dma_start3A_143 = tpu.memref_squeeze %dma_start3A_142 : memref<1x80x128xf32, #tpu.memory_space<hbm>> -> memref<80x128xf32, #tpu.memory_space<hbm>>
        %dma_start3A_144 = arith.constant 0 : i32
        %dma_start3A_145 = tpu.memref_slice %arg6[%arg0, %mul3A_140, %dma_start3A_144] : memref<2x10000x128xf32, #tpu.memory_space<hbm>> -> memref<1x80x128xf32, #tpu.memory_space<hbm>>
        %dma_start3A_146 = tpu.memref_squeeze %dma_start3A_145 : memref<1x80x128xf32, #tpu.memory_space<hbm>> -> memref<80x128xf32, #tpu.memory_space<hbm>>
        tpu.enqueue_dma source(%arg9 : memref<80x128xf32, #tpu.memory_space<vmem>>) target(%dma_start3A_146 : memref<80x128xf32, #tpu.memory_space<hbm>>) target_semaphore(%run_scoped3A : memref<!tpu.dma_semaphore, #tpu.memory_space<semaphore_mem>>)
        %dma_wait3A_147 = arith.constant 0 : i32
        %dma_wait3A_148 = tpu.memref_slice %arg6[%arg0, %mul3A_140, %dma_wait3A_147] : memref<2x10000x128xf32, #tpu.memory_space<hbm>> -> memref<1x80x128xf32, #tpu.memory_space<hbm>>
        %dma_wait3A_149 = tpu.memref_squeeze %dma_wait3A_148 : memref<1x80x128xf32, #tpu.memory_space<hbm>> -> memref<80x128xf32, #tpu.memory_space<hbm>>
        %dma_wait3A_150 = arith.constant 0 : i32
        %dma_wait3A_151 = tpu.memref_slice %arg6[%arg0, %mul3A_140, %dma_wait3A_150] : memref<2x10000x128xf32, #tpu.memory_space<hbm>> -> memref<1x80x128xf32, #tpu.memory_space<hbm>>
        %dma_wait3A_152 = tpu.memref_squeeze %dma_wait3A_151 : memref<1x80x128xf32, #tpu.memory_space<hbm>> -> memref<80x128xf32, #tpu.memory_space<hbm>>
        tpu.wait_dma2 semaphore(%run_scoped3A : memref<!tpu.dma_semaphore, #tpu.memory_space<semaphore_mem>>) src(%arg9 : memref<80x128xf32, #tpu.memory_space<vmem>>) dst(%dma_wait3A_152 : memref<80x128xf32, #tpu.memory_space<hbm>>)
        tpu.yield
      }) : () -> ()
    } else {
    }
    %add3A_104 = arith.constant 48 : i32
    %add3A_105 = arith.addi %add3A_104, %arg1 : i32
    %lt3A_106 = arith.constant 125 : i32
    %lt3A_107 = arith.cmpi slt, %add3A_105, %lt3A_106 : i32
    %convert_element_type3A_108 = arith.extui %lt3A_107 : i1 to i32
    %cond3A_109 = arith.constant 0 : i32
    %cond3A_110 = arith.cmpi ne, %convert_element_type3A_108, %cond3A_109 : i32
    scf.if %cond3A_110 {
      %mul3A_139 = arith.constant 80 : i32
      %mul3A_140 = arith.muli %add3A_105, %mul3A_139 : i32
      "tpu.region"() ({
        %run_scoped3A = tpu.sem_alloc : memref<!tpu.dma_semaphore, #tpu.memory_space<semaphore_mem>>
        %dma_start3A_141 = arith.constant 0 : i32
        %dma_start3A_142 = tpu.memref_slice %arg12[%mul3A_140, %dma_start3A_141] : memref<10000x128xf32, #tpu.memory_space<vmem_shared>> -> memref<80x128xf32, #tpu.memory_space<vmem_shared>>
        %dma_start3A_143 = arith.constant 0 : i32
        %dma_start3A_144 = tpu.memref_slice %arg12[%mul3A_140, %dma_start3A_143] : memref<10000x128xf32, #tpu.memory_space<vmem_shared>> -> memref<80x128xf32, #tpu.memory_space<vmem_shared>>
        tpu.enqueue_dma source(%dma_start3A_144 : memref<80x128xf32, #tpu.memory_space<vmem_shared>>) target(%arg9 : memref<80x128xf32, #tpu.memory_space<vmem>>) target_semaphore(%run_scoped3A : memref<!tpu.dma_semaphore, #tpu.memory_space<semaphore_mem>>)
        %dma_wait3A_145 = arith.constant 0 : i32
        %dma_wait3A_146 = tpu.memref_slice %arg12[%mul3A_140, %dma_wait3A_145] : memref<10000x128xf32, #tpu.memory_space<vmem_shared>> -> memref<80x128xf32, #tpu.memory_space<vmem_shared>>
        %dma_wait3A_147 = arith.constant 0 : i32
        %dma_wait3A_148 = tpu.memref_slice %arg12[%mul3A_140, %dma_wait3A_147] : memref<10000x128xf32, #tpu.memory_space<vmem_shared>> -> memref<80x128xf32, #tpu.memory_space<vmem_shared>>
        tpu.wait_dma2 semaphore(%run_scoped3A : memref<!tpu.dma_semaphore, #tpu.memory_space<semaphore_mem>>) src(%dma_wait3A_148 : memref<80x128xf32, #tpu.memory_space<vmem_shared>>) dst(%arg9 : memref<80x128xf32, #tpu.memory_space<vmem>>)
        tpu.yield
      }) : () -> ()
      "tpu.region"() ({
        %run_scoped3A = tpu.sem_alloc : memref<!tpu.dma_semaphore, #tpu.memory_space<semaphore_mem>>
        %dma_start3A_141 = arith.constant 0 : i32
        %dma_start3A_142 = tpu.memref_slice %arg6[%arg0, %mul3A_140, %dma_start3A_141] : memref<2x10000x128xf32, #tpu.memory_space<hbm>> -> memref<1x80x128xf32, #tpu.memory_space<hbm>>
        %dma_start3A_143 = tpu.memref_squeeze %dma_start3A_142 : memref<1x80x128xf32, #tpu.memory_space<hbm>> -> memref<80x128xf32, #tpu.memory_space<hbm>>
        %dma_start3A_144 = arith.constant 0 : i32
        %dma_start3A_145 = tpu.memref_slice %arg6[%arg0, %mul3A_140, %dma_start3A_144] : memref<2x10000x128xf32, #tpu.memory_space<hbm>> -> memref<1x80x128xf32, #tpu.memory_space<hbm>>
        %dma_start3A_146 = tpu.memref_squeeze %dma_start3A_145 : memref<1x80x128xf32, #tpu.memory_space<hbm>> -> memref<80x128xf32, #tpu.memory_space<hbm>>
        tpu.enqueue_dma source(%arg9 : memref<80x128xf32, #tpu.memory_space<vmem>>) target(%dma_start3A_146 : memref<80x128xf32, #tpu.memory_space<hbm>>) target_semaphore(%run_scoped3A : memref<!tpu.dma_semaphore, #tpu.memory_space<semaphore_mem>>)
        %dma_wait3A_147 = arith.constant 0 : i32
        %dma_wait3A_148 = tpu.memref_slice %arg6[%arg0, %mul3A_140, %dma_wait3A_147] : memref<2x10000x128xf32, #tpu.memory_space<hbm>> -> memref<1x80x128xf32, #tpu.memory_space<hbm>>
        %dma_wait3A_149 = tpu.memref_squeeze %dma_wait3A_148 : memref<1x80x128xf32, #tpu.memory_space<hbm>> -> memref<80x128xf32, #tpu.memory_space<hbm>>
        %dma_wait3A_150 = arith.constant 0 : i32
        %dma_wait3A_151 = tpu.memref_slice %arg6[%arg0, %mul3A_140, %dma_wait3A_150] : memref<2x10000x128xf32, #tpu.memory_space<hbm>> -> memref<1x80x128xf32, #tpu.memory_space<hbm>>
        %dma_wait3A_152 = tpu.memref_squeeze %dma_wait3A_151 : memref<1x80x128xf32, #tpu.memory_space<hbm>> -> memref<80x128xf32, #tpu.memory_space<hbm>>
        tpu.wait_dma2 semaphore(%run_scoped3A : memref<!tpu.dma_semaphore, #tpu.memory_space<semaphore_mem>>) src(%arg9 : memref<80x128xf32, #tpu.memory_space<vmem>>) dst(%dma_wait3A_152 : memref<80x128xf32, #tpu.memory_space<hbm>>)
        tpu.yield
      }) : () -> ()
    } else {
    }
    %add3A_111 = arith.constant 64 : i32
    %add3A_112 = arith.addi %add3A_111, %arg1 : i32
    %lt3A_113 = arith.constant 125 : i32
    %lt3A_114 = arith.cmpi slt, %add3A_112, %lt3A_113 : i32
    %convert_element_type3A_115 = arith.extui %lt3A_114 : i1 to i32
    %cond3A_116 = arith.constant 0 : i32
    %cond3A_117 = arith.cmpi ne, %convert_element_type3A_115, %cond3A_116 : i32
    scf.if %cond3A_117 {
      %mul3A_139 = arith.constant 80 : i32
      %mul3A_140 = arith.muli %add3A_112, %mul3A_139 : i32
      "tpu.region"() ({
        %run_scoped3A = tpu.sem_alloc : memref<!tpu.dma_semaphore, #tpu.memory_space<semaphore_mem>>
        %dma_start3A_141 = arith.constant 0 : i32
        %dma_start3A_142 = tpu.memref_slice %arg12[%mul3A_140, %dma_start3A_141] : memref<10000x128xf32, #tpu.memory_space<vmem_shared>> -> memref<80x128xf32, #tpu.memory_space<vmem_shared>>
        %dma_start3A_143 = arith.constant 0 : i32
        %dma_start3A_144 = tpu.memref_slice %arg12[%mul3A_140, %dma_start3A_143] : memref<10000x128xf32, #tpu.memory_space<vmem_shared>> -> memref<80x128xf32, #tpu.memory_space<vmem_shared>>
        tpu.enqueue_dma source(%dma_start3A_144 : memref<80x128xf32, #tpu.memory_space<vmem_shared>>) target(%arg9 : memref<80x128xf32, #tpu.memory_space<vmem>>) target_semaphore(%run_scoped3A : memref<!tpu.dma_semaphore, #tpu.memory_space<semaphore_mem>>)
        %dma_wait3A_145 = arith.constant 0 : i32
        %dma_wait3A_146 = tpu.memref_slice %arg12[%mul3A_140, %dma_wait3A_145] : memref<10000x128xf32, #tpu.memory_space<vmem_shared>> -> memref<80x128xf32, #tpu.memory_space<vmem_shared>>
        %dma_wait3A_147 = arith.constant 0 : i32
        %dma_wait3A_148 = tpu.memref_slice %arg12[%mul3A_140, %dma_wait3A_147] : memref<10000x128xf32, #tpu.memory_space<vmem_shared>> -> memref<80x128xf32, #tpu.memory_space<vmem_shared>>
        tpu.wait_dma2 semaphore(%run_scoped3A : memref<!tpu.dma_semaphore, #tpu.memory_space<semaphore_mem>>) src(%dma_wait3A_148 : memref<80x128xf32, #tpu.memory_space<vmem_shared>>) dst(%arg9 : memref<80x128xf32, #tpu.memory_space<vmem>>)
        tpu.yield
      }) : () -> ()
      "tpu.region"() ({
        %run_scoped3A = tpu.sem_alloc : memref<!tpu.dma_semaphore, #tpu.memory_space<semaphore_mem>>
        %dma_start3A_141 = arith.constant 0 : i32
        %dma_start3A_142 = tpu.memref_slice %arg6[%arg0, %mul3A_140, %dma_start3A_141] : memref<2x10000x128xf32, #tpu.memory_space<hbm>> -> memref<1x80x128xf32, #tpu.memory_space<hbm>>
        %dma_start3A_143 = tpu.memref_squeeze %dma_start3A_142 : memref<1x80x128xf32, #tpu.memory_space<hbm>> -> memref<80x128xf32, #tpu.memory_space<hbm>>
        %dma_start3A_144 = arith.constant 0 : i32
        %dma_start3A_145 = tpu.memref_slice %arg6[%arg0, %mul3A_140, %dma_start3A_144] : memref<2x10000x128xf32, #tpu.memory_space<hbm>> -> memref<1x80x128xf32, #tpu.memory_space<hbm>>
        %dma_start3A_146 = tpu.memref_squeeze %dma_start3A_145 : memref<1x80x128xf32, #tpu.memory_space<hbm>> -> memref<80x128xf32, #tpu.memory_space<hbm>>
        tpu.enqueue_dma source(%arg9 : memref<80x128xf32, #tpu.memory_space<vmem>>) target(%dma_start3A_146 : memref<80x128xf32, #tpu.memory_space<hbm>>) target_semaphore(%run_scoped3A : memref<!tpu.dma_semaphore, #tpu.memory_space<semaphore_mem>>)
        %dma_wait3A_147 = arith.constant 0 : i32
        %dma_wait3A_148 = tpu.memref_slice %arg6[%arg0, %mul3A_140, %dma_wait3A_147] : memref<2x10000x128xf32, #tpu.memory_space<hbm>> -> memref<1x80x128xf32, #tpu.memory_space<hbm>>
        %dma_wait3A_149 = tpu.memref_squeeze %dma_wait3A_148 : memref<1x80x128xf32, #tpu.memory_space<hbm>> -> memref<80x128xf32, #tpu.memory_space<hbm>>
        %dma_wait3A_150 = arith.constant 0 : i32
        %dma_wait3A_151 = tpu.memref_slice %arg6[%arg0, %mul3A_140, %dma_wait3A_150] : memref<2x10000x128xf32, #tpu.memory_space<hbm>> -> memref<1x80x128xf32, #tpu.memory_space<hbm>>
        %dma_wait3A_152 = tpu.memref_squeeze %dma_wait3A_151 : memref<1x80x128xf32, #tpu.memory_space<hbm>> -> memref<80x128xf32, #tpu.memory_space<hbm>>
        tpu.wait_dma2 semaphore(%run_scoped3A : memref<!tpu.dma_semaphore, #tpu.memory_space<semaphore_mem>>) src(%arg9 : memref<80x128xf32, #tpu.memory_space<vmem>>) dst(%dma_wait3A_152 : memref<80x128xf32, #tpu.memory_space<hbm>>)
        tpu.yield
      }) : () -> ()
    } else {
    }
    %add3A_118 = arith.constant 80 : i32
    %add3A_119 = arith.addi %add3A_118, %arg1 : i32
    %lt3A_120 = arith.constant 125 : i32
    %lt3A_121 = arith.cmpi slt, %add3A_119, %lt3A_120 : i32
    %convert_element_type3A_122 = arith.extui %lt3A_121 : i1 to i32
    %cond3A_123 = arith.constant 0 : i32
    %cond3A_124 = arith.cmpi ne, %convert_element_type3A_122, %cond3A_123 : i32
    scf.if %cond3A_124 {
      %mul3A_139 = arith.constant 80 : i32
      %mul3A_140 = arith.muli %add3A_119, %mul3A_139 : i32
      "tpu.region"() ({
        %run_scoped3A = tpu.sem_alloc : memref<!tpu.dma_semaphore, #tpu.memory_space<semaphore_mem>>
        %dma_start3A_141 = arith.constant 0 : i32
        %dma_start3A_142 = tpu.memref_slice %arg12[%mul3A_140, %dma_start3A_141] : memref<10000x128xf32, #tpu.memory_space<vmem_shared>> -> memref<80x128xf32, #tpu.memory_space<vmem_shared>>
        %dma_start3A_143 = arith.constant 0 : i32
        %dma_start3A_144 = tpu.memref_slice %arg12[%mul3A_140, %dma_start3A_143] : memref<10000x128xf32, #tpu.memory_space<vmem_shared>> -> memref<80x128xf32, #tpu.memory_space<vmem_shared>>
        tpu.enqueue_dma source(%dma_start3A_144 : memref<80x128xf32, #tpu.memory_space<vmem_shared>>) target(%arg9 : memref<80x128xf32, #tpu.memory_space<vmem>>) target_semaphore(%run_scoped3A : memref<!tpu.dma_semaphore, #tpu.memory_space<semaphore_mem>>)
        %dma_wait3A_145 = arith.constant 0 : i32
        %dma_wait3A_146 = tpu.memref_slice %arg12[%mul3A_140, %dma_wait3A_145] : memref<10000x128xf32, #tpu.memory_space<vmem_shared>> -> memref<80x128xf32, #tpu.memory_space<vmem_shared>>
        %dma_wait3A_147 = arith.constant 0 : i32
        %dma_wait3A_148 = tpu.memref_slice %arg12[%mul3A_140, %dma_wait3A_147] : memref<10000x128xf32, #tpu.memory_space<vmem_shared>> -> memref<80x128xf32, #tpu.memory_space<vmem_shared>>
        tpu.wait_dma2 semaphore(%run_scoped3A : memref<!tpu.dma_semaphore, #tpu.memory_space<semaphore_mem>>) src(%dma_wait3A_148 : memref<80x128xf32, #tpu.memory_space<vmem_shared>>) dst(%arg9 : memref<80x128xf32, #tpu.memory_space<vmem>>)
        tpu.yield
      }) : () -> ()
      "tpu.region"() ({
        %run_scoped3A = tpu.sem_alloc : memref<!tpu.dma_semaphore, #tpu.memory_space<semaphore_mem>>
        %dma_start3A_141 = arith.constant 0 : i32
        %dma_start3A_142 = tpu.memref_slice %arg6[%arg0, %mul3A_140, %dma_start3A_141] : memref<2x10000x128xf32, #tpu.memory_space<hbm>> -> memref<1x80x128xf32, #tpu.memory_space<hbm>>
        %dma_start3A_143 = tpu.memref_squeeze %dma_start3A_142 : memref<1x80x128xf32, #tpu.memory_space<hbm>> -> memref<80x128xf32, #tpu.memory_space<hbm>>
        %dma_start3A_144 = arith.constant 0 : i32
        %dma_start3A_145 = tpu.memref_slice %arg6[%arg0, %mul3A_140, %dma_start3A_144] : memref<2x10000x128xf32, #tpu.memory_space<hbm>> -> memref<1x80x128xf32, #tpu.memory_space<hbm>>
        %dma_start3A_146 = tpu.memref_squeeze %dma_start3A_145 : memref<1x80x128xf32, #tpu.memory_space<hbm>> -> memref<80x128xf32, #tpu.memory_space<hbm>>
        tpu.enqueue_dma source(%arg9 : memref<80x128xf32, #tpu.memory_space<vmem>>) target(%dma_start3A_146 : memref<80x128xf32, #tpu.memory_space<hbm>>) target_semaphore(%run_scoped3A : memref<!tpu.dma_semaphore, #tpu.memory_space<semaphore_mem>>)
        %dma_wait3A_147 = arith.constant 0 : i32
        %dma_wait3A_148 = tpu.memref_slice %arg6[%arg0, %mul3A_140, %dma_wait3A_147] : memref<2x10000x128xf32, #tpu.memory_space<hbm>> -> memref<1x80x128xf32, #tpu.memory_space<hbm>>
        %dma_wait3A_149 = tpu.memref_squeeze %dma_wait3A_148 : memref<1x80x128xf32, #tpu.memory_space<hbm>> -> memref<80x128xf32, #tpu.memory_space<hbm>>
        %dma_wait3A_150 = arith.constant 0 : i32
        %dma_wait3A_151 = tpu.memref_slice %arg6[%arg0, %mul3A_140, %dma_wait3A_150] : memref<2x10000x128xf32, #tpu.memory_space<hbm>> -> memref<1x80x128xf32, #tpu.memory_space<hbm>>
        %dma_wait3A_152 = tpu.memref_squeeze %dma_wait3A_151 : memref<1x80x128xf32, #tpu.memory_space<hbm>> -> memref<80x128xf32, #tpu.memory_space<hbm>>
        tpu.wait_dma2 semaphore(%run_scoped3A : memref<!tpu.dma_semaphore, #tpu.memory_space<semaphore_mem>>) src(%arg9 : memref<80x128xf32, #tpu.memory_space<vmem>>) dst(%dma_wait3A_152 : memref<80x128xf32, #tpu.memory_space<hbm>>)
        tpu.yield
      }) : () -> ()
    } else {
    }
    %add3A_125 = arith.constant 96 : i32
    %add3A_126 = arith.addi %add3A_125, %arg1 : i32
    %lt3A_127 = arith.constant 125 : i32
    %lt3A_128 = arith.cmpi slt, %add3A_126, %lt3A_127 : i32
    %convert_element_type3A_129 = arith.extui %lt3A_128 : i1 to i32
    %cond3A_130 = arith.constant 0 : i32
    %cond3A_131 = arith.cmpi ne, %convert_element_type3A_129, %cond3A_130 : i32
    scf.if %cond3A_131 {
      %mul3A_139 = arith.constant 80 : i32
      %mul3A_140 = arith.muli %add3A_126, %mul3A_139 : i32
      "tpu.region"() ({
        %run_scoped3A = tpu.sem_alloc : memref<!tpu.dma_semaphore, #tpu.memory_space<semaphore_mem>>
        %dma_start3A_141 = arith.constant 0 : i32
        %dma_start3A_142 = tpu.memref_slice %arg12[%mul3A_140, %dma_start3A_141] : memref<10000x128xf32, #tpu.memory_space<vmem_shared>> -> memref<80x128xf32, #tpu.memory_space<vmem_shared>>
        %dma_start3A_143 = arith.constant 0 : i32
        %dma_start3A_144 = tpu.memref_slice %arg12[%mul3A_140, %dma_start3A_143] : memref<10000x128xf32, #tpu.memory_space<vmem_shared>> -> memref<80x128xf32, #tpu.memory_space<vmem_shared>>
        tpu.enqueue_dma source(%dma_start3A_144 : memref<80x128xf32, #tpu.memory_space<vmem_shared>>) target(%arg9 : memref<80x128xf32, #tpu.memory_space<vmem>>) target_semaphore(%run_scoped3A : memref<!tpu.dma_semaphore, #tpu.memory_space<semaphore_mem>>)
        %dma_wait3A_145 = arith.constant 0 : i32
        %dma_wait3A_146 = tpu.memref_slice %arg12[%mul3A_140, %dma_wait3A_145] : memref<10000x128xf32, #tpu.memory_space<vmem_shared>> -> memref<80x128xf32, #tpu.memory_space<vmem_shared>>
        %dma_wait3A_147 = arith.constant 0 : i32
        %dma_wait3A_148 = tpu.memref_slice %arg12[%mul3A_140, %dma_wait3A_147] : memref<10000x128xf32, #tpu.memory_space<vmem_shared>> -> memref<80x128xf32, #tpu.memory_space<vmem_shared>>
        tpu.wait_dma2 semaphore(%run_scoped3A : memref<!tpu.dma_semaphore, #tpu.memory_space<semaphore_mem>>) src(%dma_wait3A_148 : memref<80x128xf32, #tpu.memory_space<vmem_shared>>) dst(%arg9 : memref<80x128xf32, #tpu.memory_space<vmem>>)
        tpu.yield
      }) : () -> ()
      "tpu.region"() ({
        %run_scoped3A = tpu.sem_alloc : memref<!tpu.dma_semaphore, #tpu.memory_space<semaphore_mem>>
        %dma_start3A_141 = arith.constant 0 : i32
        %dma_start3A_142 = tpu.memref_slice %arg6[%arg0, %mul3A_140, %dma_start3A_141] : memref<2x10000x128xf32, #tpu.memory_space<hbm>> -> memref<1x80x128xf32, #tpu.memory_space<hbm>>
        %dma_start3A_143 = tpu.memref_squeeze %dma_start3A_142 : memref<1x80x128xf32, #tpu.memory_space<hbm>> -> memref<80x128xf32, #tpu.memory_space<hbm>>
        %dma_start3A_144 = arith.constant 0 : i32
        %dma_start3A_145 = tpu.memref_slice %arg6[%arg0, %mul3A_140, %dma_start3A_144] : memref<2x10000x128xf32, #tpu.memory_space<hbm>> -> memref<1x80x128xf32, #tpu.memory_space<hbm>>
        %dma_start3A_146 = tpu.memref_squeeze %dma_start3A_145 : memref<1x80x128xf32, #tpu.memory_space<hbm>> -> memref<80x128xf32, #tpu.memory_space<hbm>>
        tpu.enqueue_dma source(%arg9 : memref<80x128xf32, #tpu.memory_space<vmem>>) target(%dma_start3A_146 : memref<80x128xf32, #tpu.memory_space<hbm>>) target_semaphore(%run_scoped3A : memref<!tpu.dma_semaphore, #tpu.memory_space<semaphore_mem>>)
        %dma_wait3A_147 = arith.constant 0 : i32
        %dma_wait3A_148 = tpu.memref_slice %arg6[%arg0, %mul3A_140, %dma_wait3A_147] : memref<2x10000x128xf32, #tpu.memory_space<hbm>> -> memref<1x80x128xf32, #tpu.memory_space<hbm>>
        %dma_wait3A_149 = tpu.memref_squeeze %dma_wait3A_148 : memref<1x80x128xf32, #tpu.memory_space<hbm>> -> memref<80x128xf32, #tpu.memory_space<hbm>>
        %dma_wait3A_150 = arith.constant 0 : i32
        %dma_wait3A_151 = tpu.memref_slice %arg6[%arg0, %mul3A_140, %dma_wait3A_150] : memref<2x10000x128xf32, #tpu.memory_space<hbm>> -> memref<1x80x128xf32, #tpu.memory_space<hbm>>
        %dma_wait3A_152 = tpu.memref_squeeze %dma_wait3A_151 : memref<1x80x128xf32, #tpu.memory_space<hbm>> -> memref<80x128xf32, #tpu.memory_space<hbm>>
        tpu.wait_dma2 semaphore(%run_scoped3A : memref<!tpu.dma_semaphore, #tpu.memory_space<semaphore_mem>>) src(%arg9 : memref<80x128xf32, #tpu.memory_space<vmem>>) dst(%dma_wait3A_152 : memref<80x128xf32, #tpu.memory_space<hbm>>)
        tpu.yield
      }) : () -> ()
    } else {
    }
    %add3A_132 = arith.constant 112 : i32
    %add3A_133 = arith.addi %add3A_132, %arg1 : i32
    %lt3A_134 = arith.constant 125 : i32
    %lt3A_135 = arith.cmpi slt, %add3A_133, %lt3A_134 : i32
    %convert_element_type3A_136 = arith.extui %lt3A_135 : i1 to i32
    %cond3A_137 = arith.constant 0 : i32
    %cond3A_138 = arith.cmpi ne, %convert_element_type3A_136, %cond3A_137 : i32
    scf.if %cond3A_138 {
      %mul3A_139 = arith.constant 80 : i32
      %mul3A_140 = arith.muli %add3A_133, %mul3A_139 : i32
      "tpu.region"() ({
        %run_scoped3A = tpu.sem_alloc : memref<!tpu.dma_semaphore, #tpu.memory_space<semaphore_mem>>
        %dma_start3A_141 = arith.constant 0 : i32
        %dma_start3A_142 = tpu.memref_slice %arg12[%mul3A_140, %dma_start3A_141] : memref<10000x128xf32, #tpu.memory_space<vmem_shared>> -> memref<80x128xf32, #tpu.memory_space<vmem_shared>>
        %dma_start3A_143 = arith.constant 0 : i32
        %dma_start3A_144 = tpu.memref_slice %arg12[%mul3A_140, %dma_start3A_143] : memref<10000x128xf32, #tpu.memory_space<vmem_shared>> -> memref<80x128xf32, #tpu.memory_space<vmem_shared>>
        tpu.enqueue_dma source(%dma_start3A_144 : memref<80x128xf32, #tpu.memory_space<vmem_shared>>) target(%arg9 : memref<80x128xf32, #tpu.memory_space<vmem>>) target_semaphore(%run_scoped3A : memref<!tpu.dma_semaphore, #tpu.memory_space<semaphore_mem>>)
        %dma_wait3A_145 = arith.constant 0 : i32
        %dma_wait3A_146 = tpu.memref_slice %arg12[%mul3A_140, %dma_wait3A_145] : memref<10000x128xf32, #tpu.memory_space<vmem_shared>> -> memref<80x128xf32, #tpu.memory_space<vmem_shared>>
        %dma_wait3A_147 = arith.constant 0 : i32
        %dma_wait3A_148 = tpu.memref_slice %arg12[%mul3A_140, %dma_wait3A_147] : memref<10000x128xf32, #tpu.memory_space<vmem_shared>> -> memref<80x128xf32, #tpu.memory_space<vmem_shared>>
        tpu.wait_dma2 semaphore(%run_scoped3A : memref<!tpu.dma_semaphore, #tpu.memory_space<semaphore_mem>>) src(%dma_wait3A_148 : memref<80x128xf32, #tpu.memory_space<vmem_shared>>) dst(%arg9 : memref<80x128xf32, #tpu.memory_space<vmem>>)
        tpu.yield
      }) : () -> ()
      "tpu.region"() ({
        %run_scoped3A = tpu.sem_alloc : memref<!tpu.dma_semaphore, #tpu.memory_space<semaphore_mem>>
        %dma_start3A_141 = arith.constant 0 : i32
        %dma_start3A_142 = tpu.memref_slice %arg6[%arg0, %mul3A_140, %dma_start3A_141] : memref<2x10000x128xf32, #tpu.memory_space<hbm>> -> memref<1x80x128xf32, #tpu.memory_space<hbm>>
        %dma_start3A_143 = tpu.memref_squeeze %dma_start3A_142 : memref<1x80x128xf32, #tpu.memory_space<hbm>> -> memref<80x128xf32, #tpu.memory_space<hbm>>
        %dma_start3A_144 = arith.constant 0 : i32
        %dma_start3A_145 = tpu.memref_slice %arg6[%arg0, %mul3A_140, %dma_start3A_144] : memref<2x10000x128xf32, #tpu.memory_space<hbm>> -> memref<1x80x128xf32, #tpu.memory_space<hbm>>
        %dma_start3A_146 = tpu.memref_squeeze %dma_start3A_145 : memref<1x80x128xf32, #tpu.memory_space<hbm>> -> memref<80x128xf32, #tpu.memory_space<hbm>>
        tpu.enqueue_dma source(%arg9 : memref<80x128xf32, #tpu.memory_space<vmem>>) target(%dma_start3A_146 : memref<80x128xf32, #tpu.memory_space<hbm>>) target_semaphore(%run_scoped3A : memref<!tpu.dma_semaphore, #tpu.memory_space<semaphore_mem>>)
        %dma_wait3A_147 = arith.constant 0 : i32
        %dma_wait3A_148 = tpu.memref_slice %arg6[%arg0, %mul3A_140, %dma_wait3A_147] : memref<2x10000x128xf32, #tpu.memory_space<hbm>> -> memref<1x80x128xf32, #tpu.memory_space<hbm>>
        %dma_wait3A_149 = tpu.memref_squeeze %dma_wait3A_148 : memref<1x80x128xf32, #tpu.memory_space<hbm>> -> memref<80x128xf32, #tpu.memory_space<hbm>>
        %dma_wait3A_150 = arith.constant 0 : i32
        %dma_wait3A_151 = tpu.memref_slice %arg6[%arg0, %mul3A_140, %dma_wait3A_150] : memref<2x10000x128xf32, #tpu.memory_space<hbm>> -> memref<1x80x128xf32, #tpu.memory_space<hbm>>
        %dma_wait3A_152 = tpu.memref_squeeze %dma_wait3A_151 : memref<1x80x128xf32, #tpu.memory_space<hbm>> -> memref<80x128xf32, #tpu.memory_space<hbm>>
        tpu.wait_dma2 semaphore(%run_scoped3A : memref<!tpu.dma_semaphore, #tpu.memory_space<semaphore_mem>>) src(%arg9 : memref<80x128xf32, #tpu.memory_space<vmem>>) dst(%dma_wait3A_152 : memref<80x128xf32, #tpu.memory_space<hbm>>)
        tpu.yield
      }) : () -> ()
    } else {
    }
    return
  }
}

#map = affine_map<(d0, d1) -> (0, 0)>
#map1 = affine_map<(d0, d1) -> (0)>
module attributes {stable_mosaic.version = 14 : i64} {
  func.func @deg_kernel(%arg0: i32, %arg1: i32, %arg2: memref<32x10000xi32, #tpu.memory_space<hbm>>, %arg3: memref<32x10000xi32, #tpu.memory_space<hbm>>, %arg4: memref<10000xf32, #tpu.memory_space<hbm>>, %arg5: memref<1000xf32, #tpu.memory_space<hbm>>, %arg6: memref<20000xf32, #tpu.memory_space<hbm>>, %arg7: memref<20000xf32, #tpu.memory_space<hbm>>, %arg8: memref<10000xi32, #tpu.memory_space<vmem>>, %arg9: memref<10000xi32, #tpu.memory_space<vmem>>, %arg10: memref<10000xf32, #tpu.memory_space<vmem>>, %arg11: memref<1000xf32, #tpu.memory_space<vmem>>, %arg12: memref<10000xf32, #tpu.memory_space<vmem_shared>>, %arg13: memref<10000xf32, #tpu.memory_space<vmem_shared>>) attributes {dimension_semantics = [#tpu.dimension_semantics<core_parallel>, #tpu.dimension_semantics<subcore_parallel>], iteration_bounds = array<i64: 2, 16>, scalar_prefetch = 0 : i64, scratch_operands = 6 : i64, tpu.core_type = #tpu.core_type<sc_vector_subcore>, window_params = [{transform_indices = #map}, {transform_indices = #map}, {transform_indices = #map1}, {transform_indices = #map1}, {transform_indices = #map1}, {transform_indices = #map1}]} {
    %mul3A = arith.constant 2 : i32
    %mul3A_0 = arith.muli %arg1, %mul3A : i32
    %add3A = arith.addi %mul3A_0, %arg0 : i32
    "tpu.region"() ({
      %run_scoped3A = tpu.sem_alloc : memref<!tpu.dma_semaphore, #tpu.memory_space<semaphore_mem>>
      tpu.enqueue_dma source(%arg4 : memref<10000xf32, #tpu.memory_space<hbm>>) target(%arg10 : memref<10000xf32, #tpu.memory_space<vmem>>) target_semaphore(%run_scoped3A : memref<!tpu.dma_semaphore, #tpu.memory_space<semaphore_mem>>)
      tpu.wait_dma2 semaphore(%run_scoped3A : memref<!tpu.dma_semaphore, #tpu.memory_space<semaphore_mem>>) src(%arg4 : memref<10000xf32, #tpu.memory_space<hbm>>) dst(%arg10 : memref<10000xf32, #tpu.memory_space<vmem>>)
      tpu.yield
    }) : () -> ()
    "tpu.region"() ({
      %run_scoped3A = tpu.sem_alloc : memref<!tpu.dma_semaphore, #tpu.memory_space<semaphore_mem>>
      %dma_start3A = arith.constant 0 : i32
      %dma_start3A_9 = tpu.memref_slice %arg2[%add3A, %dma_start3A] : memref<32x10000xi32, #tpu.memory_space<hbm>> -> memref<1x10000xi32, #tpu.memory_space<hbm>>
      %dma_start3A_10 = tpu.memref_squeeze %dma_start3A_9 : memref<1x10000xi32, #tpu.memory_space<hbm>> -> memref<10000xi32, #tpu.memory_space<hbm>>
      %dma_start3A_11 = arith.constant 0 : i32
      %dma_start3A_12 = tpu.memref_slice %arg2[%add3A, %dma_start3A_11] : memref<32x10000xi32, #tpu.memory_space<hbm>> -> memref<1x10000xi32, #tpu.memory_space<hbm>>
      %dma_start3A_13 = tpu.memref_squeeze %dma_start3A_12 : memref<1x10000xi32, #tpu.memory_space<hbm>> -> memref<10000xi32, #tpu.memory_space<hbm>>
      tpu.enqueue_dma source(%dma_start3A_13 : memref<10000xi32, #tpu.memory_space<hbm>>) target(%arg8 : memref<10000xi32, #tpu.memory_space<vmem>>) target_semaphore(%run_scoped3A : memref<!tpu.dma_semaphore, #tpu.memory_space<semaphore_mem>>)
      %dma_wait3A = arith.constant 0 : i32
      %dma_wait3A_14 = tpu.memref_slice %arg2[%add3A, %dma_wait3A] : memref<32x10000xi32, #tpu.memory_space<hbm>> -> memref<1x10000xi32, #tpu.memory_space<hbm>>
      %dma_wait3A_15 = tpu.memref_squeeze %dma_wait3A_14 : memref<1x10000xi32, #tpu.memory_space<hbm>> -> memref<10000xi32, #tpu.memory_space<hbm>>
      %dma_wait3A_16 = arith.constant 0 : i32
      %dma_wait3A_17 = tpu.memref_slice %arg2[%add3A, %dma_wait3A_16] : memref<32x10000xi32, #tpu.memory_space<hbm>> -> memref<1x10000xi32, #tpu.memory_space<hbm>>
      %dma_wait3A_18 = tpu.memref_squeeze %dma_wait3A_17 : memref<1x10000xi32, #tpu.memory_space<hbm>> -> memref<10000xi32, #tpu.memory_space<hbm>>
      tpu.wait_dma2 semaphore(%run_scoped3A : memref<!tpu.dma_semaphore, #tpu.memory_space<semaphore_mem>>) src(%dma_wait3A_18 : memref<10000xi32, #tpu.memory_space<hbm>>) dst(%arg8 : memref<10000xi32, #tpu.memory_space<vmem>>)
      tpu.yield
    }) : () -> ()
    "tpu.region"() ({
      %run_scoped3A = tpu.sem_alloc : memref<!tpu.dma_semaphore, #tpu.memory_space<semaphore_mem>>
      %dma_start3A = arith.constant 0 : i32
      %dma_start3A_9 = tpu.memref_slice %arg3[%add3A, %dma_start3A] : memref<32x10000xi32, #tpu.memory_space<hbm>> -> memref<1x10000xi32, #tpu.memory_space<hbm>>
      %dma_start3A_10 = tpu.memref_squeeze %dma_start3A_9 : memref<1x10000xi32, #tpu.memory_space<hbm>> -> memref<10000xi32, #tpu.memory_space<hbm>>
      %dma_start3A_11 = arith.constant 0 : i32
      %dma_start3A_12 = tpu.memref_slice %arg3[%add3A, %dma_start3A_11] : memref<32x10000xi32, #tpu.memory_space<hbm>> -> memref<1x10000xi32, #tpu.memory_space<hbm>>
      %dma_start3A_13 = tpu.memref_squeeze %dma_start3A_12 : memref<1x10000xi32, #tpu.memory_space<hbm>> -> memref<10000xi32, #tpu.memory_space<hbm>>
      tpu.enqueue_dma source(%dma_start3A_13 : memref<10000xi32, #tpu.memory_space<hbm>>) target(%arg9 : memref<10000xi32, #tpu.memory_space<vmem>>) target_semaphore(%run_scoped3A : memref<!tpu.dma_semaphore, #tpu.memory_space<semaphore_mem>>)
      %dma_wait3A = arith.constant 0 : i32
      %dma_wait3A_14 = tpu.memref_slice %arg3[%add3A, %dma_wait3A] : memref<32x10000xi32, #tpu.memory_space<hbm>> -> memref<1x10000xi32, #tpu.memory_space<hbm>>
      %dma_wait3A_15 = tpu.memref_squeeze %dma_wait3A_14 : memref<1x10000xi32, #tpu.memory_space<hbm>> -> memref<10000xi32, #tpu.memory_space<hbm>>
      %dma_wait3A_16 = arith.constant 0 : i32
      %dma_wait3A_17 = tpu.memref_slice %arg3[%add3A, %dma_wait3A_16] : memref<32x10000xi32, #tpu.memory_space<hbm>> -> memref<1x10000xi32, #tpu.memory_space<hbm>>
      %dma_wait3A_18 = tpu.memref_squeeze %dma_wait3A_17 : memref<1x10000xi32, #tpu.memory_space<hbm>> -> memref<10000xi32, #tpu.memory_space<hbm>>
      tpu.wait_dma2 semaphore(%run_scoped3A : memref<!tpu.dma_semaphore, #tpu.memory_space<semaphore_mem>>) src(%dma_wait3A_18 : memref<10000xi32, #tpu.memory_space<hbm>>) dst(%arg9 : memref<10000xi32, #tpu.memory_space<vmem>>)
      tpu.yield
    }) : () -> ()
    %lt3A = arith.constant 10 : i32
    %lt3A_1 = arith.cmpi slt, %arg1, %lt3A : i32
    %convert_element_type3A = arith.extui %lt3A_1 : i1 to i32
    %cond3A = arith.constant 0 : i32
    %cond3A_2 = arith.cmpi ne, %convert_element_type3A, %cond3A : i32
    scf.if %cond3A_2 {
      %mul3A_9 = arith.constant 1000 : i32
      %mul3A_10 = arith.muli %arg1, %mul3A_9 : i32
      "tpu.region"() ({
        %run_scoped3A = tpu.sem_alloc : memref<!tpu.dma_semaphore, #tpu.memory_space<semaphore_mem>>
        tpu.enqueue_dma source(%arg5 : memref<1000xf32, #tpu.memory_space<hbm>>) target(%arg11 : memref<1000xf32, #tpu.memory_space<vmem>>) target_semaphore(%run_scoped3A : memref<!tpu.dma_semaphore, #tpu.memory_space<semaphore_mem>>)
        tpu.wait_dma2 semaphore(%run_scoped3A : memref<!tpu.dma_semaphore, #tpu.memory_space<semaphore_mem>>) src(%arg5 : memref<1000xf32, #tpu.memory_space<hbm>>) dst(%arg11 : memref<1000xf32, #tpu.memory_space<vmem>>)
        tpu.yield
      }) : () -> ()
      "tpu.region"() ({
        %run_scoped3A = tpu.sem_alloc : memref<!tpu.dma_semaphore, #tpu.memory_space<semaphore_mem>>
        %dma_start3A = tpu.memref_slice %arg12[%mul3A_10] : memref<10000xf32, #tpu.memory_space<vmem_shared>> -> memref<1000xf32, #tpu.memory_space<vmem_shared>>
        %dma_start3A_11 = tpu.memref_slice %arg12[%mul3A_10] : memref<10000xf32, #tpu.memory_space<vmem_shared>> -> memref<1000xf32, #tpu.memory_space<vmem_shared>>
        tpu.enqueue_dma source(%arg11 : memref<1000xf32, #tpu.memory_space<vmem>>) target(%dma_start3A_11 : memref<1000xf32, #tpu.memory_space<vmem_shared>>) target_semaphore(%run_scoped3A : memref<!tpu.dma_semaphore, #tpu.memory_space<semaphore_mem>>)
        %dma_wait3A = tpu.memref_slice %arg12[%mul3A_10] : memref<10000xf32, #tpu.memory_space<vmem_shared>> -> memref<1000xf32, #tpu.memory_space<vmem_shared>>
        %dma_wait3A_12 = tpu.memref_slice %arg12[%mul3A_10] : memref<10000xf32, #tpu.memory_space<vmem_shared>> -> memref<1000xf32, #tpu.memory_space<vmem_shared>>
        tpu.wait_dma2 semaphore(%run_scoped3A : memref<!tpu.dma_semaphore, #tpu.memory_space<semaphore_mem>>) src(%arg11 : memref<1000xf32, #tpu.memory_space<vmem>>) dst(%dma_wait3A_12 : memref<1000xf32, #tpu.memory_space<vmem_shared>>)
        tpu.yield
      }) : () -> ()
      "tpu.region"() ({
        %run_scoped3A = tpu.sem_alloc : memref<!tpu.dma_semaphore, #tpu.memory_space<semaphore_mem>>
        %dma_start3A = tpu.memref_slice %arg13[%mul3A_10] : memref<10000xf32, #tpu.memory_space<vmem_shared>> -> memref<1000xf32, #tpu.memory_space<vmem_shared>>
        %dma_start3A_11 = tpu.memref_slice %arg13[%mul3A_10] : memref<10000xf32, #tpu.memory_space<vmem_shared>> -> memref<1000xf32, #tpu.memory_space<vmem_shared>>
        tpu.enqueue_dma source(%arg11 : memref<1000xf32, #tpu.memory_space<vmem>>) target(%dma_start3A_11 : memref<1000xf32, #tpu.memory_space<vmem_shared>>) target_semaphore(%run_scoped3A : memref<!tpu.dma_semaphore, #tpu.memory_space<semaphore_mem>>)
        %dma_wait3A = tpu.memref_slice %arg13[%mul3A_10] : memref<10000xf32, #tpu.memory_space<vmem_shared>> -> memref<1000xf32, #tpu.memory_space<vmem_shared>>
        %dma_wait3A_12 = tpu.memref_slice %arg13[%mul3A_10] : memref<10000xf32, #tpu.memory_space<vmem_shared>> -> memref<1000xf32, #tpu.memory_space<vmem_shared>>
        tpu.wait_dma2 semaphore(%run_scoped3A : memref<!tpu.dma_semaphore, #tpu.memory_space<semaphore_mem>>) src(%arg11 : memref<1000xf32, #tpu.memory_space<vmem>>) dst(%dma_wait3A_12 : memref<1000xf32, #tpu.memory_space<vmem_shared>>)
        tpu.yield
      }) : () -> ()
    } else {
    }
    %barrier3A = arith.constant 0 : index
    tpu.barrier barrier_id(%barrier3A)
    "tpu.region"() ({
      %run_scoped3A = tpu.sem_alloc : memref<!tpu.dma_semaphore, #tpu.memory_space<semaphore_mem>>
      %dma_start3A = arith.constant 0 : i32
      %dma_start3A_9 = tpu.memref_slice %arg12[%dma_start3A] : memref<10000xf32, #tpu.memory_space<vmem_shared>> -> memref<10000xf32, #tpu.memory_space<vmem_shared>>
      tpu.enqueue_indirect_dma source(%arg10 : memref<10000xf32, #tpu.memory_space<vmem>>) target(%dma_start3A_9 : memref<10000xf32, #tpu.memory_space<vmem_shared>>) offsets(%arg8 : memref<10000xi32, #tpu.memory_space<vmem>>) semaphore(%run_scoped3A : memref<!tpu.dma_semaphore, #tpu.memory_space<semaphore_mem>>) {add = true}
      %dma_wait3A = arith.constant 0 : i32
      %dma_wait3A_10 = tpu.memref_slice %arg12[%dma_wait3A] : memref<10000xf32, #tpu.memory_space<vmem_shared>> -> memref<10000xf32, #tpu.memory_space<vmem_shared>>
      tpu.wait_indirect_dma semaphore(%run_scoped3A : memref<!tpu.dma_semaphore, #tpu.memory_space<semaphore_mem>>) src(%arg10 : memref<10000xf32, #tpu.memory_space<vmem>>) dst(%dma_wait3A_10 : memref<10000xf32, #tpu.memory_space<vmem_shared>>)
      tpu.yield
    }) : () -> ()
    "tpu.region"() ({
      %run_scoped3A = tpu.sem_alloc : memref<!tpu.dma_semaphore, #tpu.memory_space<semaphore_mem>>
      %dma_start3A = arith.constant 0 : i32
      %dma_start3A_9 = tpu.memref_slice %arg13[%dma_start3A] : memref<10000xf32, #tpu.memory_space<vmem_shared>> -> memref<10000xf32, #tpu.memory_space<vmem_shared>>
      tpu.enqueue_indirect_dma source(%arg10 : memref<10000xf32, #tpu.memory_space<vmem>>) target(%dma_start3A_9 : memref<10000xf32, #tpu.memory_space<vmem_shared>>) offsets(%arg9 : memref<10000xi32, #tpu.memory_space<vmem>>) semaphore(%run_scoped3A : memref<!tpu.dma_semaphore, #tpu.memory_space<semaphore_mem>>) {add = true}
      %dma_wait3A = arith.constant 0 : i32
      %dma_wait3A_10 = tpu.memref_slice %arg13[%dma_wait3A] : memref<10000xf32, #tpu.memory_space<vmem_shared>> -> memref<10000xf32, #tpu.memory_space<vmem_shared>>
      tpu.wait_indirect_dma semaphore(%run_scoped3A : memref<!tpu.dma_semaphore, #tpu.memory_space<semaphore_mem>>) src(%arg10 : memref<10000xf32, #tpu.memory_space<vmem>>) dst(%dma_wait3A_10 : memref<10000xf32, #tpu.memory_space<vmem_shared>>)
      tpu.yield
    }) : () -> ()
    %barrier3A_3 = arith.constant 0 : index
    tpu.barrier barrier_id(%barrier3A_3)
    %lt3A_4 = arith.constant 10 : i32
    %lt3A_5 = arith.cmpi slt, %arg1, %lt3A_4 : i32
    %convert_element_type3A_6 = arith.extui %lt3A_5 : i1 to i32
    %cond3A_7 = arith.constant 0 : i32
    %cond3A_8 = arith.cmpi ne, %convert_element_type3A_6, %cond3A_7 : i32
    scf.if %cond3A_8 {
      %mul3A_9 = arith.constant 1000 : i32
      %mul3A_10 = arith.muli %arg1, %mul3A_9 : i32
      %mul3A_11 = arith.constant 10000 : i32
      %mul3A_12 = arith.muli %arg0, %mul3A_11 : i32
      %mul3A_13 = arith.constant 1000 : i32
      %mul3A_14 = arith.muli %arg1, %mul3A_13 : i32
      %add3A_15 = arith.addi %mul3A_12, %mul3A_14 : i32
      "tpu.region"() ({
        %run_scoped3A = tpu.sem_alloc : memref<!tpu.dma_semaphore, #tpu.memory_space<semaphore_mem>>
        %dma_start3A = tpu.memref_slice %arg12[%mul3A_10] : memref<10000xf32, #tpu.memory_space<vmem_shared>> -> memref<1000xf32, #tpu.memory_space<vmem_shared>>
        %dma_start3A_16 = tpu.memref_slice %arg12[%mul3A_10] : memref<10000xf32, #tpu.memory_space<vmem_shared>> -> memref<1000xf32, #tpu.memory_space<vmem_shared>>
        tpu.enqueue_dma source(%dma_start3A_16 : memref<1000xf32, #tpu.memory_space<vmem_shared>>) target(%arg11 : memref<1000xf32, #tpu.memory_space<vmem>>) target_semaphore(%run_scoped3A : memref<!tpu.dma_semaphore, #tpu.memory_space<semaphore_mem>>)
        %dma_wait3A = tpu.memref_slice %arg12[%mul3A_10] : memref<10000xf32, #tpu.memory_space<vmem_shared>> -> memref<1000xf32, #tpu.memory_space<vmem_shared>>
        %dma_wait3A_17 = tpu.memref_slice %arg12[%mul3A_10] : memref<10000xf32, #tpu.memory_space<vmem_shared>> -> memref<1000xf32, #tpu.memory_space<vmem_shared>>
        tpu.wait_dma2 semaphore(%run_scoped3A : memref<!tpu.dma_semaphore, #tpu.memory_space<semaphore_mem>>) src(%dma_wait3A_17 : memref<1000xf32, #tpu.memory_space<vmem_shared>>) dst(%arg11 : memref<1000xf32, #tpu.memory_space<vmem>>)
        tpu.yield
      }) : () -> ()
      "tpu.region"() ({
        %run_scoped3A = tpu.sem_alloc : memref<!tpu.dma_semaphore, #tpu.memory_space<semaphore_mem>>
        %dma_start3A = tpu.memref_slice %arg6[%add3A_15] : memref<20000xf32, #tpu.memory_space<hbm>> -> memref<1000xf32, #tpu.memory_space<hbm>>
        %dma_start3A_16 = tpu.memref_slice %arg6[%add3A_15] : memref<20000xf32, #tpu.memory_space<hbm>> -> memref<1000xf32, #tpu.memory_space<hbm>>
        tpu.enqueue_dma source(%arg11 : memref<1000xf32, #tpu.memory_space<vmem>>) target(%dma_start3A_16 : memref<1000xf32, #tpu.memory_space<hbm>>) target_semaphore(%run_scoped3A : memref<!tpu.dma_semaphore, #tpu.memory_space<semaphore_mem>>)
        %dma_wait3A = tpu.memref_slice %arg6[%add3A_15] : memref<20000xf32, #tpu.memory_space<hbm>> -> memref<1000xf32, #tpu.memory_space<hbm>>
        %dma_wait3A_17 = tpu.memref_slice %arg6[%add3A_15] : memref<20000xf32, #tpu.memory_space<hbm>> -> memref<1000xf32, #tpu.memory_space<hbm>>
        tpu.wait_dma2 semaphore(%run_scoped3A : memref<!tpu.dma_semaphore, #tpu.memory_space<semaphore_mem>>) src(%arg11 : memref<1000xf32, #tpu.memory_space<vmem>>) dst(%dma_wait3A_17 : memref<1000xf32, #tpu.memory_space<hbm>>)
        tpu.yield
      }) : () -> ()
      "tpu.region"() ({
        %run_scoped3A = tpu.sem_alloc : memref<!tpu.dma_semaphore, #tpu.memory_space<semaphore_mem>>
        %dma_start3A = tpu.memref_slice %arg13[%mul3A_10] : memref<10000xf32, #tpu.memory_space<vmem_shared>> -> memref<1000xf32, #tpu.memory_space<vmem_shared>>
        %dma_start3A_16 = tpu.memref_slice %arg13[%mul3A_10] : memref<10000xf32, #tpu.memory_space<vmem_shared>> -> memref<1000xf32, #tpu.memory_space<vmem_shared>>
        tpu.enqueue_dma source(%dma_start3A_16 : memref<1000xf32, #tpu.memory_space<vmem_shared>>) target(%arg11 : memref<1000xf32, #tpu.memory_space<vmem>>) target_semaphore(%run_scoped3A : memref<!tpu.dma_semaphore, #tpu.memory_space<semaphore_mem>>)
        %dma_wait3A = tpu.memref_slice %arg13[%mul3A_10] : memref<10000xf32, #tpu.memory_space<vmem_shared>> -> memref<1000xf32, #tpu.memory_space<vmem_shared>>
        %dma_wait3A_17 = tpu.memref_slice %arg13[%mul3A_10] : memref<10000xf32, #tpu.memory_space<vmem_shared>> -> memref<1000xf32, #tpu.memory_space<vmem_shared>>
        tpu.wait_dma2 semaphore(%run_scoped3A : memref<!tpu.dma_semaphore, #tpu.memory_space<semaphore_mem>>) src(%dma_wait3A_17 : memref<1000xf32, #tpu.memory_space<vmem_shared>>) dst(%arg11 : memref<1000xf32, #tpu.memory_space<vmem>>)
        tpu.yield
      }) : () -> ()
      "tpu.region"() ({
        %run_scoped3A = tpu.sem_alloc : memref<!tpu.dma_semaphore, #tpu.memory_space<semaphore_mem>>
        %dma_start3A = tpu.memref_slice %arg7[%add3A_15] : memref<20000xf32, #tpu.memory_space<hbm>> -> memref<1000xf32, #tpu.memory_space<hbm>>
        %dma_start3A_16 = tpu.memref_slice %arg7[%add3A_15] : memref<20000xf32, #tpu.memory_space<hbm>> -> memref<1000xf32, #tpu.memory_space<hbm>>
        tpu.enqueue_dma source(%arg11 : memref<1000xf32, #tpu.memory_space<vmem>>) target(%dma_start3A_16 : memref<1000xf32, #tpu.memory_space<hbm>>) target_semaphore(%run_scoped3A : memref<!tpu.dma_semaphore, #tpu.memory_space<semaphore_mem>>)
        %dma_wait3A = tpu.memref_slice %arg7[%add3A_15] : memref<20000xf32, #tpu.memory_space<hbm>> -> memref<1000xf32, #tpu.memory_space<hbm>>
        %dma_wait3A_17 = tpu.memref_slice %arg7[%add3A_15] : memref<20000xf32, #tpu.memory_space<hbm>> -> memref<1000xf32, #tpu.memory_space<hbm>>
        tpu.wait_dma2 semaphore(%run_scoped3A : memref<!tpu.dma_semaphore, #tpu.memory_space<semaphore_mem>>) src(%arg11 : memref<1000xf32, #tpu.memory_space<vmem>>) dst(%dma_wait3A_17 : memref<1000xf32, #tpu.memory_space<hbm>>)
        tpu.yield
      }) : () -> ()
    } else {
    }
    return
  }
}

#map = affine_map<(d0, d1) -> (0, 0)>
#map1 = affine_map<(d0, d1) -> (0, 0, 0)>
module attributes {stable_mosaic.version = 14 : i64} {
  func.func @agg_kernel(%arg0: i32, %arg1: i32, %arg2: memref<10000x48xf32, #tpu.memory_space<hbm>>, %arg3: memref<32x10000xi32, #tpu.memory_space<hbm>>, %arg4: memref<32x10000xi32, #tpu.memory_space<hbm>>, %arg5: memref<400x48xf32, #tpu.memory_space<hbm>>, %arg6: memref<2x10000x48xf32, #tpu.memory_space<hbm>>, %arg7: memref<10000xi32, #tpu.memory_space<vmem>>, %arg8: memref<10000xi32, #tpu.memory_space<vmem>>, %arg9: memref<400x48xf32, #tpu.memory_space<vmem>>, %arg10: memref<400x48xf32, #tpu.memory_space<vmem>>, %arg11: memref<400x48xf32, #tpu.memory_space<vmem>>, %arg12: memref<400x48xf32, #tpu.memory_space<vmem>>, %arg13: memref<10000x48xf32, #tpu.memory_space<vmem_shared>>, %arg14: memref<!tpu.dma_semaphore, #tpu.memory_space<semaphore_mem>>, %arg15: memref<!tpu.dma_semaphore, #tpu.memory_space<semaphore_mem>>, %arg16: memref<!tpu.dma_semaphore, #tpu.memory_space<semaphore_mem>>, %arg17: memref<!tpu.dma_semaphore, #tpu.memory_space<semaphore_mem>>) attributes {dimension_semantics = [#tpu.dimension_semantics<core_parallel>, #tpu.dimension_semantics<subcore_parallel>], iteration_bounds = array<i64: 2, 16>, scalar_prefetch = 0 : i64, scratch_operands = 11 : i64, tpu.core_type = #tpu.core_type<sc_vector_subcore>, window_params = [{transform_indices = #map}, {transform_indices = #map}, {transform_indices = #map}, {transform_indices = #map}, {transform_indices = #map1}]} {
    %mul3A = arith.constant 2 : i32
    %mul3A_0 = arith.muli %arg1, %mul3A : i32
    %add3A = arith.addi %mul3A_0, %arg0 : i32
    "tpu.region"() ({
      %run_scoped3A = tpu.sem_alloc : memref<!tpu.dma_semaphore, #tpu.memory_space<semaphore_mem>>
      tpu.enqueue_dma source(%arg5 : memref<400x48xf32, #tpu.memory_space<hbm>>) target(%arg9 : memref<400x48xf32, #tpu.memory_space<vmem>>) target_semaphore(%run_scoped3A : memref<!tpu.dma_semaphore, #tpu.memory_space<semaphore_mem>>)
      tpu.wait_dma2 semaphore(%run_scoped3A : memref<!tpu.dma_semaphore, #tpu.memory_space<semaphore_mem>>) src(%arg5 : memref<400x48xf32, #tpu.memory_space<hbm>>) dst(%arg9 : memref<400x48xf32, #tpu.memory_space<vmem>>)
      tpu.yield
    }) : () -> ()
    %add3A_1 = arith.constant 0 : i32
    %add3A_2 = arith.addi %add3A_1, %arg1 : i32
    %lt3A = arith.constant 25 : i32
    %lt3A_3 = arith.cmpi slt, %add3A_2, %lt3A : i32
    %convert_element_type3A = arith.extui %lt3A_3 : i1 to i32
    %cond3A = arith.constant 0 : i32
    %cond3A_4 = arith.cmpi ne, %convert_element_type3A, %cond3A : i32
    scf.if %cond3A_4 {
      %mul3A_55 = arith.constant 400 : i32
      %mul3A_56 = arith.muli %add3A_2, %mul3A_55 : i32
      "tpu.region"() ({
        %run_scoped3A = tpu.sem_alloc : memref<!tpu.dma_semaphore, #tpu.memory_space<semaphore_mem>>
        %dma_start3A_57 = arith.constant 0 : i32
        %dma_start3A_58 = tpu.memref_slice %arg13[%mul3A_56, %dma_start3A_57] : memref<10000x48xf32, #tpu.memory_space<vmem_shared>> -> memref<400x48xf32, #tpu.memory_space<vmem_shared>>
        %dma_start3A_59 = arith.constant 0 : i32
        %dma_start3A_60 = tpu.memref_slice %arg13[%mul3A_56, %dma_start3A_59] : memref<10000x48xf32, #tpu.memory_space<vmem_shared>> -> memref<400x48xf32, #tpu.memory_space<vmem_shared>>
        tpu.enqueue_dma source(%arg9 : memref<400x48xf32, #tpu.memory_space<vmem>>) target(%dma_start3A_60 : memref<400x48xf32, #tpu.memory_space<vmem_shared>>) target_semaphore(%run_scoped3A : memref<!tpu.dma_semaphore, #tpu.memory_space<semaphore_mem>>)
        %dma_wait3A_61 = arith.constant 0 : i32
        %dma_wait3A_62 = tpu.memref_slice %arg13[%mul3A_56, %dma_wait3A_61] : memref<10000x48xf32, #tpu.memory_space<vmem_shared>> -> memref<400x48xf32, #tpu.memory_space<vmem_shared>>
        %dma_wait3A_63 = arith.constant 0 : i32
        %dma_wait3A_64 = tpu.memref_slice %arg13[%mul3A_56, %dma_wait3A_63] : memref<10000x48xf32, #tpu.memory_space<vmem_shared>> -> memref<400x48xf32, #tpu.memory_space<vmem_shared>>
        tpu.wait_dma2 semaphore(%run_scoped3A : memref<!tpu.dma_semaphore, #tpu.memory_space<semaphore_mem>>) src(%arg9 : memref<400x48xf32, #tpu.memory_space<vmem>>) dst(%dma_wait3A_64 : memref<400x48xf32, #tpu.memory_space<vmem_shared>>)
        tpu.yield
      }) : () -> ()
    } else {
    }
    %add3A_5 = arith.constant 16 : i32
    %add3A_6 = arith.addi %add3A_5, %arg1 : i32
    %lt3A_7 = arith.constant 25 : i32
    %lt3A_8 = arith.cmpi slt, %add3A_6, %lt3A_7 : i32
    %convert_element_type3A_9 = arith.extui %lt3A_8 : i1 to i32
    %cond3A_10 = arith.constant 0 : i32
    %cond3A_11 = arith.cmpi ne, %convert_element_type3A_9, %cond3A_10 : i32
    scf.if %cond3A_11 {
      %mul3A_55 = arith.constant 400 : i32
      %mul3A_56 = arith.muli %add3A_6, %mul3A_55 : i32
      "tpu.region"() ({
        %run_scoped3A = tpu.sem_alloc : memref<!tpu.dma_semaphore, #tpu.memory_space<semaphore_mem>>
        %dma_start3A_57 = arith.constant 0 : i32
        %dma_start3A_58 = tpu.memref_slice %arg13[%mul3A_56, %dma_start3A_57] : memref<10000x48xf32, #tpu.memory_space<vmem_shared>> -> memref<400x48xf32, #tpu.memory_space<vmem_shared>>
        %dma_start3A_59 = arith.constant 0 : i32
        %dma_start3A_60 = tpu.memref_slice %arg13[%mul3A_56, %dma_start3A_59] : memref<10000x48xf32, #tpu.memory_space<vmem_shared>> -> memref<400x48xf32, #tpu.memory_space<vmem_shared>>
        tpu.enqueue_dma source(%arg9 : memref<400x48xf32, #tpu.memory_space<vmem>>) target(%dma_start3A_60 : memref<400x48xf32, #tpu.memory_space<vmem_shared>>) target_semaphore(%run_scoped3A : memref<!tpu.dma_semaphore, #tpu.memory_space<semaphore_mem>>)
        %dma_wait3A_61 = arith.constant 0 : i32
        %dma_wait3A_62 = tpu.memref_slice %arg13[%mul3A_56, %dma_wait3A_61] : memref<10000x48xf32, #tpu.memory_space<vmem_shared>> -> memref<400x48xf32, #tpu.memory_space<vmem_shared>>
        %dma_wait3A_63 = arith.constant 0 : i32
        %dma_wait3A_64 = tpu.memref_slice %arg13[%mul3A_56, %dma_wait3A_63] : memref<10000x48xf32, #tpu.memory_space<vmem_shared>> -> memref<400x48xf32, #tpu.memory_space<vmem_shared>>
        tpu.wait_dma2 semaphore(%run_scoped3A : memref<!tpu.dma_semaphore, #tpu.memory_space<semaphore_mem>>) src(%arg9 : memref<400x48xf32, #tpu.memory_space<vmem>>) dst(%dma_wait3A_64 : memref<400x48xf32, #tpu.memory_space<vmem_shared>>)
        tpu.yield
      }) : () -> ()
    } else {
    }
    "tpu.region"() ({
      %run_scoped3A = tpu.sem_alloc : memref<!tpu.dma_semaphore, #tpu.memory_space<semaphore_mem>>
      %dma_start3A_55 = arith.constant 0 : i32
      %dma_start3A_56 = tpu.memref_slice %arg3[%add3A, %dma_start3A_55] : memref<32x10000xi32, #tpu.memory_space<hbm>> -> memref<1x10000xi32, #tpu.memory_space<hbm>>
      %dma_start3A_57 = tpu.memref_squeeze %dma_start3A_56 : memref<1x10000xi32, #tpu.memory_space<hbm>> -> memref<10000xi32, #tpu.memory_space<hbm>>
      %dma_start3A_58 = arith.constant 0 : i32
      %dma_start3A_59 = tpu.memref_slice %arg3[%add3A, %dma_start3A_58] : memref<32x10000xi32, #tpu.memory_space<hbm>> -> memref<1x10000xi32, #tpu.memory_space<hbm>>
      %dma_start3A_60 = tpu.memref_squeeze %dma_start3A_59 : memref<1x10000xi32, #tpu.memory_space<hbm>> -> memref<10000xi32, #tpu.memory_space<hbm>>
      tpu.enqueue_dma source(%dma_start3A_60 : memref<10000xi32, #tpu.memory_space<hbm>>) target(%arg7 : memref<10000xi32, #tpu.memory_space<vmem>>) target_semaphore(%run_scoped3A : memref<!tpu.dma_semaphore, #tpu.memory_space<semaphore_mem>>)
      %dma_wait3A_61 = arith.constant 0 : i32
      %dma_wait3A_62 = tpu.memref_slice %arg3[%add3A, %dma_wait3A_61] : memref<32x10000xi32, #tpu.memory_space<hbm>> -> memref<1x10000xi32, #tpu.memory_space<hbm>>
      %dma_wait3A_63 = tpu.memref_squeeze %dma_wait3A_62 : memref<1x10000xi32, #tpu.memory_space<hbm>> -> memref<10000xi32, #tpu.memory_space<hbm>>
      %dma_wait3A_64 = arith.constant 0 : i32
      %dma_wait3A_65 = tpu.memref_slice %arg3[%add3A, %dma_wait3A_64] : memref<32x10000xi32, #tpu.memory_space<hbm>> -> memref<1x10000xi32, #tpu.memory_space<hbm>>
      %dma_wait3A_66 = tpu.memref_squeeze %dma_wait3A_65 : memref<1x10000xi32, #tpu.memory_space<hbm>> -> memref<10000xi32, #tpu.memory_space<hbm>>
      tpu.wait_dma2 semaphore(%run_scoped3A : memref<!tpu.dma_semaphore, #tpu.memory_space<semaphore_mem>>) src(%dma_wait3A_66 : memref<10000xi32, #tpu.memory_space<hbm>>) dst(%arg7 : memref<10000xi32, #tpu.memory_space<vmem>>)
      tpu.yield
    }) : () -> ()
    "tpu.region"() ({
      %run_scoped3A = tpu.sem_alloc : memref<!tpu.dma_semaphore, #tpu.memory_space<semaphore_mem>>
      %dma_start3A_55 = arith.constant 0 : i32
      %dma_start3A_56 = tpu.memref_slice %arg4[%add3A, %dma_start3A_55] : memref<32x10000xi32, #tpu.memory_space<hbm>> -> memref<1x10000xi32, #tpu.memory_space<hbm>>
      %dma_start3A_57 = tpu.memref_squeeze %dma_start3A_56 : memref<1x10000xi32, #tpu.memory_space<hbm>> -> memref<10000xi32, #tpu.memory_space<hbm>>
      %dma_start3A_58 = arith.constant 0 : i32
      %dma_start3A_59 = tpu.memref_slice %arg4[%add3A, %dma_start3A_58] : memref<32x10000xi32, #tpu.memory_space<hbm>> -> memref<1x10000xi32, #tpu.memory_space<hbm>>
      %dma_start3A_60 = tpu.memref_squeeze %dma_start3A_59 : memref<1x10000xi32, #tpu.memory_space<hbm>> -> memref<10000xi32, #tpu.memory_space<hbm>>
      tpu.enqueue_dma source(%dma_start3A_60 : memref<10000xi32, #tpu.memory_space<hbm>>) target(%arg8 : memref<10000xi32, #tpu.memory_space<vmem>>) target_semaphore(%run_scoped3A : memref<!tpu.dma_semaphore, #tpu.memory_space<semaphore_mem>>)
      %dma_wait3A_61 = arith.constant 0 : i32
      %dma_wait3A_62 = tpu.memref_slice %arg4[%add3A, %dma_wait3A_61] : memref<32x10000xi32, #tpu.memory_space<hbm>> -> memref<1x10000xi32, #tpu.memory_space<hbm>>
      %dma_wait3A_63 = tpu.memref_squeeze %dma_wait3A_62 : memref<1x10000xi32, #tpu.memory_space<hbm>> -> memref<10000xi32, #tpu.memory_space<hbm>>
      %dma_wait3A_64 = arith.constant 0 : i32
      %dma_wait3A_65 = tpu.memref_slice %arg4[%add3A, %dma_wait3A_64] : memref<32x10000xi32, #tpu.memory_space<hbm>> -> memref<1x10000xi32, #tpu.memory_space<hbm>>
      %dma_wait3A_66 = tpu.memref_squeeze %dma_wait3A_65 : memref<1x10000xi32, #tpu.memory_space<hbm>> -> memref<10000xi32, #tpu.memory_space<hbm>>
      tpu.wait_dma2 semaphore(%run_scoped3A : memref<!tpu.dma_semaphore, #tpu.memory_space<semaphore_mem>>) src(%dma_wait3A_66 : memref<10000xi32, #tpu.memory_space<hbm>>) dst(%arg8 : memref<10000xi32, #tpu.memory_space<vmem>>)
      tpu.yield
    }) : () -> ()
    %barrier3A = arith.constant 0 : index
    tpu.barrier barrier_id(%barrier3A)
    %dma_start3A = arith.constant 0 : i32
    %dma_start3A_12 = tpu.memref_slice %arg7[%dma_start3A] : memref<10000xi32, #tpu.memory_space<vmem>> -> memref<400xi32, #tpu.memory_space<vmem>>
    %dma_start3A_13 = arith.constant 0 : i32
    %dma_start3A_14 = arith.constant 0 : i32
    %dma_start3A_15 = tpu.memref_slice %arg2[%dma_start3A_13, %dma_start3A_14] : memref<10000x48xf32, #tpu.memory_space<hbm>> -> memref<10000x48xf32, #tpu.memory_space<hbm>>
    tpu.enqueue_indirect_dma source(%dma_start3A_15 : memref<10000x48xf32, #tpu.memory_space<hbm>>) target(%arg9 : memref<400x48xf32, #tpu.memory_space<vmem>>) offsets(%dma_start3A_12 : memref<400xi32, #tpu.memory_space<vmem>>) semaphore(%arg14 : memref<!tpu.dma_semaphore, #tpu.memory_space<semaphore_mem>>)
    %dma_start3A_16 = arith.constant 400 : i32
    %dma_start3A_17 = tpu.memref_slice %arg7[%dma_start3A_16] : memref<10000xi32, #tpu.memory_space<vmem>> -> memref<400xi32, #tpu.memory_space<vmem>>
    %dma_start3A_18 = arith.constant 0 : i32
    %dma_start3A_19 = arith.constant 0 : i32
    %dma_start3A_20 = tpu.memref_slice %arg2[%dma_start3A_18, %dma_start3A_19] : memref<10000x48xf32, #tpu.memory_space<hbm>> -> memref<10000x48xf32, #tpu.memory_space<hbm>>
    tpu.enqueue_indirect_dma source(%dma_start3A_20 : memref<10000x48xf32, #tpu.memory_space<hbm>>) target(%arg10 : memref<400x48xf32, #tpu.memory_space<vmem>>) offsets(%dma_start3A_17 : memref<400xi32, #tpu.memory_space<vmem>>) semaphore(%arg15 : memref<!tpu.dma_semaphore, #tpu.memory_space<semaphore_mem>>)
    %dma_start3A_21 = arith.constant 800 : i32
    %dma_start3A_22 = tpu.memref_slice %arg7[%dma_start3A_21] : memref<10000xi32, #tpu.memory_space<vmem>> -> memref<400xi32, #tpu.memory_space<vmem>>
    %dma_start3A_23 = arith.constant 0 : i32
    %dma_start3A_24 = arith.constant 0 : i32
    %dma_start3A_25 = tpu.memref_slice %arg2[%dma_start3A_23, %dma_start3A_24] : memref<10000x48xf32, #tpu.memory_space<hbm>> -> memref<10000x48xf32, #tpu.memory_space<hbm>>
    tpu.enqueue_indirect_dma source(%dma_start3A_25 : memref<10000x48xf32, #tpu.memory_space<hbm>>) target(%arg11 : memref<400x48xf32, #tpu.memory_space<vmem>>) offsets(%dma_start3A_22 : memref<400xi32, #tpu.memory_space<vmem>>) semaphore(%arg16 : memref<!tpu.dma_semaphore, #tpu.memory_space<semaphore_mem>>)
    %dma_start3A_26 = arith.constant 1200 : i32
    %dma_start3A_27 = tpu.memref_slice %arg7[%dma_start3A_26] : memref<10000xi32, #tpu.memory_space<vmem>> -> memref<400xi32, #tpu.memory_space<vmem>>
    %dma_start3A_28 = arith.constant 0 : i32
    %dma_start3A_29 = arith.constant 0 : i32
    %dma_start3A_30 = tpu.memref_slice %arg2[%dma_start3A_28, %dma_start3A_29] : memref<10000x48xf32, #tpu.memory_space<hbm>> -> memref<10000x48xf32, #tpu.memory_space<hbm>>
    tpu.enqueue_indirect_dma source(%dma_start3A_30 : memref<10000x48xf32, #tpu.memory_space<hbm>>) target(%arg12 : memref<400x48xf32, #tpu.memory_space<vmem>>) offsets(%dma_start3A_27 : memref<400xi32, #tpu.memory_space<vmem>>) semaphore(%arg17 : memref<!tpu.dma_semaphore, #tpu.memory_space<semaphore_mem>>)
    %scan3A = arith.constant 0 : i32
    %scan3A_31 = arith.constant 0 : i32
    %scan3A_32 = arith.constant 6 : i32
    %scan3A_33 = arith.addi %scan3A_31, %scan3A_32 : i32
    %scan3A_34 = arith.constant 1 : i32
    scf.for %scan3A_55 = %scan3A_31 to %scan3A_33 step %scan3A_34  : i32 {
      %mul3A_56 = arith.constant 4 : i32
      %mul3A_57 = arith.muli %scan3A_55, %mul3A_56 : i32
      %add3A_58 = arith.constant 0 : i32
      %add3A_59 = arith.addi %mul3A_57, %add3A_58 : i32
      %mul3A_60 = arith.constant 400 : i32
      %mul3A_61 = arith.muli %add3A_59, %mul3A_60 : i32
      %dma_wait3A_62 = tpu.memref_slice %arg7[%mul3A_61] : memref<10000xi32, #tpu.memory_space<vmem>> -> memref<400xi32, #tpu.memory_space<vmem>>
      %dma_wait3A_63 = arith.constant 0 : i32
      %dma_wait3A_64 = arith.constant 0 : i32
      %dma_wait3A_65 = tpu.memref_slice %arg2[%dma_wait3A_63, %dma_wait3A_64] : memref<10000x48xf32, #tpu.memory_space<hbm>> -> memref<10000x48xf32, #tpu.memory_space<hbm>>
      tpu.wait_indirect_dma semaphore(%arg14 : memref<!tpu.dma_semaphore, #tpu.memory_space<semaphore_mem>>) src(%dma_wait3A_65 : memref<10000x48xf32, #tpu.memory_space<hbm>>) dst(%arg9 : memref<400x48xf32, #tpu.memory_space<vmem>>)
      %mul3A_66 = arith.constant 400 : i32
      %mul3A_67 = arith.muli %add3A_59, %mul3A_66 : i32
      "tpu.region"() ({
        %run_scoped3A = tpu.sem_alloc : memref<!tpu.dma_semaphore, #tpu.memory_space<semaphore_mem>>
        %dma_start3A_132 = tpu.memref_slice %arg8[%mul3A_67] : memref<10000xi32, #tpu.memory_space<vmem>> -> memref<400xi32, #tpu.memory_space<vmem>>
        %dma_start3A_133 = arith.constant 0 : i32
        %dma_start3A_134 = arith.constant 0 : i32
        %dma_start3A_135 = tpu.memref_slice %arg13[%dma_start3A_133, %dma_start3A_134] : memref<10000x48xf32, #tpu.memory_space<vmem_shared>> -> memref<10000x48xf32, #tpu.memory_space<vmem_shared>>
        tpu.enqueue_indirect_dma source(%arg9 : memref<400x48xf32, #tpu.memory_space<vmem>>) target(%dma_start3A_135 : memref<10000x48xf32, #tpu.memory_space<vmem_shared>>) offsets(%dma_start3A_132 : memref<400xi32, #tpu.memory_space<vmem>>) semaphore(%run_scoped3A : memref<!tpu.dma_semaphore, #tpu.memory_space<semaphore_mem>>) {add = true}
        %dma_wait3A_136 = tpu.memref_slice %arg8[%mul3A_67] : memref<10000xi32, #tpu.memory_space<vmem>> -> memref<400xi32, #tpu.memory_space<vmem>>
        %dma_wait3A_137 = arith.constant 0 : i32
        %dma_wait3A_138 = arith.constant 0 : i32
        %dma_wait3A_139 = tpu.memref_slice %arg13[%dma_wait3A_137, %dma_wait3A_138] : memref<10000x48xf32, #tpu.memory_space<vmem_shared>> -> memref<10000x48xf32, #tpu.memory_space<vmem_shared>>
        tpu.wait_indirect_dma semaphore(%run_scoped3A : memref<!tpu.dma_semaphore, #tpu.memory_space<semaphore_mem>>) src(%arg9 : memref<400x48xf32, #tpu.memory_space<vmem>>) dst(%dma_wait3A_139 : memref<10000x48xf32, #tpu.memory_space<vmem_shared>>)
        tpu.yield
      }) : () -> ()
      %add3A_68 = arith.constant 4 : i32
      %add3A_69 = arith.addi %add3A_59, %add3A_68 : i32
      %lt3A_70 = arith.constant 25 : i32
      %lt3A_71 = arith.cmpi slt, %add3A_69, %lt3A_70 : i32
      %convert_element_type3A_72 = arith.extui %lt3A_71 : i1 to i32
      %cond3A_73 = arith.constant 0 : i32
      %cond3A_74 = arith.cmpi ne, %convert_element_type3A_72, %cond3A_73 : i32
      scf.if %cond3A_74 {
        %mul3A_132 = arith.constant 400 : i32
        %mul3A_133 = arith.muli %add3A_69, %mul3A_132 : i32
        %dma_start3A_134 = tpu.memref_slice %arg7[%mul3A_133] : memref<10000xi32, #tpu.memory_space<vmem>> -> memref<400xi32, #tpu.memory_space<vmem>>
        %dma_start3A_135 = arith.constant 0 : i32
        %dma_start3A_136 = arith.constant 0 : i32
        %dma_start3A_137 = tpu.memref_slice %arg2[%dma_start3A_135, %dma_start3A_136] : memref<10000x48xf32, #tpu.memory_space<hbm>> -> memref<10000x48xf32, #tpu.memory_space<hbm>>
        tpu.enqueue_indirect_dma source(%dma_start3A_137 : memref<10000x48xf32, #tpu.memory_space<hbm>>) target(%arg9 : memref<400x48xf32, #tpu.memory_space<vmem>>) offsets(%dma_start3A_134 : memref<400xi32, #tpu.memory_space<vmem>>) semaphore(%arg14 : memref<!tpu.dma_semaphore, #tpu.memory_space<semaphore_mem>>)
      } else {
      }
      %mul3A_75 = arith.constant 4 : i32
      %mul3A_76 = arith.muli %scan3A_55, %mul3A_75 : i32
      %add3A_77 = arith.constant 1 : i32
      %add3A_78 = arith.addi %mul3A_76, %add3A_77 : i32
      %mul3A_79 = arith.constant 400 : i32
      %mul3A_80 = arith.muli %add3A_78, %mul3A_79 : i32
      %dma_wait3A_81 = tpu.memref_slice %arg7[%mul3A_80] : memref<10000xi32, #tpu.memory_space<vmem>> -> memref<400xi32, #tpu.memory_space<vmem>>
      %dma_wait3A_82 = arith.constant 0 : i32
      %dma_wait3A_83 = arith.constant 0 : i32
      %dma_wait3A_84 = tpu.memref_slice %arg2[%dma_wait3A_82, %dma_wait3A_83] : memref<10000x48xf32, #tpu.memory_space<hbm>> -> memref<10000x48xf32, #tpu.memory_space<hbm>>
      tpu.wait_indirect_dma semaphore(%arg15 : memref<!tpu.dma_semaphore, #tpu.memory_space<semaphore_mem>>) src(%dma_wait3A_84 : memref<10000x48xf32, #tpu.memory_space<hbm>>) dst(%arg10 : memref<400x48xf32, #tpu.memory_space<vmem>>)
      %mul3A_85 = arith.constant 400 : i32
      %mul3A_86 = arith.muli %add3A_78, %mul3A_85 : i32
      "tpu.region"() ({
        %run_scoped3A = tpu.sem_alloc : memref<!tpu.dma_semaphore, #tpu.memory_space<semaphore_mem>>
        %dma_start3A_132 = tpu.memref_slice %arg8[%mul3A_86] : memref<10000xi32, #tpu.memory_space<vmem>> -> memref<400xi32, #tpu.memory_space<vmem>>
        %dma_start3A_133 = arith.constant 0 : i32
        %dma_start3A_134 = arith.constant 0 : i32
        %dma_start3A_135 = tpu.memref_slice %arg13[%dma_start3A_133, %dma_start3A_134] : memref<10000x48xf32, #tpu.memory_space<vmem_shared>> -> memref<10000x48xf32, #tpu.memory_space<vmem_shared>>
        tpu.enqueue_indirect_dma source(%arg10 : memref<400x48xf32, #tpu.memory_space<vmem>>) target(%dma_start3A_135 : memref<10000x48xf32, #tpu.memory_space<vmem_shared>>) offsets(%dma_start3A_132 : memref<400xi32, #tpu.memory_space<vmem>>) semaphore(%run_scoped3A : memref<!tpu.dma_semaphore, #tpu.memory_space<semaphore_mem>>) {add = true}
        %dma_wait3A_136 = tpu.memref_slice %arg8[%mul3A_86] : memref<10000xi32, #tpu.memory_space<vmem>> -> memref<400xi32, #tpu.memory_space<vmem>>
        %dma_wait3A_137 = arith.constant 0 : i32
        %dma_wait3A_138 = arith.constant 0 : i32
        %dma_wait3A_139 = tpu.memref_slice %arg13[%dma_wait3A_137, %dma_wait3A_138] : memref<10000x48xf32, #tpu.memory_space<vmem_shared>> -> memref<10000x48xf32, #tpu.memory_space<vmem_shared>>
        tpu.wait_indirect_dma semaphore(%run_scoped3A : memref<!tpu.dma_semaphore, #tpu.memory_space<semaphore_mem>>) src(%arg10 : memref<400x48xf32, #tpu.memory_space<vmem>>) dst(%dma_wait3A_139 : memref<10000x48xf32, #tpu.memory_space<vmem_shared>>)
        tpu.yield
      }) : () -> ()
      %add3A_87 = arith.constant 4 : i32
      %add3A_88 = arith.addi %add3A_78, %add3A_87 : i32
      %lt3A_89 = arith.constant 25 : i32
      %lt3A_90 = arith.cmpi slt, %add3A_88, %lt3A_89 : i32
      %convert_element_type3A_91 = arith.extui %lt3A_90 : i1 to i32
      %cond3A_92 = arith.constant 0 : i32
      %cond3A_93 = arith.cmpi ne, %convert_element_type3A_91, %cond3A_92 : i32
      scf.if %cond3A_93 {
        %mul3A_132 = arith.constant 400 : i32
        %mul3A_133 = arith.muli %add3A_88, %mul3A_132 : i32
        %dma_start3A_134 = tpu.memref_slice %arg7[%mul3A_133] : memref<10000xi32, #tpu.memory_space<vmem>> -> memref<400xi32, #tpu.memory_space<vmem>>
        %dma_start3A_135 = arith.constant 0 : i32
        %dma_start3A_136 = arith.constant 0 : i32
        %dma_start3A_137 = tpu.memref_slice %arg2[%dma_start3A_135, %dma_start3A_136] : memref<10000x48xf32, #tpu.memory_space<hbm>> -> memref<10000x48xf32, #tpu.memory_space<hbm>>
        tpu.enqueue_indirect_dma source(%dma_start3A_137 : memref<10000x48xf32, #tpu.memory_space<hbm>>) target(%arg10 : memref<400x48xf32, #tpu.memory_space<vmem>>) offsets(%dma_start3A_134 : memref<400xi32, #tpu.memory_space<vmem>>) semaphore(%arg15 : memref<!tpu.dma_semaphore, #tpu.memory_space<semaphore_mem>>)
      } else {
      }
      %mul3A_94 = arith.constant 4 : i32
      %mul3A_95 = arith.muli %scan3A_55, %mul3A_94 : i32
      %add3A_96 = arith.constant 2 : i32
      %add3A_97 = arith.addi %mul3A_95, %add3A_96 : i32
      %mul3A_98 = arith.constant 400 : i32
      %mul3A_99 = arith.muli %add3A_97, %mul3A_98 : i32
      %dma_wait3A_100 = tpu.memref_slice %arg7[%mul3A_99] : memref<10000xi32, #tpu.memory_space<vmem>> -> memref<400xi32, #tpu.memory_space<vmem>>
      %dma_wait3A_101 = arith.constant 0 : i32
      %dma_wait3A_102 = arith.constant 0 : i32
      %dma_wait3A_103 = tpu.memref_slice %arg2[%dma_wait3A_101, %dma_wait3A_102] : memref<10000x48xf32, #tpu.memory_space<hbm>> -> memref<10000x48xf32, #tpu.memory_space<hbm>>
      tpu.wait_indirect_dma semaphore(%arg16 : memref<!tpu.dma_semaphore, #tpu.memory_space<semaphore_mem>>) src(%dma_wait3A_103 : memref<10000x48xf32, #tpu.memory_space<hbm>>) dst(%arg11 : memref<400x48xf32, #tpu.memory_space<vmem>>)
      %mul3A_104 = arith.constant 400 : i32
      %mul3A_105 = arith.muli %add3A_97, %mul3A_104 : i32
      "tpu.region"() ({
        %run_scoped3A = tpu.sem_alloc : memref<!tpu.dma_semaphore, #tpu.memory_space<semaphore_mem>>
        %dma_start3A_132 = tpu.memref_slice %arg8[%mul3A_105] : memref<10000xi32, #tpu.memory_space<vmem>> -> memref<400xi32, #tpu.memory_space<vmem>>
        %dma_start3A_133 = arith.constant 0 : i32
        %dma_start3A_134 = arith.constant 0 : i32
        %dma_start3A_135 = tpu.memref_slice %arg13[%dma_start3A_133, %dma_start3A_134] : memref<10000x48xf32, #tpu.memory_space<vmem_shared>> -> memref<10000x48xf32, #tpu.memory_space<vmem_shared>>
        tpu.enqueue_indirect_dma source(%arg11 : memref<400x48xf32, #tpu.memory_space<vmem>>) target(%dma_start3A_135 : memref<10000x48xf32, #tpu.memory_space<vmem_shared>>) offsets(%dma_start3A_132 : memref<400xi32, #tpu.memory_space<vmem>>) semaphore(%run_scoped3A : memref<!tpu.dma_semaphore, #tpu.memory_space<semaphore_mem>>) {add = true}
        %dma_wait3A_136 = tpu.memref_slice %arg8[%mul3A_105] : memref<10000xi32, #tpu.memory_space<vmem>> -> memref<400xi32, #tpu.memory_space<vmem>>
        %dma_wait3A_137 = arith.constant 0 : i32
        %dma_wait3A_138 = arith.constant 0 : i32
        %dma_wait3A_139 = tpu.memref_slice %arg13[%dma_wait3A_137, %dma_wait3A_138] : memref<10000x48xf32, #tpu.memory_space<vmem_shared>> -> memref<10000x48xf32, #tpu.memory_space<vmem_shared>>
        tpu.wait_indirect_dma semaphore(%run_scoped3A : memref<!tpu.dma_semaphore, #tpu.memory_space<semaphore_mem>>) src(%arg11 : memref<400x48xf32, #tpu.memory_space<vmem>>) dst(%dma_wait3A_139 : memref<10000x48xf32, #tpu.memory_space<vmem_shared>>)
        tpu.yield
      }) : () -> ()
      %add3A_106 = arith.constant 4 : i32
      %add3A_107 = arith.addi %add3A_97, %add3A_106 : i32
      %lt3A_108 = arith.constant 25 : i32
      %lt3A_109 = arith.cmpi slt, %add3A_107, %lt3A_108 : i32
      %convert_element_type3A_110 = arith.extui %lt3A_109 : i1 to i32
      %cond3A_111 = arith.constant 0 : i32
      %cond3A_112 = arith.cmpi ne, %convert_element_type3A_110, %cond3A_111 : i32
      scf.if %cond3A_112 {
        %mul3A_132 = arith.constant 400 : i32
        %mul3A_133 = arith.muli %add3A_107, %mul3A_132 : i32
        %dma_start3A_134 = tpu.memref_slice %arg7[%mul3A_133] : memref<10000xi32, #tpu.memory_space<vmem>> -> memref<400xi32, #tpu.memory_space<vmem>>
        %dma_start3A_135 = arith.constant 0 : i32
        %dma_start3A_136 = arith.constant 0 : i32
        %dma_start3A_137 = tpu.memref_slice %arg2[%dma_start3A_135, %dma_start3A_136] : memref<10000x48xf32, #tpu.memory_space<hbm>> -> memref<10000x48xf32, #tpu.memory_space<hbm>>
        tpu.enqueue_indirect_dma source(%dma_start3A_137 : memref<10000x48xf32, #tpu.memory_space<hbm>>) target(%arg11 : memref<400x48xf32, #tpu.memory_space<vmem>>) offsets(%dma_start3A_134 : memref<400xi32, #tpu.memory_space<vmem>>) semaphore(%arg16 : memref<!tpu.dma_semaphore, #tpu.memory_space<semaphore_mem>>)
      } else {
      }
      %mul3A_113 = arith.constant 4 : i32
      %mul3A_114 = arith.muli %scan3A_55, %mul3A_113 : i32
      %add3A_115 = arith.constant 3 : i32
      %add3A_116 = arith.addi %mul3A_114, %add3A_115 : i32
      %mul3A_117 = arith.constant 400 : i32
      %mul3A_118 = arith.muli %add3A_116, %mul3A_117 : i32
      %dma_wait3A_119 = tpu.memref_slice %arg7[%mul3A_118] : memref<10000xi32, #tpu.memory_space<vmem>> -> memref<400xi32, #tpu.memory_space<vmem>>
      %dma_wait3A_120 = arith.constant 0 : i32
      %dma_wait3A_121 = arith.constant 0 : i32
      %dma_wait3A_122 = tpu.memref_slice %arg2[%dma_wait3A_120, %dma_wait3A_121] : memref<10000x48xf32, #tpu.memory_space<hbm>> -> memref<10000x48xf32, #tpu.memory_space<hbm>>
      tpu.wait_indirect_dma semaphore(%arg17 : memref<!tpu.dma_semaphore, #tpu.memory_space<semaphore_mem>>) src(%dma_wait3A_122 : memref<10000x48xf32, #tpu.memory_space<hbm>>) dst(%arg12 : memref<400x48xf32, #tpu.memory_space<vmem>>)
      %mul3A_123 = arith.constant 400 : i32
      %mul3A_124 = arith.muli %add3A_116, %mul3A_123 : i32
      "tpu.region"() ({
        %run_scoped3A = tpu.sem_alloc : memref<!tpu.dma_semaphore, #tpu.memory_space<semaphore_mem>>
        %dma_start3A_132 = tpu.memref_slice %arg8[%mul3A_124] : memref<10000xi32, #tpu.memory_space<vmem>> -> memref<400xi32, #tpu.memory_space<vmem>>
        %dma_start3A_133 = arith.constant 0 : i32
        %dma_start3A_134 = arith.constant 0 : i32
        %dma_start3A_135 = tpu.memref_slice %arg13[%dma_start3A_133, %dma_start3A_134] : memref<10000x48xf32, #tpu.memory_space<vmem_shared>> -> memref<10000x48xf32, #tpu.memory_space<vmem_shared>>
        tpu.enqueue_indirect_dma source(%arg12 : memref<400x48xf32, #tpu.memory_space<vmem>>) target(%dma_start3A_135 : memref<10000x48xf32, #tpu.memory_space<vmem_shared>>) offsets(%dma_start3A_132 : memref<400xi32, #tpu.memory_space<vmem>>) semaphore(%run_scoped3A : memref<!tpu.dma_semaphore, #tpu.memory_space<semaphore_mem>>) {add = true}
        %dma_wait3A_136 = tpu.memref_slice %arg8[%mul3A_124] : memref<10000xi32, #tpu.memory_space<vmem>> -> memref<400xi32, #tpu.memory_space<vmem>>
        %dma_wait3A_137 = arith.constant 0 : i32
        %dma_wait3A_138 = arith.constant 0 : i32
        %dma_wait3A_139 = tpu.memref_slice %arg13[%dma_wait3A_137, %dma_wait3A_138] : memref<10000x48xf32, #tpu.memory_space<vmem_shared>> -> memref<10000x48xf32, #tpu.memory_space<vmem_shared>>
        tpu.wait_indirect_dma semaphore(%run_scoped3A : memref<!tpu.dma_semaphore, #tpu.memory_space<semaphore_mem>>) src(%arg12 : memref<400x48xf32, #tpu.memory_space<vmem>>) dst(%dma_wait3A_139 : memref<10000x48xf32, #tpu.memory_space<vmem_shared>>)
        tpu.yield
      }) : () -> ()
      %add3A_125 = arith.constant 4 : i32
      %add3A_126 = arith.addi %add3A_116, %add3A_125 : i32
      %lt3A_127 = arith.constant 25 : i32
      %lt3A_128 = arith.cmpi slt, %add3A_126, %lt3A_127 : i32
      %convert_element_type3A_129 = arith.extui %lt3A_128 : i1 to i32
      %cond3A_130 = arith.constant 0 : i32
      %cond3A_131 = arith.cmpi ne, %convert_element_type3A_129, %cond3A_130 : i32
      scf.if %cond3A_131 {
        %mul3A_132 = arith.constant 400 : i32
        %mul3A_133 = arith.muli %add3A_126, %mul3A_132 : i32
        %dma_start3A_134 = tpu.memref_slice %arg7[%mul3A_133] : memref<10000xi32, #tpu.memory_space<vmem>> -> memref<400xi32, #tpu.memory_space<vmem>>
        %dma_start3A_135 = arith.constant 0 : i32
        %dma_start3A_136 = arith.constant 0 : i32
        %dma_start3A_137 = tpu.memref_slice %arg2[%dma_start3A_135, %dma_start3A_136] : memref<10000x48xf32, #tpu.memory_space<hbm>> -> memref<10000x48xf32, #tpu.memory_space<hbm>>
        tpu.enqueue_indirect_dma source(%dma_start3A_137 : memref<10000x48xf32, #tpu.memory_space<hbm>>) target(%arg12 : memref<400x48xf32, #tpu.memory_space<vmem>>) offsets(%dma_start3A_134 : memref<400xi32, #tpu.memory_space<vmem>>) semaphore(%arg17 : memref<!tpu.dma_semaphore, #tpu.memory_space<semaphore_mem>>)
      } else {
      }
    }
    %scan3A_35 = arith.constant 6 : i32
    %dma_wait3A = arith.constant 9600 : i32
    %dma_wait3A_36 = tpu.memref_slice %arg7[%dma_wait3A] : memref<10000xi32, #tpu.memory_space<vmem>> -> memref<400xi32, #tpu.memory_space<vmem>>
    %dma_wait3A_37 = arith.constant 0 : i32
    %dma_wait3A_38 = arith.constant 0 : i32
    %dma_wait3A_39 = tpu.memref_slice %arg2[%dma_wait3A_37, %dma_wait3A_38] : memref<10000x48xf32, #tpu.memory_space<hbm>> -> memref<10000x48xf32, #tpu.memory_space<hbm>>
    tpu.wait_indirect_dma semaphore(%arg14 : memref<!tpu.dma_semaphore, #tpu.memory_space<semaphore_mem>>) src(%dma_wait3A_39 : memref<10000x48xf32, #tpu.memory_space<hbm>>) dst(%arg9 : memref<400x48xf32, #tpu.memory_space<vmem>>)
    "tpu.region"() ({
      %run_scoped3A = tpu.sem_alloc : memref<!tpu.dma_semaphore, #tpu.memory_space<semaphore_mem>>
      %dma_start3A_55 = arith.constant 9600 : i32
      %dma_start3A_56 = tpu.memref_slice %arg8[%dma_start3A_55] : memref<10000xi32, #tpu.memory_space<vmem>> -> memref<400xi32, #tpu.memory_space<vmem>>
      %dma_start3A_57 = arith.constant 0 : i32
      %dma_start3A_58 = arith.constant 0 : i32
      %dma_start3A_59 = tpu.memref_slice %arg13[%dma_start3A_57, %dma_start3A_58] : memref<10000x48xf32, #tpu.memory_space<vmem_shared>> -> memref<10000x48xf32, #tpu.memory_space<vmem_shared>>
      tpu.enqueue_indirect_dma source(%arg9 : memref<400x48xf32, #tpu.memory_space<vmem>>) target(%dma_start3A_59 : memref<10000x48xf32, #tpu.memory_space<vmem_shared>>) offsets(%dma_start3A_56 : memref<400xi32, #tpu.memory_space<vmem>>) semaphore(%run_scoped3A : memref<!tpu.dma_semaphore, #tpu.memory_space<semaphore_mem>>) {add = true}
      %dma_wait3A_60 = arith.constant 9600 : i32
      %dma_wait3A_61 = tpu.memref_slice %arg8[%dma_wait3A_60] : memref<10000xi32, #tpu.memory_space<vmem>> -> memref<400xi32, #tpu.memory_space<vmem>>
      %dma_wait3A_62 = arith.constant 0 : i32
      %dma_wait3A_63 = arith.constant 0 : i32
      %dma_wait3A_64 = tpu.memref_slice %arg13[%dma_wait3A_62, %dma_wait3A_63] : memref<10000x48xf32, #tpu.memory_space<vmem_shared>> -> memref<10000x48xf32, #tpu.memory_space<vmem_shared>>
      tpu.wait_indirect_dma semaphore(%run_scoped3A : memref<!tpu.dma_semaphore, #tpu.memory_space<semaphore_mem>>) src(%arg9 : memref<400x48xf32, #tpu.memory_space<vmem>>) dst(%dma_wait3A_64 : memref<10000x48xf32, #tpu.memory_space<vmem_shared>>)
      tpu.yield
    }) : () -> ()
    %barrier3A_40 = arith.constant 0 : index
    tpu.barrier barrier_id(%barrier3A_40)
    %add3A_41 = arith.constant 0 : i32
    %add3A_42 = arith.addi %add3A_41, %arg1 : i32
    %lt3A_43 = arith.constant 25 : i32
    %lt3A_44 = arith.cmpi slt, %add3A_42, %lt3A_43 : i32
    %convert_element_type3A_45 = arith.extui %lt3A_44 : i1 to i32
    %cond3A_46 = arith.constant 0 : i32
    %cond3A_47 = arith.cmpi ne, %convert_element_type3A_45, %cond3A_46 : i32
    scf.if %cond3A_47 {
      %mul3A_55 = arith.constant 400 : i32
      %mul3A_56 = arith.muli %add3A_42, %mul3A_55 : i32
      "tpu.region"() ({
        %run_scoped3A = tpu.sem_alloc : memref<!tpu.dma_semaphore, #tpu.memory_space<semaphore_mem>>
        %dma_start3A_57 = arith.constant 0 : i32
        %dma_start3A_58 = tpu.memref_slice %arg13[%mul3A_56, %dma_start3A_57] : memref<10000x48xf32, #tpu.memory_space<vmem_shared>> -> memref<400x48xf32, #tpu.memory_space<vmem_shared>>
        %dma_start3A_59 = arith.constant 0 : i32
        %dma_start3A_60 = tpu.memref_slice %arg13[%mul3A_56, %dma_start3A_59] : memref<10000x48xf32, #tpu.memory_space<vmem_shared>> -> memref<400x48xf32, #tpu.memory_space<vmem_shared>>
        tpu.enqueue_dma source(%dma_start3A_60 : memref<400x48xf32, #tpu.memory_space<vmem_shared>>) target(%arg9 : memref<400x48xf32, #tpu.memory_space<vmem>>) target_semaphore(%run_scoped3A : memref<!tpu.dma_semaphore, #tpu.memory_space<semaphore_mem>>)
        %dma_wait3A_61 = arith.constant 0 : i32
        %dma_wait3A_62 = tpu.memref_slice %arg13[%mul3A_56, %dma_wait3A_61] : memref<10000x48xf32, #tpu.memory_space<vmem_shared>> -> memref<400x48xf32, #tpu.memory_space<vmem_shared>>
        %dma_wait3A_63 = arith.constant 0 : i32
        %dma_wait3A_64 = tpu.memref_slice %arg13[%mul3A_56, %dma_wait3A_63] : memref<10000x48xf32, #tpu.memory_space<vmem_shared>> -> memref<400x48xf32, #tpu.memory_space<vmem_shared>>
        tpu.wait_dma2 semaphore(%run_scoped3A : memref<!tpu.dma_semaphore, #tpu.memory_space<semaphore_mem>>) src(%dma_wait3A_64 : memref<400x48xf32, #tpu.memory_space<vmem_shared>>) dst(%arg9 : memref<400x48xf32, #tpu.memory_space<vmem>>)
        tpu.yield
      }) : () -> ()
      "tpu.region"() ({
        %run_scoped3A = tpu.sem_alloc : memref<!tpu.dma_semaphore, #tpu.memory_space<semaphore_mem>>
        %dma_start3A_57 = arith.constant 0 : i32
        %dma_start3A_58 = tpu.memref_slice %arg6[%arg0, %mul3A_56, %dma_start3A_57] : memref<2x10000x48xf32, #tpu.memory_space<hbm>> -> memref<1x400x48xf32, #tpu.memory_space<hbm>>
        %dma_start3A_59 = tpu.memref_squeeze %dma_start3A_58 : memref<1x400x48xf32, #tpu.memory_space<hbm>> -> memref<400x48xf32, #tpu.memory_space<hbm>>
        %dma_start3A_60 = arith.constant 0 : i32
        %dma_start3A_61 = tpu.memref_slice %arg6[%arg0, %mul3A_56, %dma_start3A_60] : memref<2x10000x48xf32, #tpu.memory_space<hbm>> -> memref<1x400x48xf32, #tpu.memory_space<hbm>>
        %dma_start3A_62 = tpu.memref_squeeze %dma_start3A_61 : memref<1x400x48xf32, #tpu.memory_space<hbm>> -> memref<400x48xf32, #tpu.memory_space<hbm>>
        tpu.enqueue_dma source(%arg9 : memref<400x48xf32, #tpu.memory_space<vmem>>) target(%dma_start3A_62 : memref<400x48xf32, #tpu.memory_space<hbm>>) target_semaphore(%run_scoped3A : memref<!tpu.dma_semaphore, #tpu.memory_space<semaphore_mem>>)
        %dma_wait3A_63 = arith.constant 0 : i32
        %dma_wait3A_64 = tpu.memref_slice %arg6[%arg0, %mul3A_56, %dma_wait3A_63] : memref<2x10000x48xf32, #tpu.memory_space<hbm>> -> memref<1x400x48xf32, #tpu.memory_space<hbm>>
        %dma_wait3A_65 = tpu.memref_squeeze %dma_wait3A_64 : memref<1x400x48xf32, #tpu.memory_space<hbm>> -> memref<400x48xf32, #tpu.memory_space<hbm>>
        %dma_wait3A_66 = arith.constant 0 : i32
        %dma_wait3A_67 = tpu.memref_slice %arg6[%arg0, %mul3A_56, %dma_wait3A_66] : memref<2x10000x48xf32, #tpu.memory_space<hbm>> -> memref<1x400x48xf32, #tpu.memory_space<hbm>>
        %dma_wait3A_68 = tpu.memref_squeeze %dma_wait3A_67 : memref<1x400x48xf32, #tpu.memory_space<hbm>> -> memref<400x48xf32, #tpu.memory_space<hbm>>
        tpu.wait_dma2 semaphore(%run_scoped3A : memref<!tpu.dma_semaphore, #tpu.memory_space<semaphore_mem>>) src(%arg9 : memref<400x48xf32, #tpu.memory_space<vmem>>) dst(%dma_wait3A_68 : memref<400x48xf32, #tpu.memory_space<hbm>>)
        tpu.yield
      }) : () -> ()
    } else {
    }
    %add3A_48 = arith.constant 16 : i32
    %add3A_49 = arith.addi %add3A_48, %arg1 : i32
    %lt3A_50 = arith.constant 25 : i32
    %lt3A_51 = arith.cmpi slt, %add3A_49, %lt3A_50 : i32
    %convert_element_type3A_52 = arith.extui %lt3A_51 : i1 to i32
    %cond3A_53 = arith.constant 0 : i32
    %cond3A_54 = arith.cmpi ne, %convert_element_type3A_52, %cond3A_53 : i32
    scf.if %cond3A_54 {
      %mul3A_55 = arith.constant 400 : i32
      %mul3A_56 = arith.muli %add3A_49, %mul3A_55 : i32
      "tpu.region"() ({
        %run_scoped3A = tpu.sem_alloc : memref<!tpu.dma_semaphore, #tpu.memory_space<semaphore_mem>>
        %dma_start3A_57 = arith.constant 0 : i32
        %dma_start3A_58 = tpu.memref_slice %arg13[%mul3A_56, %dma_start3A_57] : memref<10000x48xf32, #tpu.memory_space<vmem_shared>> -> memref<400x48xf32, #tpu.memory_space<vmem_shared>>
        %dma_start3A_59 = arith.constant 0 : i32
        %dma_start3A_60 = tpu.memref_slice %arg13[%mul3A_56, %dma_start3A_59] : memref<10000x48xf32, #tpu.memory_space<vmem_shared>> -> memref<400x48xf32, #tpu.memory_space<vmem_shared>>
        tpu.enqueue_dma source(%dma_start3A_60 : memref<400x48xf32, #tpu.memory_space<vmem_shared>>) target(%arg9 : memref<400x48xf32, #tpu.memory_space<vmem>>) target_semaphore(%run_scoped3A : memref<!tpu.dma_semaphore, #tpu.memory_space<semaphore_mem>>)
        %dma_wait3A_61 = arith.constant 0 : i32
        %dma_wait3A_62 = tpu.memref_slice %arg13[%mul3A_56, %dma_wait3A_61] : memref<10000x48xf32, #tpu.memory_space<vmem_shared>> -> memref<400x48xf32, #tpu.memory_space<vmem_shared>>
        %dma_wait3A_63 = arith.constant 0 : i32
        %dma_wait3A_64 = tpu.memref_slice %arg13[%mul3A_56, %dma_wait3A_63] : memref<10000x48xf32, #tpu.memory_space<vmem_shared>> -> memref<400x48xf32, #tpu.memory_space<vmem_shared>>
        tpu.wait_dma2 semaphore(%run_scoped3A : memref<!tpu.dma_semaphore, #tpu.memory_space<semaphore_mem>>) src(%dma_wait3A_64 : memref<400x48xf32, #tpu.memory_space<vmem_shared>>) dst(%arg9 : memref<400x48xf32, #tpu.memory_space<vmem>>)
        tpu.yield
      }) : () -> ()
      "tpu.region"() ({
        %run_scoped3A = tpu.sem_alloc : memref<!tpu.dma_semaphore, #tpu.memory_space<semaphore_mem>>
        %dma_start3A_57 = arith.constant 0 : i32
        %dma_start3A_58 = tpu.memref_slice %arg6[%arg0, %mul3A_56, %dma_start3A_57] : memref<2x10000x48xf32, #tpu.memory_space<hbm>> -> memref<1x400x48xf32, #tpu.memory_space<hbm>>
        %dma_start3A_59 = tpu.memref_squeeze %dma_start3A_58 : memref<1x400x48xf32, #tpu.memory_space<hbm>> -> memref<400x48xf32, #tpu.memory_space<hbm>>
        %dma_start3A_60 = arith.constant 0 : i32
        %dma_start3A_61 = tpu.memref_slice %arg6[%arg0, %mul3A_56, %dma_start3A_60] : memref<2x10000x48xf32, #tpu.memory_space<hbm>> -> memref<1x400x48xf32, #tpu.memory_space<hbm>>
        %dma_start3A_62 = tpu.memref_squeeze %dma_start3A_61 : memref<1x400x48xf32, #tpu.memory_space<hbm>> -> memref<400x48xf32, #tpu.memory_space<hbm>>
        tpu.enqueue_dma source(%arg9 : memref<400x48xf32, #tpu.memory_space<vmem>>) target(%dma_start3A_62 : memref<400x48xf32, #tpu.memory_space<hbm>>) target_semaphore(%run_scoped3A : memref<!tpu.dma_semaphore, #tpu.memory_space<semaphore_mem>>)
        %dma_wait3A_63 = arith.constant 0 : i32
        %dma_wait3A_64 = tpu.memref_slice %arg6[%arg0, %mul3A_56, %dma_wait3A_63] : memref<2x10000x48xf32, #tpu.memory_space<hbm>> -> memref<1x400x48xf32, #tpu.memory_space<hbm>>
        %dma_wait3A_65 = tpu.memref_squeeze %dma_wait3A_64 : memref<1x400x48xf32, #tpu.memory_space<hbm>> -> memref<400x48xf32, #tpu.memory_space<hbm>>
        %dma_wait3A_66 = arith.constant 0 : i32
        %dma_wait3A_67 = tpu.memref_slice %arg6[%arg0, %mul3A_56, %dma_wait3A_66] : memref<2x10000x48xf32, #tpu.memory_space<hbm>> -> memref<1x400x48xf32, #tpu.memory_space<hbm>>
        %dma_wait3A_68 = tpu.memref_squeeze %dma_wait3A_67 : memref<1x400x48xf32, #tpu.memory_space<hbm>> -> memref<400x48xf32, #tpu.memory_space<hbm>>
        tpu.wait_dma2 semaphore(%run_scoped3A : memref<!tpu.dma_semaphore, #tpu.memory_space<semaphore_mem>>) src(%arg9 : memref<400x48xf32, #tpu.memory_space<vmem>>) dst(%dma_wait3A_68 : memref<400x48xf32, #tpu.memory_space<hbm>>)
        tpu.yield
      }) : () -> ()
    } else {
    }
    return
  }
}

module attributes {stable_mosaic.version = 14 : i64} {
  func.func @_stage1_body(%arg0: i32, %arg1: memref<1000x128xf32, #tpu.memory_space<vmem>>, %arg2: memref<1000x2xf32, #tpu.memory_space<vmem>>, %arg3: memref<128x128xf32, #tpu.memory_space<vmem>>, %arg4: memref<1000x128xf32, #tpu.memory_space<vmem>>) attributes {dimension_semantics = [#tpu.dimension_semantics<arbitrary>], iteration_bounds = array<i64: 10>, scalar_prefetch = 0 : i64, scratch_operands = 0 : i64, tpu.core_type = #tpu.core_type<tc>, window_params = [{transform_indices = @transform_0, window_bounds = array<i64: 1000, 128>}, {transform_indices = @transform_1, window_bounds = array<i64: 1000, 2>}, {pipeline_mode = #tpu.pipeline_mode<synchronous>, transform_indices = @transform_2, window_bounds = array<i64: 128, 128>}, {transform_indices = @transform_3, window_bounds = array<i64: 1000, 128>}]} {
    %get3A = arith.constant 0 : index
    %get3A_0 = arith.constant 0 : index
    %get3A_1 = vector.load %arg1[%get3A, %get3A_0] : memref<1000x128xf32, #tpu.memory_space<vmem>>, vector<1000x128xf32>
    %get3A_2 = arith.constant 0 : index
    %get3A_3 = arith.constant 0 : index
    %get3A_4 = vector.load %arg2[%get3A_2, %get3A_3] : memref<1000x2xf32, #tpu.memory_space<vmem>>, vector<1000x1xf32>
    %get3A_5 = arith.constant 0 : index
    %get3A_6 = arith.constant 1 : index
    %get3A_7 = vector.load %arg2[%get3A_5, %get3A_6] : memref<1000x2xf32, #tpu.memory_space<vmem>>, vector<1000x1xf32>
    %add3A = arith.addf %get3A_4, %get3A_7 : vector<1000x1xf32>
    %max3A = arith.constant 1.000000e+00 : f32
    %max3A_8 = vector.broadcast %max3A : f32 to vector<1000x1xf32>
    %max3A_9 = arith.maximumf %add3A, %max3A_8 : vector<1000x1xf32>
    %rsqrt3A = math.rsqrt %max3A_9 : vector<1000x1xf32>
    %mul3A = vector.broadcast %rsqrt3A : vector<1000x1xf32> to vector<1000x128xf32>
    %mul3A_10 = arith.mulf %get3A_1, %mul3A : vector<1000x128xf32>
    %get3A_11 = arith.constant 0 : index
    %get3A_12 = arith.constant 0 : index
    %get3A_13 = vector.load %arg3[%get3A_11, %get3A_12] : memref<128x128xf32, #tpu.memory_space<vmem>>, vector<128x128xf32>
    %dot_general3A = arith.constant dense<0.000000e+00> : vector<1000x128xf32>
    %dot_general3A_14 = tpu.matmul %mul3A_10, %get3A_13, %dot_general3A {dimension_numbers = #tpu.dot_dimension_numbers<[1], [0], [0], [1], [0, 0, 1, 1], [], []>, transpose_lhs_hint = false} : vector<1000x128xf32>, vector<128x128xf32>, vector<1000x128xf32> -> vector<1000x128xf32>
    %swap3A = arith.constant 0 : index
    %swap3A_15 = arith.constant 0 : index
    %swap3A_16 = vector.load %arg4[%swap3A, %swap3A_15] : memref<1000x128xf32, #tpu.memory_space<vmem>>, vector<1000x128xf32>
    tpu.vector_store %arg4[%swap3A, %swap3A_15], %dot_general3A_14 {strides = array<i32>} : memref<1000x128xf32, #tpu.memory_space<vmem>>, vector<1000x128xf32>,
    return
  }
  func.func @transform_0(%arg0: i32) -> (i32, i32) {
    %c0_i32 = arith.constant 0 : i32
    %c0_i32_0 = arith.constant 0 : i32
    return %arg0, %c0_i32 : i32, i32
  }
  func.func @transform_1(%arg0: i32) -> (i32, i32) {
    %c0_i32 = arith.constant 0 : i32
    %c0_i32_0 = arith.constant 0 : i32
    return %arg0, %c0_i32 : i32, i32
  }
  func.func @transform_2(%arg0: i32) -> (i32, i32) {
    %c0_i32 = arith.constant 0 : i32
    %c0_i32_0 = arith.constant 0 : i32
    %c0_i32_1 = arith.constant 0 : i32
    return %c0_i32, %c0_i32_0 : i32, i32
  }
  func.func @transform_3(%arg0: i32) -> (i32, i32) {
    %c0_i32 = arith.constant 0 : i32
    %c0_i32_0 = arith.constant 0 : i32
    return %arg0, %c0_i32 : i32, i32
  }
}

module attributes {stable_mosaic.version = 14 : i64} {
  func.func @_stage2_body(%arg0: i32, %arg1: memref<2x1000x128xf32, #tpu.memory_space<vmem>>, %arg2: memref<1000x2xf32, #tpu.memory_space<vmem>>, %arg3: memref<1000x2xf32, #tpu.memory_space<vmem>>, %arg4: memref<1x128xf32, #tpu.memory_space<vmem>>, %arg5: memref<128x48xf32, #tpu.memory_space<vmem>>, %arg6: memref<1000x48xf32, #tpu.memory_space<vmem>>) attributes {dimension_semantics = [#tpu.dimension_semantics<arbitrary>], iteration_bounds = array<i64: 10>, scalar_prefetch = 0 : i64, scratch_operands = 0 : i64, tpu.core_type = #tpu.core_type<tc>, window_params = [{transform_indices = @transform_0, window_bounds = array<i64: 2, 1000, 128>}, {transform_indices = @transform_1, window_bounds = array<i64: 1000, 2>}, {transform_indices = @transform_2, window_bounds = array<i64: 1000, 2>}, {pipeline_mode = #tpu.pipeline_mode<synchronous>, transform_indices = @transform_3, window_bounds = array<i64: 1, 128>}, {pipeline_mode = #tpu.pipeline_mode<synchronous>, transform_indices = @transform_4, window_bounds = array<i64: 128, 48>}, {transform_indices = @transform_5, window_bounds = array<i64: 1000, 48>}]} {
    %get3A = arith.constant 0 : index
    %get3A_0 = arith.constant 0 : index
    %get3A_1 = arith.constant 0 : index
    %get3A_2 = vector.load %arg1[%get3A, %get3A_0, %get3A_1] : memref<2x1000x128xf32, #tpu.memory_space<vmem>>, vector<1x1000x128xf32>
    %get3A_3 = vector.shape_cast %get3A_2 : vector<1x1000x128xf32> to vector<1000x128xf32>
    %get3A_4 = arith.constant 1 : index
    %get3A_5 = arith.constant 0 : index
    %get3A_6 = arith.constant 0 : index
    %get3A_7 = vector.load %arg1[%get3A_4, %get3A_5, %get3A_6] : memref<2x1000x128xf32, #tpu.memory_space<vmem>>, vector<1x1000x128xf32>
    %get3A_8 = vector.shape_cast %get3A_7 : vector<1x1000x128xf32> to vector<1000x128xf32>
    %add3A = arith.addf %get3A_3, %get3A_8 : vector<1000x128xf32>
    %get3A_9 = arith.constant 0 : index
    %get3A_10 = arith.constant 0 : index
    %get3A_11 = vector.load %arg3[%get3A_9, %get3A_10] : memref<1000x2xf32, #tpu.memory_space<vmem>>, vector<1000x1xf32>
    %get3A_12 = arith.constant 0 : index
    %get3A_13 = arith.constant 1 : index
    %get3A_14 = vector.load %arg3[%get3A_12, %get3A_13] : memref<1000x2xf32, #tpu.memory_space<vmem>>, vector<1000x1xf32>
    %add3A_15 = arith.addf %get3A_11, %get3A_14 : vector<1000x1xf32>
    %max3A = arith.constant 1.000000e+00 : f32
    %max3A_16 = vector.broadcast %max3A : f32 to vector<1000x1xf32>
    %max3A_17 = arith.maximumf %add3A_15, %max3A_16 : vector<1000x1xf32>
    %rsqrt3A = math.rsqrt %max3A_17 : vector<1000x1xf32>
    %mul3A = vector.broadcast %rsqrt3A : vector<1000x1xf32> to vector<1000x128xf32>
    %mul3A_18 = arith.mulf %add3A, %mul3A : vector<1000x128xf32>
    %get3A_19 = arith.constant 0 : index
    %get3A_20 = arith.constant 0 : index
    %get3A_21 = vector.load %arg4[%get3A_19, %get3A_20] : memref<1x128xf32, #tpu.memory_space<vmem>>, vector<1x128xf32>
    %add3A_22 = vector.broadcast %get3A_21 : vector<1x128xf32> to vector<1000x128xf32>
    %add3A_23 = arith.addf %mul3A_18, %add3A_22 : vector<1000x128xf32>
    %max3A_24 = arith.constant 0.000000e+00 : f32
    %max3A_25 = vector.broadcast %max3A_24 : f32 to vector<1000x128xf32>
    %max3A_26 = arith.maximumf %add3A_23, %max3A_25 : vector<1000x128xf32>
    %get3A_27 = arith.constant 0 : index
    %get3A_28 = arith.constant 0 : index
    %get3A_29 = vector.load %arg2[%get3A_27, %get3A_28] : memref<1000x2xf32, #tpu.memory_space<vmem>>, vector<1000x1xf32>
    %get3A_30 = arith.constant 0 : index
    %get3A_31 = arith.constant 1 : index
    %get3A_32 = vector.load %arg2[%get3A_30, %get3A_31] : memref<1000x2xf32, #tpu.memory_space<vmem>>, vector<1000x1xf32>
    %add3A_33 = arith.addf %get3A_29, %get3A_32 : vector<1000x1xf32>
    %max3A_34 = arith.constant 1.000000e+00 : f32
    %max3A_35 = vector.broadcast %max3A_34 : f32 to vector<1000x1xf32>
    %max3A_36 = arith.maximumf %add3A_33, %max3A_35 : vector<1000x1xf32>
    %rsqrt3A_37 = math.rsqrt %max3A_36 : vector<1000x1xf32>
    %mul3A_38 = vector.broadcast %rsqrt3A_37 : vector<1000x1xf32> to vector<1000x128xf32>
    %mul3A_39 = arith.mulf %max3A_26, %mul3A_38 : vector<1000x128xf32>
    %get3A_40 = arith.constant 0 : index
    %get3A_41 = arith.constant 0 : index
    %get3A_42 = vector.load %arg5[%get3A_40, %get3A_41] : memref<128x48xf32, #tpu.memory_space<vmem>>, vector<128x48xf32>
    %dot_general3A = arith.constant dense<0.000000e+00> : vector<1000x48xf32>
    %dot_general3A_43 = tpu.matmul %mul3A_39, %get3A_42, %dot_general3A {dimension_numbers = #tpu.dot_dimension_numbers<[1], [0], [0], [1], [0, 0, 1, 1], [], []>, transpose_lhs_hint = false} : vector<1000x128xf32>, vector<128x48xf32>, vector<1000x48xf32> -> vector<1000x48xf32>
    %swap3A = arith.constant 0 : index
    %swap3A_44 = arith.constant 0 : index
    %swap3A_45 = vector.load %arg6[%swap3A, %swap3A_44] : memref<1000x48xf32, #tpu.memory_space<vmem>>, vector<1000x48xf32>
    tpu.vector_store %arg6[%swap3A, %swap3A_44], %dot_general3A_43 {strides = array<i32>} : memref<1000x48xf32, #tpu.memory_space<vmem>>, vector<1000x48xf32>,
    return
  }
  func.func @transform_0(%arg0: i32) -> (i32, i32, i32) {
    %c0_i32 = arith.constant 0 : i32
    %c0_i32_0 = arith.constant 0 : i32
    %c0_i32_1 = arith.constant 0 : i32
    return %c0_i32, %arg0, %c0_i32_0 : i32, i32, i32
  }
  func.func @transform_1(%arg0: i32) -> (i32, i32) {
    %c0_i32 = arith.constant 0 : i32
    %c0_i32_0 = arith.constant 0 : i32
    return %arg0, %c0_i32 : i32, i32
  }
  func.func @transform_2(%arg0: i32) -> (i32, i32) {
    %c0_i32 = arith.constant 0 : i32
    %c0_i32_0 = arith.constant 0 : i32
    return %arg0, %c0_i32 : i32, i32
  }
  func.func @transform_3(%arg0: i32) -> (i32, i32) {
    %c0_i32 = arith.constant 0 : i32
    %c0_i32_0 = arith.constant 0 : i32
    %c0_i32_1 = arith.constant 0 : i32
    return %c0_i32, %c0_i32_0 : i32, i32
  }
  func.func @transform_4(%arg0: i32) -> (i32, i32) {
    %c0_i32 = arith.constant 0 : i32
    %c0_i32_0 = arith.constant 0 : i32
    %c0_i32_1 = arith.constant 0 : i32
    return %c0_i32, %c0_i32_0 : i32, i32
  }
  func.func @transform_5(%arg0: i32) -> (i32, i32) {
    %c0_i32 = arith.constant 0 : i32
    %c0_i32_0 = arith.constant 0 : i32
    return %arg0, %c0_i32 : i32, i32
  }
}

module attributes {stable_mosaic.version = 14 : i64} {
  func.func @_stage3_body(%arg0: i32, %arg1: memref<2x1000x48xf32, #tpu.memory_space<vmem>>, %arg2: memref<1000x2xf32, #tpu.memory_space<vmem>>, %arg3: memref<1x48xf32, #tpu.memory_space<vmem>>, %arg4: memref<1000x48xf32, #tpu.memory_space<vmem>>) attributes {dimension_semantics = [#tpu.dimension_semantics<arbitrary>], iteration_bounds = array<i64: 10>, scalar_prefetch = 0 : i64, scratch_operands = 0 : i64, tpu.core_type = #tpu.core_type<tc>, window_params = [{transform_indices = @transform_0, window_bounds = array<i64: 2, 1000, 48>}, {transform_indices = @transform_1, window_bounds = array<i64: 1000, 2>}, {pipeline_mode = #tpu.pipeline_mode<synchronous>, transform_indices = @transform_2, window_bounds = array<i64: 1, 48>}, {transform_indices = @transform_3, window_bounds = array<i64: 1000, 48>}]} {
    %get3A = arith.constant 0 : index
    %get3A_0 = arith.constant 0 : index
    %get3A_1 = arith.constant 0 : index
    %get3A_2 = vector.load %arg1[%get3A, %get3A_0, %get3A_1] : memref<2x1000x48xf32, #tpu.memory_space<vmem>>, vector<1x1000x48xf32>
    %get3A_3 = vector.shape_cast %get3A_2 : vector<1x1000x48xf32> to vector<1000x48xf32>
    %get3A_4 = arith.constant 1 : index
    %get3A_5 = arith.constant 0 : index
    %get3A_6 = arith.constant 0 : index
    %get3A_7 = vector.load %arg1[%get3A_4, %get3A_5, %get3A_6] : memref<2x1000x48xf32, #tpu.memory_space<vmem>>, vector<1x1000x48xf32>
    %get3A_8 = vector.shape_cast %get3A_7 : vector<1x1000x48xf32> to vector<1000x48xf32>
    %add3A = arith.addf %get3A_3, %get3A_8 : vector<1000x48xf32>
    %get3A_9 = arith.constant 0 : index
    %get3A_10 = arith.constant 0 : index
    %get3A_11 = vector.load %arg2[%get3A_9, %get3A_10] : memref<1000x2xf32, #tpu.memory_space<vmem>>, vector<1000x1xf32>
    %get3A_12 = arith.constant 0 : index
    %get3A_13 = arith.constant 1 : index
    %get3A_14 = vector.load %arg2[%get3A_12, %get3A_13] : memref<1000x2xf32, #tpu.memory_space<vmem>>, vector<1000x1xf32>
    %add3A_15 = arith.addf %get3A_11, %get3A_14 : vector<1000x1xf32>
    %max3A = arith.constant 1.000000e+00 : f32
    %max3A_16 = vector.broadcast %max3A : f32 to vector<1000x1xf32>
    %max3A_17 = arith.maximumf %add3A_15, %max3A_16 : vector<1000x1xf32>
    %rsqrt3A = math.rsqrt %max3A_17 : vector<1000x1xf32>
    %mul3A = vector.broadcast %rsqrt3A : vector<1000x1xf32> to vector<1000x48xf32>
    %mul3A_18 = arith.mulf %add3A, %mul3A : vector<1000x48xf32>
    %get3A_19 = arith.constant 0 : index
    %get3A_20 = arith.constant 0 : index
    %get3A_21 = vector.load %arg3[%get3A_19, %get3A_20] : memref<1x48xf32, #tpu.memory_space<vmem>>, vector<1x48xf32>
    %add3A_22 = vector.broadcast %get3A_21 : vector<1x48xf32> to vector<1000x48xf32>
    %add3A_23 = arith.addf %mul3A_18, %add3A_22 : vector<1000x48xf32>
    %swap3A = arith.constant 0 : index
    %swap3A_24 = arith.constant 0 : index
    %swap3A_25 = vector.load %arg4[%swap3A, %swap3A_24] : memref<1000x48xf32, #tpu.memory_space<vmem>>, vector<1000x48xf32>
    tpu.vector_store %arg4[%swap3A, %swap3A_24], %add3A_23 {strides = array<i32>} : memref<1000x48xf32, #tpu.memory_space<vmem>>, vector<1000x48xf32>,
    return
  }
  func.func @transform_0(%arg0: i32) -> (i32, i32, i32) {
    %c0_i32 = arith.constant 0 : i32
    %c0_i32_0 = arith.constant 0 : i32
    %c0_i32_1 = arith.constant 0 : i32
    return %c0_i32, %arg0, %c0_i32_0 : i32, i32, i32
  }
  func.func @transform_1(%arg0: i32) -> (i32, i32) {
    %c0_i32 = arith.constant 0 : i32
    %c0_i32_0 = arith.constant 0 : i32
    return %arg0, %c0_i32 : i32, i32
  }
  func.func @transform_2(%arg0: i32) -> (i32, i32) {
    %c0_i32 = arith.constant 0 : i32
    %c0_i32_0 = arith.constant 0 : i32
    %c0_i32_1 = arith.constant 0 : i32
    return %c0_i32, %c0_i32_0 : i32, i32
  }
  func.func @transform_3(%arg0: i32) -> (i32, i32) {
    %c0_i32 = arith.constant 0 : i32
    %c0_i32_0 = arith.constant 0 : i32
    return %arg0, %c0_i32 : i32, i32
  }
}

</mosaic_0001>

<sc_bundles>
// kernel: kernel.11.cloned.1.call-start
scs
__scs_entry_jumppad:
0x0: {  	(pc) =	sbr.rel $0x88, $3  }
0x1: {  	(tag) =	ssettag $0x0;
	lr =	simm.s32 $0x1  }
0x2: {  	[smem:$0x3F9B] =	sst lr;
	_ =	strace $0xD0000000  }
0x3: {  	_ = 	snop  }
0x4: {  	_ = 	snop  }
0x5: {  	_ = 	snop  }
0x6: {  	_ = 	snop  }
0x7: {  	_ = 	snop  }
__scs_overlays_trampoline_lowered:
0x8: {  	[smem:$0x3FAA] =	sst s0  }
0x9: {  	[smem:$0x3FAB] =	sst s1  }
0xa: {  	[smem:$0x3FAC] =	sst s2  }
0xb: {  	[smem:$0x3FAD] =	sst s3  }
0xc: {  	[smem:$0x3FAE] =	sst s4  }
0xd: {  	[smem:$0x3FAF] =	sst s5  }
0xe: {  	[smem:$0x3FB0] =	sst s6  }
0xf: {  	[smem:$0x3FB1] =	sst s7  }
0x10: {  	[smem:$0x3FB2] =	sst s8  }
0x11: {  	[smem:$0x3FB3] =	sst s9;
	s0 =	simm.s32 @!p0 $0x0  }
0x12: {  	s1 =	sld [smem:$0x3F99];
	s0 =	simm.s32 @p0 $0x1  }
0x13: {  	[smem:$0x3FB4] =	sst s0;
	s0 =	simm.s32 @!p1 $0x0  }
0x14: {  	s2 =	sld [smem:$0x3F98];
	s0 =	simm.s32 @p1 $0x1  }
0x15: {  	[smem:$0x3FB5] =	sst s0;
	s0 =	simm.s32 @!p2 $0x0  }
0x16: {  	s3 =	sld [smem:$0x3FDB];
	s0 =	simm.s32 @p2 $0x1  }
0x17: {  	s4 =	simm.s32 $0x1BF5;
	[smem:$0x3FB7] =	sst s0  }
0x18: {  	s0 =	sld [smem:$0x3F9A];
	_ =	swait.ge [sflag:s4], $0x0  }
0x19: {  	s7 =	sld [smem:$0x3F9B]  }
0x1a: {  	s8 =	sadd.s32 $0xFFFFE003, lr  }
0x1b: {  	s9 =	sadd.s32 $0xFFFFFEF7, lr;
	s5 =	simm.s32 $0xFFFFFFFF;
	p2 =	slt.u32 s8, $0xFFFFF086  }
0x1c: {  	p1 =	slt.u32 s9, $0xF7A;
	s5 =	simm.s32 @!p2 $0x0  }
0x1d: {  	s5 =	simm.s32 @p1 $0x1;
	p0 =	seq.s32 s7, s2  }
0x1e: {  	s7 =	smul.u32 @!p0 $0xF7A, s2;
	p2 =	seq.s32 @!p0 s5, $0x0  }
0x1f: {  	s9 =	smul.u32 $0xF7A, s1;
	s8 =	simm.s32 @!p0 $0x1BF5;
	p2 =	por !p2, p0  }
0x20: {  	[sflag:s8] =	ssyncset.s32 @!p0 $0xFFFFF086;
	s6 =	sadd.s32 @!p0 s3, s7;
	s7 =	simm.s32 @!p0 $0x108  }
0x21: {  	s3 =	sadd.s32 s3, s9;
	s6 =	sadd.s32 @!p0 $0x88, s6;
	s7 =	simm.s32 @p2 $0x1082  }
0x22: {  	[simem:s7], [sflag:s8] =	dma.local @!p0 [hbm:s6], $0xF7A  }
0x23: {  	s9 =	sor.u32 $0xD0000000, s2;
	s6 =	simm.s32 $0x108;
	_ =	swait.ge @!p0 [sflag:s8], $0x0  }
0x24: {  	s3 =	sadd.s32 $0x88, s3;
	s6 =	simm.s32 @!p1 $0x1082;
	[sflag:s4] =	ssyncset.s32 $0xFFFFF086  }
0x25: {  	[simem:s6], [sflag:s4] =	dma.local [hbm:s3], $0xF7A  }
0x26: {  	[smem:$0x3F9B] =	sst s1;
	(tag) =	ssettag s2;
	_ =	strace s9  }
0x27: {  	s1 =	sld [smem:$0x3FAB]  }
0x28: {  	s2 =	sld [smem:$0x3FAC]  }
0x29: {  	s4 =	sld [smem:$0x3FAE]  }
0x2a: {  	p0 =	seq.s32 s5, $0x0;
	s5 =	sld [smem:$0x3FAF]  }
0x2b: {  	s6 =	sld [smem:$0x3FB0]  }
0x2c: {  	s7 =	sld [smem:$0x3FB1]  }
0x2d: {  	s3 =	simm.s32 $0x108;
	s8 =	sld [smem:$0x3FB2]  }
0x2e: {  	s3 =	simm.s32 @!p0 $0x1082;
	s9 =	sld [smem:$0x3FB3]  }
0x2f: {  	lr =	sadd.s32 s0, s3;
	s0 =	sld [smem:$0x3FAA]  }
0x30: {  	s3 =	sld [smem:$0x3FAD]  }
0x31: {  	[smem:$0x3FB6] =	sst s10  }
0x32: {  	s10 =	sld [smem:$0x3FB4];
	_ =	sdelay $0x3  }
0x33: {  	p0 =	seq.s32 s10, $0x1;
	s10 =	sld [smem:$0x3FB6];
	_ =	sdelay $0x3  }
0x34: {  	[smem:$0x3FB6] =	sst s10  }
0x35: {  	s10 =	sld [smem:$0x3FB5];
	_ =	sdelay $0x3  }
0x36: {  	p1 =	seq.s32 s10, $0x1;
	s10 =	sld [smem:$0x3FB6];
	_ =	sdelay $0x3  }
0x37: {  	[smem:$0x3FB6] =	sst s10  }
0x38: {  	s10 =	sld [smem:$0x3FB7]  }
0x39: {  	_ = 	snop;
	(pc) =	sbr.ind lr, $3  }
0x3a: {  	_ = 	snop  }
0x3b: {  	_ = 	snop  }
0x3c: {  	p2 =	seq.s32 s10, $0x1;
	s10 =	sld [smem:$0x3FB6]  }
0x3d: {  	_ =	shalt  }
0x3e: {  	_ =	shalt  }
0x3f: {  	_ =	shalt  }
0x40: {  	_ =	shalt  }
0x41: {  	_ =	shalt  }
0x42: {  	_ =	shalt  }
0x43: {  	_ =	shalt  }
0x44: {  	_ =	shalt  }
0x45: {  	_ =	shalt  }
0x46: {  	_ =	shalt  }
0x47: {  	_ =	shalt  }
0x48: {  	_ =	shalt  }
0x49: {  	_ =	shalt  }
0x4a: {  	_ =	shalt  }
0x4b: {  	_ =	shalt  }
0x4c: {  	_ =	shalt  }
0x4d: {  	_ =	shalt  }
0x4e: {  	_ =	shalt  }
0x4f: {  	_ =	shalt  }
0x50: {  	_ =	shalt  }
0x51: {  	_ =	shalt  }
0x52: {  	_ =	shalt  }
0x53: {  	_ =	shalt  }
0x54: {  	_ =	shalt  }
0x55: {  	_ =	shalt  }
0x56: {  	_ =	shalt  }
0x57: {  	_ =	shalt  }
0x58: {  	_ =	shalt  }
0x59: {  	_ =	shalt  }
0x5a: {  	_ =	shalt  }
0x5b: {  	_ =	shalt  }
0x5c: {  	_ =	shalt  }
0x5d: {  	_ =	shalt  }
0x5e: {  	_ =	shalt  }
0x5f: {  	_ =	shalt  }
0x60: {  	_ =	shalt  }
0x61: {  	_ =	shalt  }
0x62: {  	_ =	shalt  }
0x63: {  	_ =	shalt  }
0x64: {  	_ =	shalt  }
0x65: {  	_ =	shalt  }
0x66: {  	_ =	shalt  }
0x67: {  	_ =	shalt  }
0x68: {  	_ =	shalt  }
0x69: {  	_ =	shalt  }
0x6a: {  	_ =	shalt  }
0x6b: {  	_ =	shalt  }
0x6c: {  	_ =	shalt  }
0x6d: {  	_ =	shalt  }
0x6e: {  	_ =	shalt  }
0x6f: {  	_ =	shalt  }
0x70: {  	_ =	shalt  }
0x71: {  	_ =	shalt  }
0x72: {  	_ =	shalt  }
0x73: {  	_ =	shalt  }
0x74: {  	_ =	shalt  }
0x75: {  	_ =	shalt  }
0x76: {  	_ =	shalt  }
0x77: {  	_ =	shalt  }
0x78: {  	_ =	shalt  }
0x79: {  	_ =	shalt  }
0x7a: {  	_ =	shalt  }
0x7b: {  	_ =	shalt  }
0x7c: {  	_ =	shalt  }
0x7d: {  	_ =	shalt  }
0x7e: {  	_ =	shalt  }
0x7f: {  	_ =	shalt  }
0x80: {  	_ =	shalt  }
0x81: {  	_ =	shalt  }
0x82: {  	_ =	shalt  }
0x83: {  	_ =	shalt  }
0x84: {  	_ =	shalt  }
0x85: {  	_ =	shalt  }
0x86: {  	_ =	shalt  }
0x87: {  	_ =	shalt  }
.Lfunc_end0:
.L_simem_size_0:
called_computation.1_lowered:
.L_overlay_start_0:
0x88: {  	s2 =	sld [smem:$0x3FD9]  }
0x89: {  	s3 =	sld [smem:$0x3FFE];
	_ =	sdelay $0x1  }
0x8a: {  	s1 =	srdreg.scid  }
0x8b: {  	s0 =	sand.u32 $0x1, s1  }
0x8c: {  	s17 =	sshll.u32 s0, $0xA;
	s2 =	sadd.s32 s3, s2  }
0x8d: {  	s2 =	sadd.s32 s2, s17  }
0x8e: {  	[smem:$0x3FC2] =	sst s2  }
0x8f: {  	_ = 	snop  }
0x90: {  	s2 =	sld [smem:$0x3FD0];
	(tm) =	ssettm $0x1  }
0x91: {  	s18 =	sld [smem:$0x3FFB];
	_ =	sdelay $0x3  }
0x92: {  	_ =	strace s18  }
0x93: {  	s3 =	sld [smem:$0x3FFC];
	_ =	sdelay $0x3  }
0x94: {  	_ =	strace s3  }
0x95: {  	s3 =	sld [smem:$0x3FFD];
	_ =	sdelay $0x3  }
0x96: {  	_ =	strace s3  }
0x97: {  	_ =	strace $0x8FFFFFFF  }
0x98: {  	s19 =	sld [smem:$0x3FDB];
	_ =	sdelay $0x1  }
0x99: {  	s4 =	simm.s32 $_scs_section_size  }
0x9a: {  	s5 =	simm.s32 $_size__tile_overlayer_lowered;
	s6 =	simm.s32 $_tile_overlayer_lowered  }
0x9b: {  	s22 =	simm.s32 $0x1BFF;
	s21 =	sshll.u32 s6, $0x1;
	s3 =	sadd.s32 s4, s19  }
0x9c: {  	s7 =	simm.s32 $0x0;
	s20 =	sshll.u32 s5, $0x1;
	s5 =	sadd.s32 s21, s3  }
0x9d: {  	[timem:s7], [sflag:s22] =	dma.local [hbm:s5], s20  }
0x9e: {  	_ =	swait.ge [sflag:s22], s20  }
0x9f: {  	s4 =	ssub.s32 $0x0, s20;
	[sflag:s22] =	ssyncset.done $0x0  }
0xa0: {  	[sflag:s22] =	ssyncadd.s32 s4;
	_ =	sdelay $0x1  }
0xa1: {  	s23 =	simm.s32 $0x1B8B  }
0xa2: {  	_ =	swait.ge [sflag:s23], $0x1  }
0xa3: {  	[sflag:s23] =	ssyncset.done $0x0  }
0xa4: {  	s25 =	simm.s32 $0x1B8E;
	s24 =	sld [smem:$0x3FFE];
	[sflag:s23] =	ssyncadd.s32 $0xFFFFFFFF  }
0xa5: {  	s26 =	simm.s32 $execute0_lowered;
	[smem:$0x3FD2] =	sst s25  }
0xa6: {  	s5 =	sshll.u32 s26, $0x1;
	_ =	strace $0x80000049;
	[dreg:$0x1] =	wrdreg $0xFFFFFFFF  }
0xa7: {  	s28 =	simm.s32 $_size_execute0_lowered;
	s3 =	sadd.s32 s3, s5;
	[dreg:$0x0] =	wrdreg $0x0  }
0xa8: {  	s5 =	sshll.u32 s28, $0x1;
	[dreg:$0x2] =	wrdreg s3  }
0xa9: {  	[dreg:$0x3] =	wrdreg s5  }
0xaa: {  	[dreg:$0x4] =	wrdreg $0xC0  }
0xab: {  	_ =	task [dreg:s7], $0x5FFFF  }
0xac: {  	[dreg:$0x1] =	wrdreg $0xFFFFFFFF  }
0xad: {  	[dreg:$0x0] =	wrdreg $0x60  }
0xae: {  	[dreg:$0x2] =	wrdreg s24  }
0xaf: {  	[dreg:$0x3] =	wrdreg s2  }
0xb0: {  	[dreg:$0x4] =	wrdreg $0xC7000  }
0xb1: {  	[dreg:$0x5] =	wrdreg $0x9  }
0xb2: {  	_ =	task.clear_ibuf [dreg:s7], $0x6FFFF;
	_ =	strace $0x90000049  }
0xb3: {  	s29 =	simm.s32 $0x9;
	_ =	strace $0x8000004B  }
0xb4: {  	_ =	swait.ge [sflag:s29], $0x1  }
0xb5: {  	[sflag:s29] =	ssyncadd.s32 $0xFFFFFFFF  }
0xb6: {  	_ =	strace $0x9000004B  }
0xb7: {  	_ =	sfence  }
0xb8: {  	s30 =	sld [smem:$0x0];
	_ =	sdelay $0x2  }
0xb9: {  	s31 =	sshll.u32 s1, $0xD;
	s1 =	sshrl.u32 s1, $0x2  }
0xba: {  	s3 =	sand.u32 $0x4000, s31;
	s1 =	sadd.s32 s1, s30  }
0xbb: {  	s0 =	sor.u32 s3, s0;
	s1 =	sshll.u32 s1, $0x11  }
0xbc: {  	s0 =	sor.u32 s1, s0  }
0xbd: {  	s0 =	sadd.s32 $0x8F2B, s0  }
0xbe: {  	[sflag:s0] =	ssyncadd.remote.s32 $0x1  }
0xbf: {  	_ =	sfence.sel $0xFFFF  }
0xc0: {  	[dreg:$0x0] =	wrdreg $0xFFFFFFFF;
	(pc) =	sbr.abs _section_cstart, $3  }
0xc1: {  	[dreg:$0x1] =	wrdreg $0xFFFFFFFF  }
0xc2: {  	_ =	task.clear_ibuf [dreg:s7], $0x2FFFF;
	_ =	strace $0x9FFFFFFF  }
0xc3: {  	(tm) =	ssettm $0x7FFFFFFF  }
tec
execute0_lowered:
.L_overlay_start_1:
0x0: {  	(tag) =	ssettag $0x1  }
0x1: {  	s0 =	rddreg [dreg:$0x0]  }
0x2: {  	s1 =	rddreg [dreg:$0x1]  }
0x3: {  	s2 =	rddreg [dreg:$0x2];
	s26 =	stileid.u32  }
0x4: {  	s3 =	simm.s32 $0x0;
	s4 =	srdreg.scid;
	s8 =	smul.u32 $0xA000, s26  }
0x5: {  	s28 =	simm.s32 $0x80;
	s5 =	sshrl.u32 s26, $0x2;
	s13 =	smul.u32 $0x2800, s26  }
0x6: {  	s29 =	simm.s32 $0x400;
	s9 =	sor.u32 $0x10, s26;
	s22 =	smul.u32 $0x13C00, s5  }
0x7: {  	s31 =	simm.s32 $0x50;
	s11 =	sor.u32 $0x20, s26;
	s10 =	smul.u32 $0xA000, s9  }
0x8: {  	s30 =	simm.s32 $0x9F00;
	s6 =	sand.u32 $0x1, s4;
	s12 =	smul.u32 $0xA000, s11  }
0x9: {  	s23 =	sshll.u32 s26, $0x8;
	[smem:$0x7FF] =	sst s3;
	s9 =	smul.u32 $0x2800, s9  }
0xa: {  	s4 =	sadd.s32 $0x21600, s0;
	s16 =	sor.u32 $0x30, s26;
	s11 =	smul.u32 $0x2800, s11  }
0xb: {  	s18 =	sor.u32 $0x50, s26;
	s19 =	sor.u32 $0x60, s26;
	s17 =	smul.u32 $0x2800, s16  }
0xc: {  	s21 =	sor.u32 $0x70, s26;
	p0 =	sgt.u32 s26, $0xC;
	s24 =	smul.u32 $0x2800, s19  }
0xd: {  	s7 =	sshll.u32 s6, $0x7;
	s5 =	sand.u32 $0x300, s23;
	s25 =	smul.u32 $0x2800, s21  }
0xe: {  	_ =	strace $0x8000004A;
	s5 =	sor.u32 s7, s5;
	s7 =	smul.u32 $0x138800, s6  }
0xf: {  	s6 =	ssub.s32 $0x2, s6;
	s8 =	sshrl.u32 s8, $0x2;
	s5 =	sor.u32 s22, s5  }
0x10: {  	s14 =	sshrl.u32 s6, $0x1;
	s10 =	sshrl.u32 s10, $0x2;
	s5 =	sshrl.u32 s5, $0x3  }
0x11: {  	s6 =	ssub.s32 s6, s14;
	s14 =	sor.u32 $0x40, s26;
	s22 =	sadd.s32 s7, s9  }
0x12: {  	s23 =	sadd.s32 s7, s11;
	s17 =	sadd.s32 s7, s17;
	s9 =	smul.u32 $0xA000, s16  }
0x13: {  	s24 =	sadd.s32 s7, s24;
	s25 =	sadd.s32 s7, s25;
	s16 =	smul.u32 $0xA000, s19  }
0x14: {  	s19 =	smul.u32 $0xA000, s21;
	s26 =	simm.s32 $0x4;
	s15 =	sadd.s32 s5, s0  }
0x15: {  	s20 =	smul.u32 $0x2800, s14;
	s1 =	sadd.s32 s1, s5;
	s5 =	sadd.s32 s13, s7  }
0x16: {  	s13 =	sadd.s32 $0x1FA00, s0;
	s0 =	sadd.s32 $0x48800, s0;
	s11 =	smul.u32 $0xA000, s14  }
0x17: {  	s14 =	sshrl.u32 s12, $0x2;
	s24 =	sshrl.u32 s24, $0x3;
	[dreg:$0x4] =	wrdreg s1  }
0x18: {  	s25 =	sshrl.u32 s25, $0x3;
	s1 =	smul.u32 $0x2800, s18;
	[dreg:$0x5] =	wrdreg s13  }
0x19: {  	s13 =	smul.u32 $0xA000, s18;
	s18 =	sshrl.u32 s9, $0x2;
	s9 =	sadd.s32 s14, s2  }
0x1a: {  	s21 =	sshrl.u32 s16, $0x2;
	s16 =	sshrl.u32 s19, $0x2;
	s15 =	sadd.s32 $0x15C00, s15  }
0x1b: {  	s5 =	sshrl.u32 s5, $0x3;
	s20 =	sadd.s32 s7, s20;
	s11 =	sshrl.u32 s11, $0x2  }
0x1c: {  	s14 =	sadd.s32 s16, s2;
	[dreg:$0x6] =	wrdreg s15;
	s5 =	sadd.s32 s0, s5  }
0x1d: {  	s15 =	simm.s32 $0x0;
	s1 =	sadd.s32 s7, s1;
	s7 =	sadd.s32 s8, s2  }
0x1e: {  	s8 =	sadd.s32 s10, s2;
	s10 =	sadd.s32 s18, s2;
	s11 =	sadd.s32 s11, s2  }
0x1f: {  	s13 =	sshrl.u32 s13, $0x2;
	s18 =	sshrl.u32 s22, $0x3;
	[dreg:$0x7] =	wrdreg s5  }
0x20: {  	s22 =	sshrl.u32 s17, $0x3;
	s12 =	sadd.s32 s13, s2;
	s13 =	sadd.s32 s21, s2  }
0x21: {  	s19 =	sadd.s32 s0, s18;
	s21 =	sshrl.u32 s23, $0x3;
	s23 =	sshrl.u32 s20, $0x3  }
0x22: {  	s1 =	sshrl.u32 s1, $0x3;
	[dreg:$0x8] =	wrdreg s19;
	s5 =	sadd.s32 s0, s21  }
0x23: {  	s19 =	sadd.s32 s0, s22;
	s20 =	sadd.s32 s0, s23;
	s21 =	sadd.s32 s0, s1  }
0x24: {  	s22 =	sadd.s32 s0, s24;
	s23 =	sadd.s32 s0, s25;
	s24 =	smax.u32 s6, $0x1  }
0x25: {  	s25 =	simm.s32 $0x4F00;
	s0 =	simm.s32 $0x7700;
	s1 =	simm.s32 $0x1  }
0x26: {  	s6 =	simm.s32 $0x3;
	[dreg:$0x9] =	wrdreg s5;
	s5 =	simm.s32 $0x2  }
.LBB2_1:
0x27: {  	s16 =	rddreg [dreg:$0x5]  }
0x28: {  	[tilespmem:s25], [sflag:$0x4] =	stream.linear.gather [hbm4b:s16+s3], $0x2800, $0x38;
	[tilespmem:$0x1FF80] =	vst v63  }
0x29: {  	_ =	swait.ge [sflag:s26], $0x2800  }
0x2a: {  	[sflag:s26] =	ssyncset.done $0x0  }
0x2b: {  	[sflag:s26] =	ssyncadd.s32 $0xFFFFD800  }
0x2c: {  	[spmem:s7] =	stream.linear.scatter [tilespmem:s25], [sflag:$0x4], $0x2800, $0x38;
	[tilespmem:$0x1FF80] =	vst v63  }
0x2d: {  	_ =	swait.ge [sflag:s26], $0x2800  }
0x2e: {  	[sflag:s26] =	ssyncset.done $0x0  }
0x2f: {  	[sflag:s26] =	ssyncadd.s32 $0xFFFFD800  }
0x30: {  	[spmem:s8] =	stream.linear.scatter [tilespmem:s25], [sflag:$0x4], $0x2800, $0x38;
	[tilespmem:$0x1FF80] =	vst v63  }
0x31: {  	_ =	swait.ge [sflag:s26], $0x2800  }
0x32: {  	[sflag:s26] =	ssyncset.done $0x0  }
0x33: {  	[sflag:s26] =	ssyncadd.s32 $0xFFFFD800  }
0x34: {  	[spmem:s9] =	stream.linear.scatter [tilespmem:s25], [sflag:$0x4], $0x2800, $0x38;
	[tilespmem:$0x1FF80] =	vst v63  }
0x35: {  	_ =	swait.ge [sflag:s26], $0x2800  }
0x36: {  	[sflag:s26] =	ssyncset.done $0x0  }
0x37: {  	[sflag:s26] =	ssyncadd.s32 $0xFFFFD800  }
0x38: {  	[spmem:s10] =	stream.linear.scatter [tilespmem:s25], [sflag:$0x4], $0x2800, $0x38;
	[tilespmem:$0x1FF80] =	vst v63  }
0x39: {  	_ =	swait.ge [sflag:s26], $0x2800  }
0x3a: {  	[sflag:s26] =	ssyncset.done $0x0  }
0x3b: {  	[sflag:s26] =	ssyncadd.s32 $0xFFFFD800  }
0x3c: {  	[spmem:s11] =	stream.linear.scatter [tilespmem:s25], [sflag:$0x4], $0x2800, $0x38;
	[tilespmem:$0x1FF80] =	vst v63  }
0x3d: {  	_ =	swait.ge [sflag:s26], $0x2800  }
0x3e: {  	[sflag:s26] =	ssyncset.done $0x0  }
0x3f: {  	[sflag:s26] =	ssyncadd.s32 $0xFFFFD800  }
0x40: {  	[spmem:s12] =	stream.linear.scatter [tilespmem:s25], [sflag:$0x4], $0x2800, $0x38;
	[tilespmem:$0x1FF80] =	vst v63  }
0x41: {  	_ =	swait.ge [sflag:s26], $0x2800  }
0x42: {  	[sflag:s26] =	ssyncset.done $0x0  }
0x43: {  	[sflag:s26] =	ssyncadd.s32 $0xFFFFD800  }
0x44: {  	[spmem:s13] =	stream.linear.scatter [tilespmem:s25], [sflag:$0x4], $0x2800, $0x38;
	[tilespmem:$0x1FF80] =	vst v63  }
0x45: {  	_ =	swait.ge [sflag:s26], $0x2800  }
0x46: {  	[sflag:s26] =	ssyncset.done $0x0  }
0x47: {  	s16 =	simm.s32 @!p0 $0x4F00;
	[sflag:s26] =	ssyncadd.s32 $0xFFFFD800  }
0x48: {  	[spmem:s14] =	stream.linear.scatter @!p0 [tilespmem:s16], [sflag:$0x4], $0x2800, $0x38;
	[tilespmem:$0x1FF80] =	vst v63  }
0x49: {  	s16 =	simm.s32 @!p0 $0x4  }
0x4a: {  	_ =	swait.ge @!p0 [sflag:s16], $0x2800  }
0x4b: {  	[sflag:s16] =	ssyncset.done @!p0 $0x0  }
0x4c: {  	s17 =	rddreg [dreg:$0x4];
	[sflag:s16] =	ssyncadd.s32 @!p0 $0xFFFFD800  }
0x4d: {  	[tilespmem:s3], [sflag:$0x4] =	stream.strided.gather [hbm4b:s17+s28], $0x2780, s29, s28, $0x38;
	[tilespmem:$0x1FF80] =	vst v63  }
0x4e: {  	_ =	swait.ge [sflag:s26], $0x2780  }
0x4f: {  	[sflag:s26] =	ssyncset.done $0x0  }
0x50: {  	s17 =	simm.s32 $0x2780;
	s18 =	rddreg [dreg:$0x6];
	[sflag:s26] =	ssyncadd.s32 $0xFFFFD880  }
0x51: {  	[tilespmem:s17], [sflag:$0x4] =	stream.strided.gather [hbm4b:s18+s28], $0x2780, s29, s28, $0x38;
	[tilespmem:$0x1FF80] =	vst v63  }
0x52: {  	_ =	swait.ge [sflag:s26], $0x2780  }
0x53: {  	[sflag:s26] =	ssyncset.done $0x0  }
0x54: {  	[sflag:s26] =	ssyncadd.s32 $0xFFFFD880  }
0x55: {  	[bflag:$0x0] =	sbarrier.arrive $0xFFFF  }
0x56: {  	[tilespmem:s25], [sflag:$0x1] =	stream.indirect.gather [hbm4b:s4+s31], $0x80, s3, s31, $0xb8;
	[tilespmem:$0x1FF80] =	vst v63  }
0x57: {  	_ = 	snop  }
0x58: {  	[tilespmem:s0], [sflag:$0x2] =	stream.indirect.gather [hbm4b:s4+s31], $0x80, s31, s31, $0xb8;
	[tilespmem:$0x1FF80] =	vst v63  }
0x59: {  	s17 =	simm.s32 $0xA0  }
0x5a: {  	[tilespmem:s30], [sflag:$0x3] =	stream.indirect.gather [hbm4b:s4+s31], $0x80, s17, s31, $0xb8;
	[tilespmem:$0x1FF80] =	vst v63  }
0x5b: {  	_ =	swait.ge [sflag:s1], $0x2800  }
0x5c: {  	[sflag:s1] =	ssyncset.done $0x0  }
0x5d: {  	s18 =	simm.s32 $0x2780;
	[sflag:s1] =	ssyncadd.s32 $0xFFFFD800  }
0x5e: {  	[spmem:s2] =	stream.indirect.scatter.add.f32 [tilespmem:s25], [sflag:$0x4], $0x80, s18, s31, $0xb8;
	[tilespmem:$0x1FF80] =	vst v63  }
0x5f: {  	_ =	swait.ge [sflag:s26], $0x2800  }
0x60: {  	[sflag:s26] =	ssyncset.done $0x0  }
0x61: {  	s17 =	simm.s32 $0xF0;
	[sflag:s26] =	ssyncadd.s32 $0xFFFFD800  }
0x62: {  	[tilespmem:s25], [sflag:$0x1] =	stream.indirect.gather [hbm4b:s4+s31], $0x80, s17, s31, $0xb8;
	[tilespmem:$0x1FF80] =	vst v63  }
0x63: {  	_ =	swait.ge [sflag:s5], $0x2800  }
0x64: {  	[sflag:s5] =	ssyncset.done $0x0  }
0x65: {  	s18 =	simm.s32 $0x27D0;
	[sflag:s5] =	ssyncadd.s32 $0xFFFFD800  }
0x66: {  	[spmem:s2] =	stream.indirect.scatter.add.f32 [tilespmem:s0], [sflag:$0x4], $0x80, s18, s31, $0xb8;
	[tilespmem:$0x1FF80] =	vst v63  }
0x67: {  	_ =	swait.ge [sflag:s26], $0x2800  }
0x68: {  	[sflag:s26] =	ssyncset.done $0x0  }
0x69: {  	s17 =	simm.s32 $0x140;
	[sflag:s26] =	ssyncadd.s32 $0xFFFFD800  }
0x6a: {  	[tilespmem:s0], [sflag:$0x2] =	stream.indirect.gather [hbm4b:s4+s31], $0x80, s17, s31, $0xb8;
	[tilespmem:$0x1FF80] =	vst v63  }
0x6b: {  	_ =	swait.ge [sflag:s6], $0x2800  }
0x6c: {  	[sflag:s6] =	ssyncset.done $0x0  }
0x6d: {  	s18 =	simm.s32 $0x2820;
	[sflag:s6] =	ssyncadd.s32 $0xFFFFD800  }
0x6e: {  	[spmem:s2] =	stream.indirect.scatter.add.f32 [tilespmem:s30], [sflag:$0x4], $0x80, s18, s31, $0xb8;
	[tilespmem:$0x1FF80] =	vst v63  }
0x6f: {  	_ =	swait.ge [sflag:s26], $0x2800  }
0x70: {  	[sflag:s26] =	ssyncset.done $0x0  }
0x71: {  	s16 =	simm.s32 $0x3C0;
	s17 =	simm.s32 $0x190;
	[sflag:s26] =	ssyncadd.s32 $0xFFFFD800  }
.LBB2_2:
0x72: {  	[tilespmem:s30], [sflag:$0x3] =	stream.indirect.gather [hbm4b:s4+s31], $0x80, s17, s31, $0xb8;
	[tilespmem:$0x1FF80] =	vst v63  }
0x73: {  	s17 =	smov.u32 s16  }
0x74: {  	p1 =	sne.s32 s16, $0x9240;
	s16 =	sadd.s32 $0x3C0, s16;
	_ =	swait.ge [sflag:s1], $0x2800  }
0x75: {  	s17 =	sshra.s32 s17, $0x2;
	[sflag:s1] =	ssyncset.done $0x0  }
0x76: {  	s18 =	sadd.s32 $0x2780, s17;
	[sflag:s1] =	ssyncadd.s32 $0xFFFFD800  }
0x77: {  	[spmem:s2] =	stream.indirect.scatter.add.f32 [tilespmem:s25], [sflag:$0x4], $0x80, s18, s31, $0xb8;
	[tilespmem:$0x1FF80] =	vst v63  }
0x78: {  	_ =	swait.ge [sflag:s26], $0x2800  }
0x79: {  	[sflag:s26] =	ssyncset.done $0x0  }
0x7a: {  	s18 =	sadd.s32 $0xF0, s17;
	[sflag:s26] =	ssyncadd.s32 $0xFFFFD800  }
0x7b: {  	[tilespmem:s25], [sflag:$0x1] =	stream.indirect.gather [hbm4b:s4+s31], $0x80, s18, s31, $0xb8;
	[tilespmem:$0x1FF80] =	vst v63  }
0x7c: {  	_ =	swait.ge [sflag:s5], $0x2800  }
0x7d: {  	[sflag:s5] =	ssyncset.done $0x0  }
0x7e: {  	s18 =	sadd.s32 $0x27D0, s17;
	[sflag:s5] =	ssyncadd.s32 $0xFFFFD800  }
0x7f: {  	[spmem:s2] =	stream.indirect.scatter.add.f32 [tilespmem:s0], [sflag:$0x4], $0x80, s18, s31, $0xb8;
	[tilespmem:$0x1FF80] =	vst v63  }
0x80: {  	_ =	swait.ge [sflag:s26], $0x2800  }
0x81: {  	[sflag:s26] =	ssyncset.done $0x0  }
0x82: {  	s18 =	sadd.s32 $0x140, s17;
	[sflag:s26] =	ssyncadd.s32 $0xFFFFD800  }
0x83: {  	[tilespmem:s0], [sflag:$0x2] =	stream.indirect.gather [hbm4b:s4+s31], $0x80, s18, s31, $0xb8;
	[tilespmem:$0x1FF80] =	vst v63  }
0x84: {  	_ =	swait.ge [sflag:s6], $0x2800  }
0x85: {  	[sflag:s6] =	ssyncset.done $0x0  }
.Ltmp0:
0x86: {  	s18 =	sadd.s32 $0x2820, s17;
	[sflag:s6] =	ssyncadd.s32 $0xFFFFD800;
	(pc) =	sbr.rel @p1 .LBB2_2-.Ltmp0, $4  }
0x87: {  	[spmem:s2] =	stream.indirect.scatter.add.f32 [tilespmem:s30], [sflag:$0x4], $0x80, s18, s31, $0xb8;
	[tilespmem:$0x1FF80] =	vst v63  }
0x88: {  	_ =	swait.ge [sflag:s26], $0x2800  }
0x89: {  	[sflag:s26] =	ssyncset.done $0x0  }
0x8a: {  	s17 =	sadd.s32 $0x190, s17;
	[sflag:s26] =	ssyncadd.s32 $0xFFFFD800  }
0x8b: {  	[tilespmem:s30], [sflag:$0x3] =	stream.indirect.gather [hbm4b:s4+s31], $0x80, s17, s31, $0xb8;
	[tilespmem:$0x1FF80] =	vst v63  }
0x8c: {  	_ =	swait.ge [sflag:s1], $0x2800  }
0x8d: {  	[sflag:s1] =	ssyncset.done $0x0  }
0x8e: {  	s16 =	simm.s32 $0x4D00;
	[sflag:s1] =	ssyncadd.s32 $0xFFFFD800  }
0x8f: {  	[spmem:s2] =	stream.indirect.scatter.add.f32 [tilespmem:s25], [sflag:$0x4], $0x80, s16, s31, $0xb8;
	[tilespmem:$0x1FF80] =	vst v63  }
0x90: {  	_ =	swait.ge [sflag:s26], $0x2800  }
0x91: {  	[sflag:s26] =	ssyncset.done $0x0  }
0x92: {  	s18 =	simm.s32 $0x2670;
	[sflag:s26] =	ssyncadd.s32 $0xFFFFD800  }
0x93: {  	[tilespmem:s25], [sflag:$0x1] =	stream.indirect.gather [hbm4b:s4+s31], $0x80, s18, s31, $0xb8;
	[tilespmem:$0x1FF80] =	vst v63  }
0x94: {  	_ =	swait.ge [sflag:s5], $0x2800  }
0x95: {  	[sflag:s5] =	ssyncset.done $0x0  }
0x96: {  	s17 =	simm.s32 $0x4D50;
	[sflag:s5] =	ssyncadd.s32 $0xFFFFD800  }
0x97: {  	[spmem:s2] =	stream.indirect.scatter.add.f32 [tilespmem:s0], [sflag:$0x4], $0x80, s17, s31, $0xb8;
	[tilespmem:$0x1FF80] =	vst v63  }
0x98: {  	_ =	swait.ge [sflag:s26], $0x2800  }
0x99: {  	[sflag:s26] =	ssyncset.done $0x0  }
0x9a: {  	s18 =	simm.s32 $0x26C0;
	[sflag:s26] =	ssyncadd.s32 $0xFFFFD800  }
0x9b: {  	[tilespmem:s0], [sflag:$0x2] =	stream.indirect.gather [hbm4b:s4+s31], $0x80, s18, s31, $0xb8;
	[tilespmem:$0x1FF80] =	vst v63  }
0x9c: {  	_ =	swait.ge [sflag:s6], $0x2800  }
0x9d: {  	[sflag:s6] =	ssyncset.done $0x0  }
0x9e: {  	s17 =	simm.s32 $0x4DA0;
	[sflag:s6] =	ssyncadd.s32 $0xFFFFD800  }
0x9f: {  	[spmem:s2] =	stream.indirect.scatter.add.f32 [tilespmem:s30], [sflag:$0x4], $0x80, s17, s31, $0xb8;
	[tilespmem:$0x1FF80] =	vst v63  }
0xa0: {  	_ =	swait.ge [sflag:s26], $0x2800  }
0xa1: {  	[sflag:s26] =	ssyncset.done $0x0  }
0xa2: {  	[sflag:s26] =	ssyncadd.s32 $0xFFFFD800  }
0xa3: {  	_ =	swait.ge [sflag:s1], $0x2800  }
0xa4: {  	[sflag:s1] =	ssyncset.done $0x0  }
0xa5: {  	s18 =	simm.s32 $0x4DF0;
	[sflag:s1] =	ssyncadd.s32 $0xFFFFD800  }
0xa6: {  	[spmem:s2] =	stream.indirect.scatter.add.f32 [tilespmem:s25], [sflag:$0x4], $0x80, s18, s31, $0xb8;
	[tilespmem:$0x1FF80] =	vst v63  }
0xa7: {  	_ =	swait.ge [sflag:s26], $0x2800  }
0xa8: {  	[sflag:s26] =	ssyncset.done $0x0  }
0xa9: {  	[sflag:s26] =	ssyncadd.s32 $0xFFFFD800  }
0xaa: {  	_ =	swait.ge [sflag:s5], $0x2800  }
0xab: {  	[sflag:s5] =	ssyncset.done $0x0  }
0xac: {  	s17 =	simm.s32 $0x4E40;
	[sflag:s5] =	ssyncadd.s32 $0xFFFFD800  }
0xad: {  	[spmem:s2] =	stream.indirect.scatter.add.f32 [tilespmem:s0], [sflag:$0x4], $0x80, s17, s31, $0xb8;
	[tilespmem:$0x1FF80] =	vst v63  }
0xae: {  	_ =	swait.ge [sflag:s26], $0x2800  }
0xaf: {  	[sflag:s26] =	ssyncset.done $0x0  }
0xb0: {  	[sflag:s26] =	ssyncadd.s32 $0xFFFFD800  }
0xb1: {  	[bflag:$0x0] =	sbarrier.arrive $0xFFFF  }
0xb2: {  	[tilespmem:s25], [sflag:$0x4] =	stream.linear.gather [spmem:s7], $0x2800, $0x38;
	[tilespmem:$0x1FF80] =	vst v63  }
0xb3: {  	_ =	swait.ge [sflag:s26], $0x2800  }
0xb4: {  	[sflag:s26] =	ssyncset.done $0x0  }
0xb5: {  	s18 =	rddreg [dreg:$0x7];
	[sflag:s26] =	ssyncadd.s32 $0xFFFFD800  }
0xb6: {  	[hbm4b:s18+s3] =	stream.linear.scatter [tilespmem:s25], [sflag:$0x4], $0x2800, $0x38;
	[tilespmem:$0x1FF80] =	vst v63  }
0xb7: {  	_ =	swait.ge [sflag:s26], $0x2800  }
0xb8: {  	[sflag:s26] =	ssyncset.done $0x0  }
0xb9: {  	[sflag:s26] =	ssyncadd.s32 $0xFFFFD800  }
0xba: {  	[tilespmem:s25], [sflag:$0x4] =	stream.linear.gather [spmem:s8], $0x2800, $0x38;
	[tilespmem:$0x1FF80] =	vst v63  }
0xbb: {  	_ =	swait.ge [sflag:s26], $0x2800  }
0xbc: {  	[sflag:s26] =	ssyncset.done $0x0  }
0xbd: {  	s17 =	rddreg [dreg:$0x8];
	[sflag:s26] =	ssyncadd.s32 $0xFFFFD800  }
0xbe: {  	[hbm4b:s17+s3] =	stream.linear.scatter [tilespmem:s25], [sflag:$0x4], $0x2800, $0x38;
	[tilespmem:$0x1FF80] =	vst v63  }
0xbf: {  	_ =	swait.ge [sflag:s26], $0x2800  }
0xc0: {  	[sflag:s26] =	ssyncset.done $0x0  }
0xc1: {  	[sflag:s26] =	ssyncadd.s32 $0xFFFFD800  }
0xc2: {  	[tilespmem:s25], [sflag:$0x4] =	stream.linear.gather [spmem:s9], $0x2800, $0x38;
	[tilespmem:$0x1FF80] =	vst v63  }
0xc3: {  	_ =	swait.ge [sflag:s26], $0x2800  }
0xc4: {  	[sflag:s26] =	ssyncset.done $0x0  }
0xc5: {  	s18 =	rddreg [dreg:$0x9];
	[sflag:s26] =	ssyncadd.s32 $0xFFFFD800  }
0xc6: {  	[hbm4b:s18+s3] =	stream.linear.scatter [tilespmem:s25], [sflag:$0x4], $0x2800, $0x38;
	[tilespmem:$0x1FF80] =	vst v63  }
0xc7: {  	_ =	swait.ge [sflag:s26], $0x2800  }
0xc8: {  	[sflag:s26] =	ssyncset.done $0x0  }
0xc9: {  	[sflag:s26] =	ssyncadd.s32 $0xFFFFD800  }
0xca: {  	[tilespmem:s25], [sflag:$0x4] =	stream.linear.gather [spmem:s10], $0x2800, $0x38;
	[tilespmem:$0x1FF80] =	vst v63  }
0xcb: {  	_ =	swait.ge [sflag:s26], $0x2800  }
0xcc: {  	[sflag:s26] =	ssyncset.done $0x0  }
0xcd: {  	[sflag:s26] =	ssyncadd.s32 $0xFFFFD800  }
0xce: {  	[hbm4b:s19+s3] =	stream.linear.scatter [tilespmem:s25], [sflag:$0x4], $0x2800, $0x38;
	[tilespmem:$0x1FF80] =	vst v63  }
0xcf: {  	_ =	swait.ge [sflag:s26], $0x2800  }
0xd0: {  	[sflag:s26] =	ssyncset.done $0x0  }
0xd1: {  	[sflag:s26] =	ssyncadd.s32 $0xFFFFD800  }
0xd2: {  	[tilespmem:s25], [sflag:$0x4] =	stream.linear.gather [spmem:s11], $0x2800, $0x38;
	[tilespmem:$0x1FF80] =	vst v63  }
0xd3: {  	_ =	swait.ge [sflag:s26], $0x2800  }
0xd4: {  	[sflag:s26] =	ssyncset.done $0x0  }
0xd5: {  	[sflag:s26] =	ssyncadd.s32 $0xFFFFD800  }
0xd6: {  	[hbm4b:s20+s3] =	stream.linear.scatter [tilespmem:s25], [sflag:$0x4], $0x2800, $0x38;
	[tilespmem:$0x1FF80] =	vst v63  }
0xd7: {  	_ =	swait.ge [sflag:s26], $0x2800  }
0xd8: {  	[sflag:s26] =	ssyncset.done $0x0  }
0xd9: {  	[sflag:s26] =	ssyncadd.s32 $0xFFFFD800  }
0xda: {  	[tilespmem:s25], [sflag:$0x4] =	stream.linear.gather [spmem:s12], $0x2800, $0x38;
	[tilespmem:$0x1FF80] =	vst v63  }
0xdb: {  	_ =	swait.ge [sflag:s26], $0x2800  }
0xdc: {  	[sflag:s26] =	ssyncset.done $0x0  }
0xdd: {  	[sflag:s26] =	ssyncadd.s32 $0xFFFFD800  }
0xde: {  	[hbm4b:s21+s3] =	stream.linear.scatter [tilespmem:s25], [sflag:$0x4], $0x2800, $0x38;
	[tilespmem:$0x1FF80] =	vst v63  }
0xdf: {  	_ =	swait.ge [sflag:s26], $0x2800  }
0xe0: {  	[sflag:s26] =	ssyncset.done $0x0  }
0xe1: {  	[sflag:s26] =	ssyncadd.s32 $0xFFFFD800  }
0xe2: {  	[tilespmem:s25], [sflag:$0x4] =	stream.linear.gather [spmem:s13], $0x2800, $0x38;
	[tilespmem:$0x1FF80] =	vst v63  }
0xe3: {  	_ =	swait.ge [sflag:s26], $0x2800  }
0xe4: {  	[sflag:s26] =	ssyncset.done $0x0  }
0xe5: {  	[sflag:s26] =	ssyncadd.s32 $0xFFFFD800  }
0xe6: {  	[hbm4b:s22+s3] =	stream.linear.scatter [tilespmem:s25], [sflag:$0x4], $0x2800, $0x38;
	[tilespmem:$0x1FF80] =	vst v63  }
0xe7: {  	_ =	swait.ge [sflag:s26], $0x2800  }
0xe8: {  	[sflag:s26] =	ssyncset.done $0x0  }
0xe9: {  	s16 =	simm.s32 @!p0 $0x4F00;
	s17 =	simm.s32 @!p0 $0x4;
	[sflag:s26] =	ssyncadd.s32 $0xFFFFD800  }
0xea: {  	[tilespmem:s16], [sflag:$0x4] =	stream.linear.gather @!p0 [spmem:s14], $0x2800, $0x38;
	[tilespmem:$0x1FF80] =	vst v63  }
0xeb: {  	s15 =	sadd.s32 $0x1, s15;
	_ =	swait.ge @!p0 [sflag:s17], $0x2800  }
0xec: {  	p1 =	sne.s32 s15, s24;
	[sflag:s17] =	ssyncset.done @!p0 $0x0  }
.Ltmp1:
0xed: {  	s18 =	simm.s32 @!p0 $0x0;
	[sflag:s17] =	ssyncadd.s32 @!p0 $0xFFFFD800;
	(pc) =	sbr.rel @p1 .LBB2_1-.Ltmp1, $4  }
0xee: {  	[hbm4b:s23+s18] =	stream.linear.scatter @!p0 [tilespmem:s16], [sflag:$0x4], $0x2800, $0x38;
	[tilespmem:$0x1FF80] =	vst v63  }
0xef: {  	_ =	swait.ge @!p0 [sflag:s17], $0x2800  }
0xf0: {  	[sflag:s17] =	ssyncset.done @!p0 $0x0  }
0xf1: {  	[sflag:s17] =	ssyncadd.s32 @!p0 $0xFFFFD800  }
0xf2: {  	_ =	sfence.sel $0x180000  }
0xf3: {  	[bflag:$0x0] =	sbarrier.arrive $0xFFFF  }
0xf4: {  	_ =	strace $0x9000004A  }
0xf5: {  	s0 =	stileid.u32;
	[bflag:$0x2] =	sbarrier.arrive $0xFFFF  }
0xf6: {  	p0 =	sne.s32 s0, $0x0;
	s0 =	rddreg [dreg:$0x3]  }
0xf7: {  	s0 =	sadd.s32 @!p0 $0x100000, s0  }
0xf8: {  	[sflag:s0] =	ssyncadd.tile.s32 @!p0 $0x1;
	_ =	shalt  }
.Lfunc_end2:
_tile_overlayer_lowered:
.L_overlay_start_2:
0xf9: {  	(tag) =	ssettag $0x2  }
0xfa: {  	s0 =	rddreg [dreg:$0x0];
	s2 =	stileid.u32  }
0xfb: {  	s1 =	rddreg [dreg:$0x1];
	p0 =	sne.s32 s2, $0x0  }
0xfc: {  	s3 =	rddreg [dreg:$0x2];
	[bflag:$0x3] =	sbarrier.arrive $0xFFFF;
	s2 =	simm.s32 @!p0 $0x1C04  }
0xfd: {  	[timem:s3], [sflag:s2] =	dma.local @!p0 [hbm:s0], s1  }
0xfe: {  	s0 =	simm.s32 @!p0 $0x4  }
0xff: {  	_ =	swait.ge @!p0 [sflag:s0], s1  }
0x100: {  	s1 =	ssub.s32 @!p0 $0x0, s1;
	[sflag:s0] =	ssyncset.done @!p0 $0x0  }
0x101: {  	[sflag:s0] =	ssyncadd.s32 @!p0 s1  }
0x102: {  	[bflag:$0x3] =	sbarrier.arrive $0xFFFF  }
0x103: {  	_ =	shalt  }

// kernel: kernel.14.cloned.1.call-start
scs
__scs_entry_jumppad:
0x0: {  	(pc) =	sbr.rel $0x88, $3  }
0x1: {  	(tag) =	ssettag $0x0;
	lr =	simm.s32 $0x1  }
0x2: {  	[smem:$0x3F9B] =	sst lr;
	_ =	strace $0xD0000000  }
0x3: {  	_ = 	snop  }
0x4: {  	_ = 	snop  }
0x5: {  	_ = 	snop  }
0x6: {  	_ = 	snop  }
0x7: {  	_ = 	snop  }
__scs_overlays_trampoline_lowered:
0x8: {  	[smem:$0x3FAA] =	sst s0  }
0x9: {  	[smem:$0x3FAB] =	sst s1  }
0xa: {  	[smem:$0x3FAC] =	sst s2  }
0xb: {  	[smem:$0x3FAD] =	sst s3  }
0xc: {  	[smem:$0x3FAE] =	sst s4  }
0xd: {  	[smem:$0x3FAF] =	sst s5  }
0xe: {  	[smem:$0x3FB0] =	sst s6  }
0xf: {  	[smem:$0x3FB1] =	sst s7  }
0x10: {  	[smem:$0x3FB2] =	sst s8  }
0x11: {  	[smem:$0x3FB3] =	sst s9;
	s0 =	simm.s32 @!p0 $0x0  }
0x12: {  	s1 =	sld [smem:$0x3F99];
	s0 =	simm.s32 @p0 $0x1  }
0x13: {  	[smem:$0x3FB4] =	sst s0;
	s0 =	simm.s32 @!p1 $0x0  }
0x14: {  	s2 =	sld [smem:$0x3F98];
	s0 =	simm.s32 @p1 $0x1  }
0x15: {  	[smem:$0x3FB5] =	sst s0;
	s0 =	simm.s32 @!p2 $0x0  }
0x16: {  	s3 =	sld [smem:$0x3FDB];
	s0 =	simm.s32 @p2 $0x1  }
0x17: {  	s4 =	simm.s32 $0x1BF5;
	[smem:$0x3FB7] =	sst s0  }
0x18: {  	s0 =	sld [smem:$0x3F9A];
	_ =	swait.ge [sflag:s4], $0x0  }
0x19: {  	s7 =	sld [smem:$0x3F9B]  }
0x1a: {  	s8 =	sadd.s32 $0xFFFFE003, lr  }
0x1b: {  	s9 =	sadd.s32 $0xFFFFFEF7, lr;
	s5 =	simm.s32 $0xFFFFFFFF;
	p2 =	slt.u32 s8, $0xFFFFF086  }
0x1c: {  	p1 =	slt.u32 s9, $0xF7A;
	s5 =	simm.s32 @!p2 $0x0  }
0x1d: {  	s5 =	simm.s32 @p1 $0x1;
	p0 =	seq.s32 s7, s2  }
0x1e: {  	s7 =	smul.u32 @!p0 $0xF7A, s2;
	p2 =	seq.s32 @!p0 s5, $0x0  }
0x1f: {  	s9 =	smul.u32 $0xF7A, s1;
	s8 =	simm.s32 @!p0 $0x1BF5;
	p2 =	por !p2, p0  }
0x20: {  	[sflag:s8] =	ssyncset.s32 @!p0 $0xFFFFF086;
	s6 =	sadd.s32 @!p0 s3, s7;
	s7 =	simm.s32 @!p0 $0x108  }
0x21: {  	s3 =	sadd.s32 s3, s9;
	s6 =	sadd.s32 @!p0 $0x88, s6;
	s7 =	simm.s32 @p2 $0x1082  }
0x22: {  	[simem:s7], [sflag:s8] =	dma.local @!p0 [hbm:s6], $0xF7A  }
0x23: {  	s9 =	sor.u32 $0xD0000000, s2;
	s6 =	simm.s32 $0x108;
	_ =	swait.ge @!p0 [sflag:s8], $0x0  }
0x24: {  	s3 =	sadd.s32 $0x88, s3;
	s6 =	simm.s32 @!p1 $0x1082;
	[sflag:s4] =	ssyncset.s32 $0xFFFFF086  }
0x25: {  	[simem:s6], [sflag:s4] =	dma.local [hbm:s3], $0xF7A  }
0x26: {  	[smem:$0x3F9B] =	sst s1;
	(tag) =	ssettag s2;
	_ =	strace s9  }
0x27: {  	s1 =	sld [smem:$0x3FAB]  }
0x28: {  	s2 =	sld [smem:$0x3FAC]  }
0x29: {  	s4 =	sld [smem:$0x3FAE]  }
0x2a: {  	p0 =	seq.s32 s5, $0x0;
	s5 =	sld [smem:$0x3FAF]  }
0x2b: {  	s6 =	sld [smem:$0x3FB0]  }
0x2c: {  	s7 =	sld [smem:$0x3FB1]  }
0x2d: {  	s3 =	simm.s32 $0x108;
	s8 =	sld [smem:$0x3FB2]  }
0x2e: {  	s3 =	simm.s32 @!p0 $0x1082;
	s9 =	sld [smem:$0x3FB3]  }
0x2f: {  	lr =	sadd.s32 s0, s3;
	s0 =	sld [smem:$0x3FAA]  }
0x30: {  	s3 =	sld [smem:$0x3FAD]  }
0x31: {  	[smem:$0x3FB6] =	sst s10  }
0x32: {  	s10 =	sld [smem:$0x3FB4];
	_ =	sdelay $0x3  }
0x33: {  	p0 =	seq.s32 s10, $0x1;
	s10 =	sld [smem:$0x3FB6];
	_ =	sdelay $0x3  }
0x34: {  	[smem:$0x3FB6] =	sst s10  }
0x35: {  	s10 =	sld [smem:$0x3FB5];
	_ =	sdelay $0x3  }
0x36: {  	p1 =	seq.s32 s10, $0x1;
	s10 =	sld [smem:$0x3FB6];
	_ =	sdelay $0x3  }
0x37: {  	[smem:$0x3FB6] =	sst s10  }
0x38: {  	s10 =	sld [smem:$0x3FB7]  }
0x39: {  	_ = 	snop;
	(pc) =	sbr.ind lr, $3  }
0x3a: {  	_ = 	snop  }
0x3b: {  	_ = 	snop  }
0x3c: {  	p2 =	seq.s32 s10, $0x1;
	s10 =	sld [smem:$0x3FB6]  }
0x3d: {  	_ =	shalt  }
0x3e: {  	_ =	shalt  }
0x3f: {  	_ =	shalt  }
0x40: {  	_ =	shalt  }
0x41: {  	_ =	shalt  }
0x42: {  	_ =	shalt  }
0x43: {  	_ =	shalt  }
0x44: {  	_ =	shalt  }
0x45: {  	_ =	shalt  }
0x46: {  	_ =	shalt  }
0x47: {  	_ =	shalt  }
0x48: {  	_ =	shalt  }
0x49: {  	_ =	shalt  }
0x4a: {  	_ =	shalt  }
0x4b: {  	_ =	shalt  }
0x4c: {  	_ =	shalt  }
0x4d: {  	_ =	shalt  }
0x4e: {  	_ =	shalt  }
0x4f: {  	_ =	shalt  }
0x50: {  	_ =	shalt  }
0x51: {  	_ =	shalt  }
0x52: {  	_ =	shalt  }
0x53: {  	_ =	shalt  }
0x54: {  	_ =	shalt  }
0x55: {  	_ =	shalt  }
0x56: {  	_ =	shalt  }
0x57: {  	_ =	shalt  }
0x58: {  	_ =	shalt  }
0x59: {  	_ =	shalt  }
0x5a: {  	_ =	shalt  }
0x5b: {  	_ =	shalt  }
0x5c: {  	_ =	shalt  }
0x5d: {  	_ =	shalt  }
0x5e: {  	_ =	shalt  }
0x5f: {  	_ =	shalt  }
0x60: {  	_ =	shalt  }
0x61: {  	_ =	shalt  }
0x62: {  	_ =	shalt  }
0x63: {  	_ =	shalt  }
0x64: {  	_ =	shalt  }
0x65: {  	_ =	shalt  }
0x66: {  	_ =	shalt  }
0x67: {  	_ =	shalt  }
0x68: {  	_ =	shalt  }
0x69: {  	_ =	shalt  }
0x6a: {  	_ =	shalt  }
0x6b: {  	_ =	shalt  }
0x6c: {  	_ =	shalt  }
0x6d: {  	_ =	shalt  }
0x6e: {  	_ =	shalt  }
0x6f: {  	_ =	shalt  }
0x70: {  	_ =	shalt  }
0x71: {  	_ =	shalt  }
0x72: {  	_ =	shalt  }
0x73: {  	_ =	shalt  }
0x74: {  	_ =	shalt  }
0x75: {  	_ =	shalt  }
0x76: {  	_ =	shalt  }
0x77: {  	_ =	shalt  }
0x78: {  	_ =	shalt  }
0x79: {  	_ =	shalt  }
0x7a: {  	_ =	shalt  }
0x7b: {  	_ =	shalt  }
0x7c: {  	_ =	shalt  }
0x7d: {  	_ =	shalt  }
0x7e: {  	_ =	shalt  }
0x7f: {  	_ =	shalt  }
0x80: {  	_ =	shalt  }
0x81: {  	_ =	shalt  }
0x82: {  	_ =	shalt  }
0x83: {  	_ =	shalt  }
0x84: {  	_ =	shalt  }
0x85: {  	_ =	shalt  }
0x86: {  	_ =	shalt  }
0x87: {  	_ =	shalt  }
.Lfunc_end0:
.L_simem_size_0:
called_computation.2_lowered:
.L_overlay_start_0:
0x88: {  	s2 =	sld [smem:$0x3FD9]  }
0x89: {  	s3 =	sld [smem:$0x3FFE];
	_ =	sdelay $0x1  }
0x8a: {  	s1 =	srdreg.scid  }
0x8b: {  	s0 =	sand.u32 $0x1, s1  }
0x8c: {  	s17 =	sshll.u32 s0, $0xA;
	s2 =	sadd.s32 s3, s2  }
0x8d: {  	s2 =	sadd.s32 s2, s17  }
0x8e: {  	[smem:$0x3FC2] =	sst s2  }
0x8f: {  	_ = 	snop  }
0x90: {  	s2 =	sld [smem:$0x3FD0];
	(tm) =	ssettm $0x1  }
0x91: {  	s18 =	sld [smem:$0x3FFB];
	_ =	sdelay $0x3  }
0x92: {  	_ =	strace s18  }
0x93: {  	s3 =	sld [smem:$0x3FFC];
	_ =	sdelay $0x3  }
0x94: {  	_ =	strace s3  }
0x95: {  	s3 =	sld [smem:$0x3FFD];
	_ =	sdelay $0x3  }
0x96: {  	_ =	strace s3  }
0x97: {  	_ =	strace $0x8FFFFFFF  }
0x98: {  	s19 =	sld [smem:$0x3FDB];
	_ =	sdelay $0x1  }
0x99: {  	s4 =	simm.s32 $_scs_section_size  }
0x9a: {  	s5 =	simm.s32 $_size__tile_overlayer_lowered;
	s6 =	simm.s32 $_tile_overlayer_lowered  }
0x9b: {  	s22 =	simm.s32 $0x1BFF;
	s21 =	sshll.u32 s6, $0x1;
	s3 =	sadd.s32 s4, s19  }
0x9c: {  	s7 =	simm.s32 $0x0;
	s20 =	sshll.u32 s5, $0x1;
	s5 =	sadd.s32 s21, s3  }
0x9d: {  	[timem:s7], [sflag:s22] =	dma.local [hbm:s5], s20  }
0x9e: {  	_ =	swait.ge [sflag:s22], s20  }
0x9f: {  	s4 =	ssub.s32 $0x0, s20;
	[sflag:s22] =	ssyncset.done $0x0  }
0xa0: {  	[sflag:s22] =	ssyncadd.s32 s4;
	_ =	sdelay $0x1  }
0xa1: {  	s23 =	simm.s32 $0x1B8B  }
0xa2: {  	_ =	swait.ge [sflag:s23], $0x1  }
0xa3: {  	[sflag:s23] =	ssyncset.done $0x0  }
0xa4: {  	s25 =	simm.s32 $0x1B8E;
	s24 =	sld [smem:$0x3FFE];
	[sflag:s23] =	ssyncadd.s32 $0xFFFFFFFF  }
0xa5: {  	s26 =	simm.s32 $execute0_lowered;
	[smem:$0x3FD2] =	sst s25  }
0xa6: {  	s5 =	sshll.u32 s26, $0x1;
	_ =	strace $0x8000004C;
	[dreg:$0x1] =	wrdreg $0xFFFFFFFF  }
0xa7: {  	s28 =	simm.s32 $_size_execute0_lowered;
	s3 =	sadd.s32 s3, s5;
	[dreg:$0x0] =	wrdreg $0x0  }
0xa8: {  	s5 =	sshll.u32 s28, $0x1;
	[dreg:$0x2] =	wrdreg s3  }
0xa9: {  	[dreg:$0x3] =	wrdreg s5  }
0xaa: {  	[dreg:$0x4] =	wrdreg $0xC0  }
0xab: {  	_ =	task [dreg:s7], $0x5FFFF  }
0xac: {  	[dreg:$0x1] =	wrdreg $0xFFFFFFFF  }
0xad: {  	[dreg:$0x0] =	wrdreg $0x60  }
0xae: {  	[dreg:$0x2] =	wrdreg s24  }
0xaf: {  	[dreg:$0x3] =	wrdreg s2  }
0xb0: {  	[dreg:$0x4] =	wrdreg $0x17A200  }
0xb1: {  	[dreg:$0x5] =	wrdreg $0x9  }
0xb2: {  	_ =	task.clear_ibuf [dreg:s7], $0x6FFFF;
	_ =	strace $0x9000004C  }
0xb3: {  	s29 =	simm.s32 $0x9;
	_ =	strace $0x8000004E  }
0xb4: {  	_ =	swait.ge [sflag:s29], $0x1  }
0xb5: {  	[sflag:s29] =	ssyncadd.s32 $0xFFFFFFFF  }
0xb6: {  	_ =	strace $0x9000004E  }
0xb7: {  	_ =	sfence  }
0xb8: {  	s30 =	sld [smem:$0x0];
	_ =	sdelay $0x2  }
0xb9: {  	s31 =	sshll.u32 s1, $0xD;
	s1 =	sshrl.u32 s1, $0x2  }
0xba: {  	s3 =	sand.u32 $0x4000, s31;
	s1 =	sadd.s32 s1, s30  }
0xbb: {  	s0 =	sor.u32 s3, s0;
	s1 =	sshll.u32 s1, $0x11  }
0xbc: {  	s0 =	sor.u32 s1, s0  }
0xbd: {  	s0 =	sadd.s32 $0x8F2B, s0  }
0xbe: {  	[sflag:s0] =	ssyncadd.remote.s32 $0x1  }
0xbf: {  	_ =	sfence.sel $0xFFFF  }
0xc0: {  	[dreg:$0x0] =	wrdreg $0xFFFFFFFF;
	(pc) =	sbr.abs _section_cstart, $3  }
0xc1: {  	[dreg:$0x1] =	wrdreg $0xFFFFFFFF  }
0xc2: {  	_ =	task.clear_ibuf [dreg:s7], $0x2FFFF;
	_ =	strace $0x9FFFFFFF  }
0xc3: {  	(tm) =	ssettm $0x7FFFFFFF  }
tec
execute0_lowered:
.L_overlay_start_1:
0x0: {  	(tag) =	ssettag $0x1  }
0x1: {  	s1 =	rddreg [dreg:$0x0]  }
0x2: {  	s0 =	rddreg [dreg:$0x1]  }
0x3: {  	s2 =	srdreg.scid;
	s3 =	rddreg [dreg:$0x2]  }
0x4: {  	s30 =	stileid.u32;
	s31 =	rddreg [dreg:$0x3];
	s15 =	simm.s32 $0x320  }
0x5: {  	[dreg:$0x4] =	wrdreg s0;
	s4 =	sand.u32 $0x1, s2;
	s2 =	simm.s32 $0x0  }
0x6: {  	s16 =	simm.s32 $0x4B0;
	s17 =	simm.s32 $0x640;
	[smem:$0x7FF] =	sst s2  }
0x7: {  	s18 =	simm.s32 $0x28A0;
	_ =	strace $0x8000004D;
	[dreg:$0xd] =	wrdreg s15  }
0x8: {  	s19 =	simm.s32 $0x7D0;
	s20 =	simm.s32 $0x2A30;
	[dreg:$0xe] =	wrdreg s16  }
0x9: {  	s21 =	simm.s32 $0x960;
	s22 =	simm.s32 $0x2BC0;
	[dreg:$0xf] =	wrdreg s17  }
0xa: {  	s28 =	simm.s32 $0x2710;
	p1 =	por $0x0, $0x0;
	[dreg:$0x10] =	wrdreg s18  }
0xb: {  	s23 =	sshll.u32 s30, $0x1;
	s5 =	smul.u32 $0x12C00, s30;
	[dreg:$0x11] =	wrdreg s19  }
0xc: {  	s6 =	sor.u32 $0x10, s30;
	s25 =	smul.u32 $0x4B00, s30;
	[dreg:$0x12] =	wrdreg s20  }
0xd: {  	s9 =	sadd.s32 $0x24800, s1;
	p0 =	sgt.u32 s30, $0x8;
	[dreg:$0x13] =	wrdreg s21  }
0xe: {  	s0 =	sor.u32 s4, s23;
	s23 =	simm.s32 $0xAF0;
	[dreg:$0x14] =	wrdreg s22  }
0xf: {  	s7 =	smul.u32 $0x12C00, s6;
	s10 =	sadd.s32 s25, s3;
	[dreg:$0x15] =	wrdreg s23  }
0x10: {  	s8 =	smul.u32 $0x75300, s4;
	s15 =	simm.s32 $0x15E0;
	[dreg:$0x9] =	wrdreg s10  }
0x11: {  	s6 =	smul.u32 $0x4B00, s6;
	s16 =	simm.s32 $0x3840;
	[smem:$0x7F1] =	sst s15  }
0x12: {  	s0 =	smul.u32 $0x4E2, s0;
	s17 =	simm.s32 $0x1770;
	[smem:$0x7F2] =	sst s16  }
0x13: {  	s5 =	sshrl.u32 s5, $0x2;
	s18 =	simm.s32 $0x39D0;
	[smem:$0x7F3] =	sst s17  }
0x14: {  	s19 =	simm.s32 $0x1900;
	s20 =	simm.s32 $0x3B60;
	[smem:$0x7F4] =	sst s18  }
0x15: {  	s21 =	simm.s32 $0x1A90;
	s22 =	simm.s32 $0x3CF0;
	[smem:$0x7F5] =	sst s19  }
0x16: {  	s23 =	simm.s32 $0x1C20;
	s5 =	sadd.s32 s5, s3;
	[smem:$0x7F6] =	sst s20  }
0x17: {  	s7 =	sshrl.u32 s7, $0x2;
	s29 =	sadd.s32 s25, s8;
	[smem:$0x7F7] =	sst s21  }
0x18: {  	s12 =	sadd.s32 s8, s6;
	s13 =	sadd.s32 s6, s3;
	[smem:$0x7F8] =	sst s22  }
0x19: {  	s25 =	simm.s32 $0xC80;
	s6 =	simm.s32 $0xFA0;
	[smem:$0x7F9] =	sst s23  }
0x1a: {  	s8 =	simm.s32 $0x1130;
	s10 =	simm.s32 $0x12C0;
	[dreg:$0x5] =	wrdreg s5  }
0x1b: {  	s23 =	simm.s32 $0x2260;
	s22 =	simm.s32 $0x44C0;
	[dreg:$0xb] =	wrdreg s13  }
0x1c: {  	s21 =	simm.s32 $0x23F0;
	s20 =	simm.s32 $0x4650;
	[dreg:$0x17] =	wrdreg s25  }
0x1d: {  	s19 =	simm.s32 $0x2580;
	s18 =	simm.s32 $0x47E0;
	[dreg:$0x1b] =	wrdreg s6  }
0x1e: {  	s17 =	simm.s32 $0x4970;
	s16 =	simm.s32 $0x4B00;
	[dreg:$0x1d] =	wrdreg s8  }
0x1f: {  	s15 =	simm.s32 $0x4C90;
	s24 =	sadd.s32 s7, s3;
	[dreg:$0x1f] =	wrdreg s10  }
0x20: {  	s5 =	sshrl.u32 s29, $0x3;
	s29 =	simm.s32 $0xE10;
	[dreg:$0x6] =	wrdreg s24  }
0x21: {  	s0 =	sadd.s32 s0, s1;
	s7 =	simm.s32 $0x3200;
	[dreg:$0x19] =	wrdreg s29  }
0x22: {  	s6 =	sadd.s32 $0x15C00, s1;
	s13 =	simm.s32 $0x1450;
	[dreg:$0x1c] =	wrdreg s7  }
0x23: {  	s10 =	simm.s32 $0xE420;
	s25 =	simm.s32 $0x1DB0;
	[smem:$0x7EF] =	sst s13  }
0x24: {  	s8 =	simm.s32 $0x1;
	s26 =	sadd.s32 $0xBE00, s0;
	[smem:$0x7FB] =	sst s25  }
0x25: {  	s0 =	sadd.s32 $0x2000, s0;
	s11 =	sadd.s32 s9, s5;
	[dreg:$0x7] =	wrdreg s26  }
0x26: {  	s5 =	sshrl.u32 s12, $0x3;
	s24 =	simm.s32 $0x2D50;
	[dreg:$0x8] =	wrdreg s0  }
0x27: {  	s12 =	ssub.s32 $0x2, s4;
	s7 =	simm.s32 $0x190;
	[dreg:$0xa] =	wrdreg s11  }
0x28: {  	s13 =	simm.s32 $0x3;
	s29 =	simm.s32 $0x1F40;
	[dreg:$0x16] =	wrdreg s24  }
0x29: {  	s25 =	simm.s32 $0x20D0;
	s14 =	sadd.s32 s9, s5;
	[smem:$0x7FD] =	sst s29  }
0x2a: {  	s26 =	simm.s32 $0x2EE0;
	s4 =	sshrl.u32 s12, $0x1;
	s0 =	rddreg [dreg:$0x4]  }
0x2b: {  	s5 =	simm.s32 $0x3070;
	[dreg:$0xc] =	wrdreg s14;
	s1 =	ssub.s32 s12, s4  }
0x2c: {  	s9 =	simm.s32 $0x3390;
	[dreg:$0x18] =	wrdreg s26;
	s1 =	smax.u32 s1, $0x1  }
0x2d: {  	s11 =	simm.s32 $0x3520;
	[dreg:$0x1a] =	wrdreg s5;
	s1 =	sadd.s32 $0xFFFFFFFF, s1  }
0x2e: {  	s24 =	simm.s32 $0x3E80;
	[dreg:$0x1e] =	wrdreg s9;
	p2 =	sne.s32 s1, $0x0  }
.Ltmp0:
0x2f: {  	[smem:$0x7EE] =	sst s11;
	s14 =	simm.s32 $0x36B0;
	(pc) =	sbr.rel @!p2 .LBB2_1-.Ltmp0, $4  }
0x30: {  	s5 =	simm.s32 $0x4E20;
	s4 =	simm.s32 $0x5;
	s11 =	simm.s32 $0x9920  }
0x31: {  	s9 =	simm.s32 $0x12F20;
	[smem:$0x7FA] =	sst s24;
	s26 =	simm.s32 $0x4010  }
0x32: {  	s12 =	simm.s32 $0x4;
	s24 =	simm.s32 $0x4330;
	[smem:$0x7F0] =	sst s14  }
0x33: {  	s14 =	simm.s32 $0x2;
	[smem:$0x7FC] =	sst s26;
	s26 =	simm.s32 $0x41A0  }
0x34: {  	[tilespmem:s5], [sflag:$0x5] =	stream.linear.gather [hbm4b:s0+s2], $0x4B00, $0x38;
	[tilespmem:$0x1EF50] =	vst v63  }
0x35: {  	_ =	swait.ge [sflag:s4], $0x4B00  }
0x36: {  	[sflag:s4] =	ssyncset.done $0x0  }
0x37: {  	s0 =	rddreg [dreg:$0x5];
	[sflag:s4] =	ssyncadd.s32 $0xFFFFB500  }
0x38: {  	[spmem:s0] =	stream.linear.scatter [tilespmem:s5], [sflag:$0x5], $0x4B00, $0x38;
	[tilespmem:$0x1EF50] =	vst v63  }
0x39: {  	_ =	swait.ge [sflag:s4], $0x4B00  }
0x3a: {  	s30 =	simm.s32 @!p0 $0x4E20;
	[sflag:s4] =	ssyncset.done $0x0  }
0x3b: {  	s29 =	simm.s32 @!p0 $0x5;
	s0 =	rddreg [dreg:$0x6];
	[sflag:s4] =	ssyncadd.s32 $0xFFFFB500  }
0x3c: {  	[spmem:s0] =	stream.linear.scatter @!p0 [tilespmem:s30], [sflag:$0x5], $0x4B00, $0x38;
	[tilespmem:$0x1EF50] =	vst v63  }
0x3d: {  	_ =	swait.ge @!p0 [sflag:s29], $0x4B00  }
0x3e: {  	[sflag:s29] =	ssyncset.done @!p0 $0x0  }
0x3f: {  	s0 =	rddreg [dreg:$0x7];
	[sflag:s29] =	ssyncadd.s32 @!p0 $0xFFFFB500  }
0x40: {  	[tilespmem:s2], [sflag:$0x5] =	stream.linear.gather [hbm4b:s0+s2], $0x2710, $0x38;
	[tilespmem:$0x1EF50] =	vst v63  }
0x41: {  	_ =	swait.ge [sflag:s4], $0x2710  }
0x42: {  	[sflag:s4] =	ssyncset.done $0x0  }
0x43: {  	s0 =	rddreg [dreg:$0x8];
	[sflag:s4] =	ssyncadd.s32 $0xFFFFD8F0  }
0x44: {  	[tilespmem:s28], [sflag:$0x5] =	stream.linear.gather [hbm4b:s0+s2], $0x2710, $0x38;
	[tilespmem:$0x1EF50] =	vst v63  }
0x45: {  	_ =	swait.ge [sflag:s4], $0x2710  }
0x46: {  	[sflag:s4] =	ssyncset.done $0x0  }
0x47: {  	[sflag:s4] =	ssyncadd.s32 $0xFFFFD8F0  }
0x48: {  	[bflag:$0x0] =	sbarrier.arrive $0xFFFF  }
0x49: {  	[tilespmem:s5], [sflag:$0x1] =	stream.indirect.gather [hbm4b:s6+s7], $0x30, s2, s7, $0xb8;
	[tilespmem:$0x1EF50] =	vst v63  }
0x4a: {  	_ = 	snop  }
0x4b: {  	[tilespmem:s11], [sflag:$0x2] =	stream.indirect.gather [hbm4b:s6+s7], $0x30, s7, s7, $0xb8;
	[tilespmem:$0x1EF50] =	vst v63  }
0x4c: {  	s0 =	rddreg [dreg:$0xd]  }
0x4d: {  	[tilespmem:s10], [sflag:$0x3] =	stream.indirect.gather [hbm4b:s6+s7], $0x30, s0, s7, $0xb8;
	[tilespmem:$0x1EF50] =	vst v63  }
0x4e: {  	s31 =	rddreg [dreg:$0xe]  }
0x4f: {  	[tilespmem:s9], [sflag:$0x4] =	stream.indirect.gather [hbm4b:s6+s7], $0x30, s31, s7, $0xb8;
	[tilespmem:$0x1EF50] =	vst v63  }
0x50: {  	_ =	swait.ge [sflag:s8], $0x4B00  }
0x51: {  	[sflag:s8] =	ssyncset.done $0x0  }
0x52: {  	[sflag:s8] =	ssyncadd.s32 $0xFFFFB500  }
0x53: {  	[spmem:s3] =	stream.indirect.scatter.add.f32 [tilespmem:s5], [sflag:$0x5], $0x30, s28, s7, $0xb8;
	[tilespmem:$0x1EF50] =	vst v63  }
0x54: {  	_ =	swait.ge [sflag:s4], $0x4B00  }
0x55: {  	[sflag:s4] =	ssyncset.done $0x0  }
0x56: {  	s0 =	rddreg [dreg:$0xf];
	[sflag:s4] =	ssyncadd.s32 $0xFFFFB500  }
0x57: {  	[tilespmem:s5], [sflag:$0x1] =	stream.indirect.gather [hbm4b:s6+s7], $0x30, s0, s7, $0xb8;
	[tilespmem:$0x1EF50] =	vst v63  }
0x58: {  	_ =	swait.ge [sflag:s14], $0x4B00  }
0x59: {  	[sflag:s14] =	ssyncset.done $0x0  }
0x5a: {  	s0 =	rddreg [dreg:$0x10];
	[sflag:s14] =	ssyncadd.s32 $0xFFFFB500  }
0x5b: {  	[spmem:s3] =	stream.indirect.scatter.add.f32 [tilespmem:s11], [sflag:$0x5], $0x30, s0, s7, $0xb8;
	[tilespmem:$0x1EF50] =	vst v63  }
0x5c: {  	_ =	swait.ge [sflag:s4], $0x4B00  }
0x5d: {  	[sflag:s4] =	ssyncset.done $0x0  }
0x5e: {  	s0 =	rddreg [dreg:$0x11];
	[sflag:s4] =	ssyncadd.s32 $0xFFFFB500  }
0x5f: {  	[tilespmem:s11], [sflag:$0x2] =	stream.indirect.gather [hbm4b:s6+s7], $0x30, s0, s7, $0xb8;
	[tilespmem:$0x1EF50] =	vst v63  }
0x60: {  	_ =	swait.ge [sflag:s13], $0x4B00  }
0x61: {  	[sflag:s13] =	ssyncset.done $0x0  }
0x62: {  	s0 =	rddreg [dreg:$0x12];
	[sflag:s13] =	ssyncadd.s32 $0xFFFFB500  }
0x63: {  	[spmem:s3] =	stream.indirect.scatter.add.f32 [tilespmem:s10], [sflag:$0x5], $0x30, s0, s7, $0xb8;
	[tilespmem:$0x1EF50] =	vst v63  }
0x64: {  	_ =	swait.ge [sflag:s4], $0x4B00  }
0x65: {  	[sflag:s4] =	ssyncset.done $0x0  }
0x66: {  	s0 =	rddreg [dreg:$0x13];
	[sflag:s4] =	ssyncadd.s32 $0xFFFFB500  }
0x67: {  	[tilespmem:s10], [sflag:$0x3] =	stream.indirect.gather [hbm4b:s6+s7], $0x30, s0, s7, $0xb8;
	[tilespmem:$0x1EF50] =	vst v63  }
0x68: {  	_ =	swait.ge [sflag:s12], $0x4B00  }
0x69: {  	[sflag:s12] =	ssyncset.done $0x0  }
0x6a: {  	s0 =	rddreg [dreg:$0x14];
	[sflag:s12] =	ssyncadd.s32 $0xFFFFB500  }
0x6b: {  	[spmem:s3] =	stream.indirect.scatter.add.f32 [tilespmem:s9], [sflag:$0x5], $0x30, s0, s7, $0xb8;
	[tilespmem:$0x1EF50] =	vst v63  }
0x6c: {  	_ =	swait.ge [sflag:s4], $0x4B00  }
0x6d: {  	[sflag:s4] =	ssyncset.done $0x0  }
0x6e: {  	s0 =	rddreg [dreg:$0x15];
	[sflag:s4] =	ssyncadd.s32 $0xFFFFB500  }
0x6f: {  	[tilespmem:s9], [sflag:$0x4] =	stream.indirect.gather [hbm4b:s6+s7], $0x30, s0, s7, $0xb8;
	[tilespmem:$0x1EF50] =	vst v63  }
0x70: {  	_ =	swait.ge [sflag:s8], $0x4B00  }
0x71: {  	[sflag:s8] =	ssyncset.done $0x0  }
0x72: {  	s0 =	rddreg [dreg:$0x16];
	[sflag:s8] =	ssyncadd.s32 $0xFFFFB500  }
0x73: {  	[spmem:s3] =	stream.indirect.scatter.add.f32 [tilespmem:s5], [sflag:$0x5], $0x30, s0, s7, $0xb8;
	[tilespmem:$0x1EF50] =	vst v63  }
0x74: {  	_ =	swait.ge [sflag:s4], $0x4B00  }
0x75: {  	[sflag:s4] =	ssyncset.done $0x0  }
0x76: {  	s0 =	rddreg [dreg:$0x17];
	[sflag:s4] =	ssyncadd.s32 $0xFFFFB500  }
0x77: {  	[tilespmem:s5], [sflag:$0x1] =	stream.indirect.gather [hbm4b:s6+s7], $0x30, s0, s7, $0xb8;
	[tilespmem:$0x1EF50] =	vst v63  }
0x78: {  	_ =	swait.ge [sflag:s14], $0x4B00  }
0x79: {  	[sflag:s14] =	ssyncset.done $0x0  }
0x7a: {  	s0 =	rddreg [dreg:$0x18];
	[sflag:s14] =	ssyncadd.s32 $0xFFFFB500  }
0x7b: {  	[spmem:s3] =	stream.indirect.scatter.add.f32 [tilespmem:s11], [sflag:$0x5], $0x30, s0, s7, $0xb8;
	[tilespmem:$0x1EF50] =	vst v63  }
0x7c: {  	_ =	swait.ge [sflag:s4], $0x4B00  }
0x7d: {  	[sflag:s4] =	ssyncset.done $0x0  }
0x7e: {  	s0 =	rddreg [dreg:$0x19];
	[sflag:s4] =	ssyncadd.s32 $0xFFFFB500  }
0x7f: {  	[tilespmem:s11], [sflag:$0x2] =	stream.indirect.gather [hbm4b:s6+s7], $0x30, s0, s7, $0xb8;
	[tilespmem:$0x1EF50] =	vst v63  }
0x80: {  	_ =	swait.ge [sflag:s13], $0x4B00  }
0x81: {  	[sflag:s13] =	ssyncset.done $0x0  }
0x82: {  	s0 =	rddreg [dreg:$0x1a];
	[sflag:s13] =	ssyncadd.s32 $0xFFFFB500  }
0x83: {  	[spmem:s3] =	stream.indirect.scatter.add.f32 [tilespmem:s10], [sflag:$0x5], $0x30, s0, s7, $0xb8;
	[tilespmem:$0x1EF50] =	vst v63  }
0x84: {  	_ =	swait.ge [sflag:s4], $0x4B00  }
0x85: {  	[sflag:s4] =	ssyncset.done $0x0  }
0x86: {  	s0 =	rddreg [dreg:$0x1b];
	[sflag:s4] =	ssyncadd.s32 $0xFFFFB500  }
0x87: {  	[tilespmem:s10], [sflag:$0x3] =	stream.indirect.gather [hbm4b:s6+s7], $0x30, s0, s7, $0xb8;
	[tilespmem:$0x1EF50] =	vst v63  }
0x88: {  	_ =	swait.ge [sflag:s12], $0x4B00  }
0x89: {  	[sflag:s12] =	ssyncset.done $0x0  }
0x8a: {  	s0 =	rddreg [dreg:$0x1c];
	[sflag:s12] =	ssyncadd.s32 $0xFFFFB500  }
0x8b: {  	[spmem:s3] =	stream.indirect.scatter.add.f32 [tilespmem:s9], [sflag:$0x5], $0x30, s0, s7, $0xb8;
	[tilespmem:$0x1EF50] =	vst v63  }
0x8c: {  	_ =	swait.ge [sflag:s4], $0x4B00  }
0x8d: {  	[sflag:s4] =	ssyncset.done $0x0  }
0x8e: {  	s0 =	rddreg [dreg:$0x1d];
	[sflag:s4] =	ssyncadd.s32 $0xFFFFB500  }
0x8f: {  	[tilespmem:s9], [sflag:$0x4] =	stream.indirect.gather [hbm4b:s6+s7], $0x30, s0, s7, $0xb8;
	[tilespmem:$0x1EF50] =	vst v63  }
0x90: {  	_ =	swait.ge [sflag:s8], $0x4B00  }
0x91: {  	[sflag:s8] =	ssyncset.done $0x0  }
0x92: {  	s0 =	rddreg [dreg:$0x1e];
	[sflag:s8] =	ssyncadd.s32 $0xFFFFB500  }
0x93: {  	[spmem:s3] =	stream.indirect.scatter.add.f32 [tilespmem:s5], [sflag:$0x5], $0x30, s0, s7, $0xb8;
	[tilespmem:$0x1EF50] =	vst v63  }
0x94: {  	_ =	swait.ge [sflag:s4], $0x4B00  }
0x95: {  	[sflag:s4] =	ssyncset.done $0x0  }
0x96: {  	s0 =	rddreg [dreg:$0x1f];
	[sflag:s4] =	ssyncadd.s32 $0xFFFFB500  }
0x97: {  	[tilespmem:s5], [sflag:$0x1] =	stream.indirect.gather [hbm4b:s6+s7], $0x30, s0, s7, $0xb8;
	[tilespmem:$0x1EF50] =	vst v63  }
0x98: {  	_ =	swait.ge [sflag:s14], $0x4B00  }
0x99: {  	s0 =	sld [smem:$0x7EE]  }
0x9a: {  	[sflag:s14] =	ssyncset.done $0x0  }
0x9b: {  	[sflag:s14] =	ssyncadd.s32 $0xFFFFB500  }
0x9c: {  	[spmem:s3] =	stream.indirect.scatter.add.f32 [tilespmem:s11], [sflag:$0x5], $0x30, s0, s7, $0xb8;
	[tilespmem:$0x1EF50] =	vst v63  }
0x9d: {  	_ =	swait.ge [sflag:s4], $0x4B00  }
0x9e: {  	s0 =	sld [smem:$0x7EF]  }
0x9f: {  	[sflag:s4] =	ssyncset.done $0x0  }
0xa0: {  	[sflag:s4] =	ssyncadd.s32 $0xFFFFB500  }
0xa1: {  	[tilespmem:s11], [sflag:$0x2] =	stream.indirect.gather [hbm4b:s6+s7], $0x30, s0, s7, $0xb8;
	[tilespmem:$0x1EF50] =	vst v63  }
0xa2: {  	_ =	swait.ge [sflag:s13], $0x4B00  }
0xa3: {  	s0 =	sld [smem:$0x7F0]  }
0xa4: {  	[sflag:s13] =	ssyncset.done $0x0  }
0xa5: {  	[sflag:s13] =	ssyncadd.s32 $0xFFFFB500  }
0xa6: {  	[spmem:s3] =	stream.indirect.scatter.add.f32 [tilespmem:s10], [sflag:$0x5], $0x30, s0, s7, $0xb8;
	[tilespmem:$0x1EF50] =	vst v63  }
0xa7: {  	_ =	swait.ge [sflag:s4], $0x4B00  }
0xa8: {  	s0 =	sld [smem:$0x7F1]  }
0xa9: {  	[sflag:s4] =	ssyncset.done $0x0  }
0xaa: {  	[sflag:s4] =	ssyncadd.s32 $0xFFFFB500  }
0xab: {  	[tilespmem:s10], [sflag:$0x3] =	stream.indirect.gather [hbm4b:s6+s7], $0x30, s0, s7, $0xb8;
	[tilespmem:$0x1EF50] =	vst v63  }
0xac: {  	_ =	swait.ge [sflag:s12], $0x4B00  }
0xad: {  	s0 =	sld [smem:$0x7F2]  }
0xae: {  	[sflag:s12] =	ssyncset.done $0x0  }
0xaf: {  	[sflag:s12] =	ssyncadd.s32 $0xFFFFB500  }
0xb0: {  	[spmem:s3] =	stream.indirect.scatter.add.f32 [tilespmem:s9], [sflag:$0x5], $0x30, s0, s7, $0xb8;
	[tilespmem:$0x1EF50] =	vst v63  }
0xb1: {  	_ =	swait.ge [sflag:s4], $0x4B00  }
0xb2: {  	s0 =	sld [smem:$0x7F3]  }
0xb3: {  	[sflag:s4] =	ssyncset.done $0x0  }
0xb4: {  	[sflag:s4] =	ssyncadd.s32 $0xFFFFB500  }
0xb5: {  	[tilespmem:s9], [sflag:$0x4] =	stream.indirect.gather [hbm4b:s6+s7], $0x30, s0, s7, $0xb8;
	[tilespmem:$0x1EF50] =	vst v63  }
0xb6: {  	_ =	swait.ge [sflag:s8], $0x4B00  }
0xb7: {  	s0 =	sld [smem:$0x7F4]  }
0xb8: {  	[sflag:s8] =	ssyncset.done $0x0  }
0xb9: {  	[sflag:s8] =	ssyncadd.s32 $0xFFFFB500  }
0xba: {  	[spmem:s3] =	stream.indirect.scatter.add.f32 [tilespmem:s5], [sflag:$0x5], $0x30, s0, s7, $0xb8;
	[tilespmem:$0x1EF50] =	vst v63  }
0xbb: {  	_ =	swait.ge [sflag:s4], $0x4B00  }
0xbc: {  	s0 =	sld [smem:$0x7F5]  }
0xbd: {  	[sflag:s4] =	ssyncset.done $0x0  }
0xbe: {  	[sflag:s4] =	ssyncadd.s32 $0xFFFFB500  }
0xbf: {  	[tilespmem:s5], [sflag:$0x1] =	stream.indirect.gather [hbm4b:s6+s7], $0x30, s0, s7, $0xb8;
	[tilespmem:$0x1EF50] =	vst v63  }
0xc0: {  	_ =	swait.ge [sflag:s14], $0x4B00  }
0xc1: {  	s0 =	sld [smem:$0x7F6]  }
0xc2: {  	[sflag:s14] =	ssyncset.done $0x0  }
0xc3: {  	[sflag:s14] =	ssyncadd.s32 $0xFFFFB500  }
0xc4: {  	[spmem:s3] =	stream.indirect.scatter.add.f32 [tilespmem:s11], [sflag:$0x5], $0x30, s0, s7, $0xb8;
	[tilespmem:$0x1EF50] =	vst v63  }
0xc5: {  	_ =	swait.ge [sflag:s4], $0x4B00  }
0xc6: {  	s0 =	sld [smem:$0x7F7]  }
0xc7: {  	[sflag:s4] =	ssyncset.done $0x0  }
0xc8: {  	[sflag:s4] =	ssyncadd.s32 $0xFFFFB500  }
0xc9: {  	[tilespmem:s11], [sflag:$0x2] =	stream.indirect.gather [hbm4b:s6+s7], $0x30, s0, s7, $0xb8;
	[tilespmem:$0x1EF50] =	vst v63  }
0xca: {  	_ =	swait.ge [sflag:s13], $0x4B00  }
0xcb: {  	s0 =	sld [smem:$0x7F8]  }
0xcc: {  	[sflag:s13] =	ssyncset.done $0x0  }
0xcd: {  	[sflag:s13] =	ssyncadd.s32 $0xFFFFB500  }
0xce: {  	[spmem:s3] =	stream.indirect.scatter.add.f32 [tilespmem:s10], [sflag:$0x5], $0x30, s0, s7, $0xb8;
	[tilespmem:$0x1EF50] =	vst v63  }
0xcf: {  	_ =	swait.ge [sflag:s4], $0x4B00  }
0xd0: {  	s0 =	sld [smem:$0x7F9]  }
0xd1: {  	[sflag:s4] =	ssyncset.done $0x0  }
0xd2: {  	[sflag:s4] =	ssyncadd.s32 $0xFFFFB500  }
0xd3: {  	[tilespmem:s10], [sflag:$0x3] =	stream.indirect.gather [hbm4b:s6+s7], $0x30, s0, s7, $0xb8;
	[tilespmem:$0x1EF50] =	vst v63  }
0xd4: {  	_ =	swait.ge [sflag:s12], $0x4B00  }
0xd5: {  	s0 =	sld [smem:$0x7FA]  }
0xd6: {  	[sflag:s12] =	ssyncset.done $0x0  }
0xd7: {  	[sflag:s12] =	ssyncadd.s32 $0xFFFFB500  }
0xd8: {  	[spmem:s3] =	stream.indirect.scatter.add.f32 [tilespmem:s9], [sflag:$0x5], $0x30, s0, s7, $0xb8;
	[tilespmem:$0x1EF50] =	vst v63  }
0xd9: {  	_ =	swait.ge [sflag:s4], $0x4B00  }
0xda: {  	s0 =	sld [smem:$0x7FB]  }
0xdb: {  	[sflag:s4] =	ssyncset.done $0x0  }
0xdc: {  	[sflag:s4] =	ssyncadd.s32 $0xFFFFB500  }
0xdd: {  	[tilespmem:s9], [sflag:$0x4] =	stream.indirect.gather [hbm4b:s6+s7], $0x30, s0, s7, $0xb8;
	[tilespmem:$0x1EF50] =	vst v63  }
0xde: {  	_ =	swait.ge [sflag:s8], $0x4B00  }
0xdf: {  	s0 =	sld [smem:$0x7FC]  }
0xe0: {  	[sflag:s8] =	ssyncset.done $0x0  }
0xe1: {  	[sflag:s8] =	ssyncadd.s32 $0xFFFFB500  }
0xe2: {  	[spmem:s3] =	stream.indirect.scatter.add.f32 [tilespmem:s5], [sflag:$0x5], $0x30, s0, s7, $0xb8;
	[tilespmem:$0x1EF50] =	vst v63  }
0xe3: {  	_ =	swait.ge [sflag:s4], $0x4B00  }
0xe4: {  	s0 =	sld [smem:$0x7FD]  }
0xe5: {  	[sflag:s4] =	ssyncset.done $0x0  }
0xe6: {  	[sflag:s4] =	ssyncadd.s32 $0xFFFFB500  }
0xe7: {  	[tilespmem:s5], [sflag:$0x1] =	stream.indirect.gather [hbm4b:s6+s7], $0x30, s0, s7, $0xb8;
	[tilespmem:$0x1EF50] =	vst v63  }
0xe8: {  	_ =	swait.ge [sflag:s14], $0x4B00  }
0xe9: {  	[sflag:s14] =	ssyncset.done $0x0  }
0xea: {  	[sflag:s14] =	ssyncadd.s32 $0xFFFFB500  }
0xeb: {  	[spmem:s3] =	stream.indirect.scatter.add.f32 [tilespmem:s11], [sflag:$0x5], $0x30, s26, s7, $0xb8;
	[tilespmem:$0x1EF50] =	vst v63  }
0xec: {  	_ =	swait.ge [sflag:s4], $0x4B00  }
0xed: {  	[sflag:s4] =	ssyncset.done $0x0  }
0xee: {  	[sflag:s4] =	ssyncadd.s32 $0xFFFFB500  }
0xef: {  	[tilespmem:s11], [sflag:$0x2] =	stream.indirect.gather [hbm4b:s6+s7], $0x30, s25, s7, $0xb8;
	[tilespmem:$0x1EF50] =	vst v63  }
0xf0: {  	_ =	swait.ge [sflag:s13], $0x4B00  }
0xf1: {  	[sflag:s13] =	ssyncset.done $0x0  }
0xf2: {  	[sflag:s13] =	ssyncadd.s32 $0xFFFFB500  }
0xf3: {  	[spmem:s3] =	stream.indirect.scatter.add.f32 [tilespmem:s10], [sflag:$0x5], $0x30, s24, s7, $0xb8;
	[tilespmem:$0x1EF50] =	vst v63  }
0xf4: {  	_ =	swait.ge [sflag:s4], $0x4B00  }
0xf5: {  	[sflag:s4] =	ssyncset.done $0x0  }
0xf6: {  	[sflag:s4] =	ssyncadd.s32 $0xFFFFB500  }
0xf7: {  	[tilespmem:s10], [sflag:$0x3] =	stream.indirect.gather [hbm4b:s6+s7], $0x30, s23, s7, $0xb8;
	[tilespmem:$0x1EF50] =	vst v63  }
0xf8: {  	_ =	swait.ge [sflag:s12], $0x4B00  }
0xf9: {  	[sflag:s12] =	ssyncset.done $0x0  }
0xfa: {  	[sflag:s12] =	ssyncadd.s32 $0xFFFFB500  }
0xfb: {  	[spmem:s3] =	stream.indirect.scatter.add.f32 [tilespmem:s9], [sflag:$0x5], $0x30, s22, s7, $0xb8;
	[tilespmem:$0x1EF50] =	vst v63  }
0xfc: {  	_ =	swait.ge [sflag:s4], $0x4B00  }
0xfd: {  	[sflag:s4] =	ssyncset.done $0x0  }
0xfe: {  	[sflag:s4] =	ssyncadd.s32 $0xFFFFB500  }
0xff: {  	[tilespmem:s9], [sflag:$0x4] =	stream.indirect.gather [hbm4b:s6+s7], $0x30, s21, s7, $0xb8;
	[tilespmem:$0x1EF50] =	vst v63  }
0x100: {  	_ =	swait.ge [sflag:s8], $0x4B00  }
0x101: {  	[sflag:s8] =	ssyncset.done $0x0  }
0x102: {  	[sflag:s8] =	ssyncadd.s32 $0xFFFFB500  }
0x103: {  	[spmem:s3] =	stream.indirect.scatter.add.f32 [tilespmem:s5], [sflag:$0x5], $0x30, s20, s7, $0xb8;
	[tilespmem:$0x1EF50] =	vst v63  }
0x104: {  	_ =	swait.ge [sflag:s4], $0x4B00  }
0x105: {  	[sflag:s4] =	ssyncset.done $0x0  }
0x106: {  	[sflag:s4] =	ssyncadd.s32 $0xFFFFB500  }
0x107: {  	[tilespmem:s5], [sflag:$0x1] =	stream.indirect.gather [hbm4b:s6+s7], $0x30, s19, s7, $0xb8;
	[tilespmem:$0x1EF50] =	vst v63  }
0x108: {  	_ =	swait.ge [sflag:s14], $0x4B00  }
0x109: {  	[sflag:s14] =	ssyncset.done $0x0  }
0x10a: {  	[sflag:s14] =	ssyncadd.s32 $0xFFFFB500  }
0x10b: {  	[spmem:s3] =	stream.indirect.scatter.add.f32 [tilespmem:s11], [sflag:$0x5], $0x30, s18, s7, $0xb8;
	[tilespmem:$0x1EF50] =	vst v63  }
0x10c: {  	_ =	swait.ge [sflag:s4], $0x4B00  }
0x10d: {  	[sflag:s4] =	ssyncset.done $0x0  }
0x10e: {  	[sflag:s4] =	ssyncadd.s32 $0xFFFFB500  }
0x10f: {  	_ =	swait.ge [sflag:s13], $0x4B00  }
0x110: {  	[sflag:s13] =	ssyncset.done $0x0  }
0x111: {  	[sflag:s13] =	ssyncadd.s32 $0xFFFFB500  }
0x112: {  	[spmem:s3] =	stream.indirect.scatter.add.f32 [tilespmem:s10], [sflag:$0x5], $0x30, s17, s7, $0xb8;
	[tilespmem:$0x1EF50] =	vst v63  }
0x113: {  	_ =	swait.ge [sflag:s4], $0x4B00  }
0x114: {  	[sflag:s4] =	ssyncset.done $0x0  }
0x115: {  	[sflag:s4] =	ssyncadd.s32 $0xFFFFB500  }
0x116: {  	_ =	swait.ge [sflag:s12], $0x4B00  }
0x117: {  	[sflag:s12] =	ssyncset.done $0x0  }
0x118: {  	[sflag:s12] =	ssyncadd.s32 $0xFFFFB500  }
0x119: {  	[spmem:s3] =	stream.indirect.scatter.add.f32 [tilespmem:s9], [sflag:$0x5], $0x30, s16, s7, $0xb8;
	[tilespmem:$0x1EF50] =	vst v63  }
0x11a: {  	_ =	swait.ge [sflag:s4], $0x4B00  }
0x11b: {  	[sflag:s4] =	ssyncset.done $0x0  }
0x11c: {  	[sflag:s4] =	ssyncadd.s32 $0xFFFFB500  }
0x11d: {  	_ =	swait.ge [sflag:s8], $0x4B00  }
0x11e: {  	[sflag:s8] =	ssyncset.done $0x0  }
0x11f: {  	[sflag:s8] =	ssyncadd.s32 $0xFFFFB500  }
0x120: {  	[spmem:s3] =	stream.indirect.scatter.add.f32 [tilespmem:s5], [sflag:$0x5], $0x30, s15, s7, $0xb8;
	[tilespmem:$0x1EF50] =	vst v63  }
0x121: {  	_ =	swait.ge [sflag:s4], $0x4B00  }
0x122: {  	[sflag:s4] =	ssyncset.done $0x0  }
0x123: {  	[sflag:s4] =	ssyncadd.s32 $0xFFFFB500  }
0x124: {  	[bflag:$0x0] =	sbarrier.arrive $0xFFFF  }
0x125: {  	s15 =	rddreg [dreg:$0x9]  }
0x126: {  	[tilespmem:s5], [sflag:$0x5] =	stream.linear.gather [spmem:s15], $0x4B00, $0x38;
	[tilespmem:$0x1EF50] =	vst v63  }
0x127: {  	_ =	swait.ge [sflag:s4], $0x4B00  }
0x128: {  	[sflag:s4] =	ssyncset.done $0x0  }
0x129: {  	s15 =	rddreg [dreg:$0xa];
	[sflag:s4] =	ssyncadd.s32 $0xFFFFB500  }
0x12a: {  	[hbm4b:s15+s2] =	stream.linear.scatter [tilespmem:s5], [sflag:$0x5], $0x4B00, $0x38;
	[tilespmem:$0x1EF50] =	vst v63  }
0x12b: {  	_ =	swait.ge [sflag:s4], $0x4B00  }
0x12c: {  	[sflag:s4] =	ssyncset.done $0x0  }
0x12d: {  	s31 =	sadd.s32 $0xFFFFFFFF, s1;
	s0 =	rddreg [dreg:$0xb];
	[sflag:s4] =	ssyncadd.s32 $0xFFFFB500  }
0x12e: {  	[tilespmem:s30], [sflag:$0x5] =	stream.linear.gather @!p0 [spmem:s0], $0x4B00, $0x38;
	[tilespmem:$0x1EF50] =	vst v63  }
0x12f: {  	p2 =	sne.s32 s31, $0x0;
	_ =	swait.ge @!p0 [sflag:s29], $0x4B00  }
.Ltmp1:
0x130: {  	[sflag:s29] =	ssyncset.done @!p0 $0x0;
	(pc) =	sbr.rel @!p2 .LBB2_3-.Ltmp1, $4  }
0x131: {  	s1 =	simm.s32 @!p0 $0x0;
	s0 =	rddreg [dreg:$0xc];
	[sflag:s29] =	ssyncadd.s32 @!p0 $0xFFFFB500  }
0x132: {  	[hbm4b:s0+s1] =	stream.linear.scatter @!p0 [tilespmem:s30], [sflag:$0x5], $0x4B00, $0x38;
	[tilespmem:$0x1EF50] =	vst v63  }
0x133: {  	_ =	swait.ge @!p0 [sflag:s29], $0x4B00  }
0x134: {  	p1 =	por $0x1, $0x1;
	s0 =	rddreg [dreg:$0x4];
	[sflag:s29] =	ssyncset.done @!p0 $0x0  }
.LBB2_4:
0x135: {  	[sflag:s29] =	ssyncadd.s32 @!p0 $0xFFFFB500  }
0x136: {  	[tilespmem:s5], [sflag:$0x5] =	stream.linear.gather [hbm4b:s0+s2], $0x4B00, $0x38;
	[tilespmem:$0x1EF50] =	vst v63  }
0x137: {  	_ =	swait.ge [sflag:s4], $0x4B00  }
0x138: {  	[sflag:s4] =	ssyncset.done $0x0  }
0x139: {  	s15 =	rddreg [dreg:$0x5];
	[sflag:s4] =	ssyncadd.s32 $0xFFFFB500  }
0x13a: {  	[spmem:s15] =	stream.linear.scatter [tilespmem:s5], [sflag:$0x5], $0x4B00, $0x38;
	[tilespmem:$0x1EF50] =	vst v63  }
0x13b: {  	_ =	swait.ge [sflag:s4], $0x4B00  }
0x13c: {  	[sflag:s4] =	ssyncset.done $0x0  }
0x13d: {  	s0 =	rddreg [dreg:$0x6];
	[sflag:s4] =	ssyncadd.s32 $0xFFFFB500  }
0x13e: {  	[spmem:s0] =	stream.linear.scatter @!p0 [tilespmem:s30], [sflag:$0x5], $0x4B00, $0x38;
	[tilespmem:$0x1EF50] =	vst v63  }
0x13f: {  	_ =	swait.ge @!p0 [sflag:s29], $0x4B00  }
0x140: {  	[sflag:s29] =	ssyncset.done @!p0 $0x0  }
0x141: {  	s15 =	rddreg [dreg:$0x7];
	[sflag:s29] =	ssyncadd.s32 @!p0 $0xFFFFB500  }
0x142: {  	[tilespmem:s2], [sflag:$0x5] =	stream.linear.gather [hbm4b:s15+s2], $0x2710, $0x38;
	[tilespmem:$0x1EF50] =	vst v63  }
0x143: {  	_ =	swait.ge [sflag:s4], $0x2710  }
0x144: {  	[sflag:s4] =	ssyncset.done $0x0  }
0x145: {  	s15 =	rddreg [dreg:$0x8];
	[sflag:s4] =	ssyncadd.s32 $0xFFFFD8F0  }
0x146: {  	[tilespmem:s28], [sflag:$0x5] =	stream.linear.gather [hbm4b:s15+s2], $0x2710, $0x38;
	[tilespmem:$0x1EF50] =	vst v63  }
0x147: {  	_ =	swait.ge [sflag:s4], $0x2710  }
0x148: {  	[sflag:s4] =	ssyncset.done $0x0  }
0x149: {  	[sflag:s4] =	ssyncadd.s32 $0xFFFFD8F0  }
0x14a: {  	[bflag:$0x0] =	sbarrier.arrive $0xFFFF  }
0x14b: {  	[tilespmem:s5], [sflag:$0x1] =	stream.indirect.gather [hbm4b:s6+s7], $0x30, s2, s7, $0xb8;
	[tilespmem:$0x1EF50] =	vst v63  }
0x14c: {  	_ = 	snop  }
0x14d: {  	[tilespmem:s11], [sflag:$0x2] =	stream.indirect.gather [hbm4b:s6+s7], $0x30, s7, s7, $0xb8;
	[tilespmem:$0x1EF50] =	vst v63  }
0x14e: {  	s0 =	rddreg [dreg:$0xd]  }
0x14f: {  	[tilespmem:s10], [sflag:$0x3] =	stream.indirect.gather [hbm4b:s6+s7], $0x30, s0, s7, $0xb8;
	[tilespmem:$0x1EF50] =	vst v63  }
0x150: {  	s15 =	rddreg [dreg:$0xe]  }
0x151: {  	[tilespmem:s9], [sflag:$0x4] =	stream.indirect.gather [hbm4b:s6+s7], $0x30, s15, s7, $0xb8;
	[tilespmem:$0x1EF50] =	vst v63  }
0x152: {  	_ =	swait.ge [sflag:s8], $0x4B00  }
0x153: {  	[sflag:s8] =	ssyncset.done $0x0  }
0x154: {  	[sflag:s8] =	ssyncadd.s32 $0xFFFFB500  }
0x155: {  	[spmem:s3] =	stream.indirect.scatter.add.f32 [tilespmem:s5], [sflag:$0x5], $0x30, s28, s7, $0xb8;
	[tilespmem:$0x1EF50] =	vst v63  }
0x156: {  	_ =	swait.ge [sflag:s4], $0x4B00  }
0x157: {  	[sflag:s4] =	ssyncset.done $0x0  }
0x158: {  	s0 =	rddreg [dreg:$0xf];
	[sflag:s4] =	ssyncadd.s32 $0xFFFFB500  }
0x159: {  	[tilespmem:s5], [sflag:$0x1] =	stream.indirect.gather [hbm4b:s6+s7], $0x30, s0, s7, $0xb8;
	[tilespmem:$0x1EF50] =	vst v63  }
0x15a: {  	_ =	swait.ge [sflag:s14], $0x4B00  }
0x15b: {  	[sflag:s14] =	ssyncset.done $0x0  }
0x15c: {  	s0 =	rddreg [dreg:$0x10];
	[sflag:s14] =	ssyncadd.s32 $0xFFFFB500  }
0x15d: {  	[spmem:s3] =	stream.indirect.scatter.add.f32 [tilespmem:s11], [sflag:$0x5], $0x30, s0, s7, $0xb8;
	[tilespmem:$0x1EF50] =	vst v63  }
0x15e: {  	_ =	swait.ge [sflag:s4], $0x4B00  }
0x15f: {  	[sflag:s4] =	ssyncset.done $0x0  }
0x160: {  	s0 =	rddreg [dreg:$0x11];
	[sflag:s4] =	ssyncadd.s32 $0xFFFFB500  }
0x161: {  	[tilespmem:s11], [sflag:$0x2] =	stream.indirect.gather [hbm4b:s6+s7], $0x30, s0, s7, $0xb8;
	[tilespmem:$0x1EF50] =	vst v63  }
0x162: {  	_ =	swait.ge [sflag:s13], $0x4B00  }
0x163: {  	[sflag:s13] =	ssyncset.done $0x0  }
0x164: {  	s0 =	rddreg [dreg:$0x12];
	[sflag:s13] =	ssyncadd.s32 $0xFFFFB500  }
0x165: {  	[spmem:s3] =	stream.indirect.scatter.add.f32 [tilespmem:s10], [sflag:$0x5], $0x30, s0, s7, $0xb8;
	[tilespmem:$0x1EF50] =	vst v63  }
0x166: {  	_ =	swait.ge [sflag:s4], $0x4B00  }
0x167: {  	[sflag:s4] =	ssyncset.done $0x0  }
0x168: {  	s0 =	rddreg [dreg:$0x13];
	[sflag:s4] =	ssyncadd.s32 $0xFFFFB500  }
0x169: {  	[tilespmem:s10], [sflag:$0x3] =	stream.indirect.gather [hbm4b:s6+s7], $0x30, s0, s7, $0xb8;
	[tilespmem:$0x1EF50] =	vst v63  }
0x16a: {  	_ =	swait.ge [sflag:s12], $0x4B00  }
0x16b: {  	[sflag:s12] =	ssyncset.done $0x0  }
0x16c: {  	s0 =	rddreg [dreg:$0x14];
	[sflag:s12] =	ssyncadd.s32 $0xFFFFB500  }
0x16d: {  	[spmem:s3] =	stream.indirect.scatter.add.f32 [tilespmem:s9], [sflag:$0x5], $0x30, s0, s7, $0xb8;
	[tilespmem:$0x1EF50] =	vst v63  }
0x16e: {  	_ =	swait.ge [sflag:s4], $0x4B00  }
0x16f: {  	[sflag:s4] =	ssyncset.done $0x0  }
0x170: {  	s0 =	rddreg [dreg:$0x15];
	[sflag:s4] =	ssyncadd.s32 $0xFFFFB500  }
0x171: {  	[tilespmem:s9], [sflag:$0x4] =	stream.indirect.gather [hbm4b:s6+s7], $0x30, s0, s7, $0xb8;
	[tilespmem:$0x1EF50] =	vst v63  }
0x172: {  	_ =	swait.ge [sflag:s8], $0x4B00  }
0x173: {  	[sflag:s8] =	ssyncset.done $0x0  }
0x174: {  	s0 =	rddreg [dreg:$0x16];
	[sflag:s8] =	ssyncadd.s32 $0xFFFFB500  }
0x175: {  	[spmem:s3] =	stream.indirect.scatter.add.f32 [tilespmem:s5], [sflag:$0x5], $0x30, s0, s7, $0xb8;
	[tilespmem:$0x1EF50] =	vst v63  }
0x176: {  	_ =	swait.ge [sflag:s4], $0x4B00  }
0x177: {  	[sflag:s4] =	ssyncset.done $0x0  }
0x178: {  	s0 =	rddreg [dreg:$0x17];
	[sflag:s4] =	ssyncadd.s32 $0xFFFFB500  }
0x179: {  	[tilespmem:s5], [sflag:$0x1] =	stream.indirect.gather [hbm4b:s6+s7], $0x30, s0, s7, $0xb8;
	[tilespmem:$0x1EF50] =	vst v63  }
0x17a: {  	_ =	swait.ge [sflag:s14], $0x4B00  }
0x17b: {  	[sflag:s14] =	ssyncset.done $0x0  }
0x17c: {  	s0 =	rddreg [dreg:$0x18];
	[sflag:s14] =	ssyncadd.s32 $0xFFFFB500  }
0x17d: {  	[spmem:s3] =	stream.indirect.scatter.add.f32 [tilespmem:s11], [sflag:$0x5], $0x30, s0, s7, $0xb8;
	[tilespmem:$0x1EF50] =	vst v63  }
0x17e: {  	_ =	swait.ge [sflag:s4], $0x4B00  }
0x17f: {  	[sflag:s4] =	ssyncset.done $0x0  }
0x180: {  	s0 =	rddreg [dreg:$0x19];
	[sflag:s4] =	ssyncadd.s32 $0xFFFFB500  }
0x181: {  	[tilespmem:s11], [sflag:$0x2] =	stream.indirect.gather [hbm4b:s6+s7], $0x30, s0, s7, $0xb8;
	[tilespmem:$0x1EF50] =	vst v63  }
0x182: {  	_ =	swait.ge [sflag:s13], $0x4B00  }
0x183: {  	[sflag:s13] =	ssyncset.done $0x0  }
0x184: {  	s0 =	rddreg [dreg:$0x1a];
	[sflag:s13] =	ssyncadd.s32 $0xFFFFB500  }
0x185: {  	[spmem:s3] =	stream.indirect.scatter.add.f32 [tilespmem:s10], [sflag:$0x5], $0x30, s0, s7, $0xb8;
	[tilespmem:$0x1EF50] =	vst v63  }
0x186: {  	_ =	swait.ge [sflag:s4], $0x4B00  }
0x187: {  	[sflag:s4] =	ssyncset.done $0x0  }
0x188: {  	s0 =	rddreg [dreg:$0x1b];
	[sflag:s4] =	ssyncadd.s32 $0xFFFFB500  }
0x189: {  	[tilespmem:s10], [sflag:$0x3] =	stream.indirect.gather [hbm4b:s6+s7], $0x30, s0, s7, $0xb8;
	[tilespmem:$0x1EF50] =	vst v63  }
0x18a: {  	_ =	swait.ge [sflag:s12], $0x4B00  }
0x18b: {  	[sflag:s12] =	ssyncset.done $0x0  }
0x18c: {  	s0 =	rddreg [dreg:$0x1c];
	[sflag:s12] =	ssyncadd.s32 $0xFFFFB500  }
0x18d: {  	[spmem:s3] =	stream.indirect.scatter.add.f32 [tilespmem:s9], [sflag:$0x5], $0x30, s0, s7, $0xb8;
	[tilespmem:$0x1EF50] =	vst v63  }
0x18e: {  	_ =	swait.ge [sflag:s4], $0x4B00  }
0x18f: {  	[sflag:s4] =	ssyncset.done $0x0  }
0x190: {  	s0 =	rddreg [dreg:$0x1d];
	[sflag:s4] =	ssyncadd.s32 $0xFFFFB500  }
0x191: {  	[tilespmem:s9], [sflag:$0x4] =	stream.indirect.gather [hbm4b:s6+s7], $0x30, s0, s7, $0xb8;
	[tilespmem:$0x1EF50] =	vst v63  }
0x192: {  	_ =	swait.ge [sflag:s8], $0x4B00  }
0x193: {  	[sflag:s8] =	ssyncset.done $0x0  }
0x194: {  	s0 =	rddreg [dreg:$0x1e];
	[sflag:s8] =	ssyncadd.s32 $0xFFFFB500  }
0x195: {  	[spmem:s3] =	stream.indirect.scatter.add.f32 [tilespmem:s5], [sflag:$0x5], $0x30, s0, s7, $0xb8;
	[tilespmem:$0x1EF50] =	vst v63  }
0x196: {  	_ =	swait.ge [sflag:s4], $0x4B00  }
0x197: {  	[sflag:s4] =	ssyncset.done $0x0  }
0x198: {  	s0 =	rddreg [dreg:$0x1f];
	[sflag:s4] =	ssyncadd.s32 $0xFFFFB500  }
0x199: {  	[tilespmem:s5], [sflag:$0x1] =	stream.indirect.gather [hbm4b:s6+s7], $0x30, s0, s7, $0xb8;
	[tilespmem:$0x1EF50] =	vst v63  }
0x19a: {  	_ =	swait.ge [sflag:s14], $0x4B00  }
0x19b: {  	s0 =	sld [smem:$0x7EE]  }
0x19c: {  	[sflag:s14] =	ssyncset.done $0x0  }
0x19d: {  	[sflag:s14] =	ssyncadd.s32 $0xFFFFB500  }
0x19e: {  	[spmem:s3] =	stream.indirect.scatter.add.f32 [tilespmem:s11], [sflag:$0x5], $0x30, s0, s7, $0xb8;
	[tilespmem:$0x1EF50] =	vst v63  }
0x19f: {  	_ =	swait.ge [sflag:s4], $0x4B00  }
0x1a0: {  	s0 =	sld [smem:$0x7EF]  }
0x1a1: {  	[sflag:s4] =	ssyncset.done $0x0  }
0x1a2: {  	[sflag:s4] =	ssyncadd.s32 $0xFFFFB500  }
0x1a3: {  	[tilespmem:s11], [sflag:$0x2] =	stream.indirect.gather [hbm4b:s6+s7], $0x30, s0, s7, $0xb8;
	[tilespmem:$0x1EF50] =	vst v63  }
0x1a4: {  	_ =	swait.ge [sflag:s13], $0x4B00  }
0x1a5: {  	s0 =	sld [smem:$0x7F0]  }
0x1a6: {  	[sflag:s13] =	ssyncset.done $0x0  }
0x1a7: {  	[sflag:s13] =	ssyncadd.s32 $0xFFFFB500  }
0x1a8: {  	[spmem:s3] =	stream.indirect.scatter.add.f32 [tilespmem:s10], [sflag:$0x5], $0x30, s0, s7, $0xb8;
	[tilespmem:$0x1EF50] =	vst v63  }
0x1a9: {  	_ =	swait.ge [sflag:s4], $0x4B00  }
0x1aa: {  	s0 =	sld [smem:$0x7F1]  }
0x1ab: {  	[sflag:s4] =	ssyncset.done $0x0  }
0x1ac: {  	[sflag:s4] =	ssyncadd.s32 $0xFFFFB500  }
0x1ad: {  	[tilespmem:s10], [sflag:$0x3] =	stream.indirect.gather [hbm4b:s6+s7], $0x30, s0, s7, $0xb8;
	[tilespmem:$0x1EF50] =	vst v63  }
0x1ae: {  	_ =	swait.ge [sflag:s12], $0x4B00  }
0x1af: {  	s0 =	sld [smem:$0x7F2]  }
0x1b0: {  	[sflag:s12] =	ssyncset.done $0x0  }
0x1b1: {  	[sflag:s12] =	ssyncadd.s32 $0xFFFFB500  }
0x1b2: {  	[spmem:s3] =	stream.indirect.scatter.add.f32 [tilespmem:s9], [sflag:$0x5], $0x30, s0, s7, $0xb8;
	[tilespmem:$0x1EF50] =	vst v63  }
0x1b3: {  	_ =	swait.ge [sflag:s4], $0x4B00  }
0x1b4: {  	s0 =	sld [smem:$0x7F3]  }
0x1b5: {  	[sflag:s4] =	ssyncset.done $0x0  }
0x1b6: {  	[sflag:s4] =	ssyncadd.s32 $0xFFFFB500  }
0x1b7: {  	[tilespmem:s9], [sflag:$0x4] =	stream.indirect.gather [hbm4b:s6+s7], $0x30, s0, s7, $0xb8;
	[tilespmem:$0x1EF50] =	vst v63  }
0x1b8: {  	_ =	swait.ge [sflag:s8], $0x4B00  }
0x1b9: {  	s0 =	sld [smem:$0x7F4]  }
0x1ba: {  	[sflag:s8] =	ssyncset.done $0x0  }
0x1bb: {  	[sflag:s8] =	ssyncadd.s32 $0xFFFFB500  }
0x1bc: {  	[spmem:s3] =	stream.indirect.scatter.add.f32 [tilespmem:s5], [sflag:$0x5], $0x30, s0, s7, $0xb8;
	[tilespmem:$0x1EF50] =	vst v63  }
0x1bd: {  	_ =	swait.ge [sflag:s4], $0x4B00  }
0x1be: {  	s0 =	sld [smem:$0x7F5]  }
0x1bf: {  	[sflag:s4] =	ssyncset.done $0x0  }
0x1c0: {  	[sflag:s4] =	ssyncadd.s32 $0xFFFFB500  }
0x1c1: {  	[tilespmem:s5], [sflag:$0x1] =	stream.indirect.gather [hbm4b:s6+s7], $0x30, s0, s7, $0xb8;
	[tilespmem:$0x1EF50] =	vst v63  }
0x1c2: {  	_ =	swait.ge [sflag:s14], $0x4B00  }
0x1c3: {  	s0 =	sld [smem:$0x7F6]  }
0x1c4: {  	[sflag:s14] =	ssyncset.done $0x0  }
0x1c5: {  	[sflag:s14] =	ssyncadd.s32 $0xFFFFB500  }
0x1c6: {  	[spmem:s3] =	stream.indirect.scatter.add.f32 [tilespmem:s11], [sflag:$0x5], $0x30, s0, s7, $0xb8;
	[tilespmem:$0x1EF50] =	vst v63  }
0x1c7: {  	_ =	swait.ge [sflag:s4], $0x4B00  }
0x1c8: {  	s0 =	sld [smem:$0x7F7]  }
0x1c9: {  	[sflag:s4] =	ssyncset.done $0x0  }
0x1ca: {  	[sflag:s4] =	ssyncadd.s32 $0xFFFFB500  }
0x1cb: {  	[tilespmem:s11], [sflag:$0x2] =	stream.indirect.gather [hbm4b:s6+s7], $0x30, s0, s7, $0xb8;
	[tilespmem:$0x1EF50] =	vst v63  }
0x1cc: {  	_ =	swait.ge [sflag:s13], $0x4B00  }
0x1cd: {  	s0 =	sld [smem:$0x7F8]  }
0x1ce: {  	[sflag:s13] =	ssyncset.done $0x0  }
0x1cf: {  	[sflag:s13] =	ssyncadd.s32 $0xFFFFB500  }
0x1d0: {  	[spmem:s3] =	stream.indirect.scatter.add.f32 [tilespmem:s10], [sflag:$0x5], $0x30, s0, s7, $0xb8;
	[tilespmem:$0x1EF50] =	vst v63  }
0x1d1: {  	_ =	swait.ge [sflag:s4], $0x4B00  }
0x1d2: {  	s0 =	sld [smem:$0x7F9]  }
0x1d3: {  	[sflag:s4] =	ssyncset.done $0x0  }
0x1d4: {  	[sflag:s4] =	ssyncadd.s32 $0xFFFFB500  }
0x1d5: {  	[tilespmem:s10], [sflag:$0x3] =	stream.indirect.gather [hbm4b:s6+s7], $0x30, s0, s7, $0xb8;
	[tilespmem:$0x1EF50] =	vst v63  }
0x1d6: {  	_ =	swait.ge [sflag:s12], $0x4B00  }
0x1d7: {  	s0 =	sld [smem:$0x7FA]  }
0x1d8: {  	[sflag:s12] =	ssyncset.done $0x0  }
0x1d9: {  	[sflag:s12] =	ssyncadd.s32 $0xFFFFB500  }
0x1da: {  	[spmem:s3] =	stream.indirect.scatter.add.f32 [tilespmem:s9], [sflag:$0x5], $0x30, s0, s7, $0xb8;
	[tilespmem:$0x1EF50] =	vst v63  }
0x1db: {  	_ =	swait.ge [sflag:s4], $0x4B00  }
0x1dc: {  	s0 =	sld [smem:$0x7FB]  }
0x1dd: {  	[sflag:s4] =	ssyncset.done $0x0  }
0x1de: {  	[sflag:s4] =	ssyncadd.s32 $0xFFFFB500  }
0x1df: {  	[tilespmem:s9], [sflag:$0x4] =	stream.indirect.gather [hbm4b:s6+s7], $0x30, s0, s7, $0xb8;
	[tilespmem:$0x1EF50] =	vst v63  }
0x1e0: {  	_ =	swait.ge [sflag:s8], $0x4B00  }
0x1e1: {  	s0 =	sld [smem:$0x7FC]  }
0x1e2: {  	[sflag:s8] =	ssyncset.done $0x0  }
0x1e3: {  	[sflag:s8] =	ssyncadd.s32 $0xFFFFB500  }
0x1e4: {  	[spmem:s3] =	stream.indirect.scatter.add.f32 [tilespmem:s5], [sflag:$0x5], $0x30, s0, s7, $0xb8;
	[tilespmem:$0x1EF50] =	vst v63  }
0x1e5: {  	_ =	swait.ge [sflag:s4], $0x4B00  }
0x1e6: {  	s0 =	sld [smem:$0x7FD]  }
0x1e7: {  	[sflag:s4] =	ssyncset.done $0x0  }
0x1e8: {  	[sflag:s4] =	ssyncadd.s32 $0xFFFFB500  }
0x1e9: {  	[tilespmem:s5], [sflag:$0x1] =	stream.indirect.gather [hbm4b:s6+s7], $0x30, s0, s7, $0xb8;
	[tilespmem:$0x1EF50] =	vst v63  }
0x1ea: {  	_ =	swait.ge [sflag:s14], $0x4B00  }
0x1eb: {  	[sflag:s14] =	ssyncset.done $0x0  }
0x1ec: {  	[sflag:s14] =	ssyncadd.s32 $0xFFFFB500  }
0x1ed: {  	[spmem:s3] =	stream.indirect.scatter.add.f32 [tilespmem:s11], [sflag:$0x5], $0x30, s26, s7, $0xb8;
	[tilespmem:$0x1EF50] =	vst v63  }
0x1ee: {  	_ =	swait.ge [sflag:s4], $0x4B00  }
0x1ef: {  	[sflag:s4] =	ssyncset.done $0x0  }
0x1f0: {  	[sflag:s4] =	ssyncadd.s32 $0xFFFFB500  }
0x1f1: {  	[tilespmem:s11], [sflag:$0x2] =	stream.indirect.gather [hbm4b:s6+s7], $0x30, s25, s7, $0xb8;
	[tilespmem:$0x1EF50] =	vst v63  }
0x1f2: {  	_ =	swait.ge [sflag:s13], $0x4B00  }
0x1f3: {  	[sflag:s13] =	ssyncset.done $0x0  }
0x1f4: {  	[sflag:s13] =	ssyncadd.s32 $0xFFFFB500  }
0x1f5: {  	[spmem:s3] =	stream.indirect.scatter.add.f32 [tilespmem:s10], [sflag:$0x5], $0x30, s24, s7, $0xb8;
	[tilespmem:$0x1EF50] =	vst v63  }
0x1f6: {  	_ =	swait.ge [sflag:s4], $0x4B00  }
0x1f7: {  	[sflag:s4] =	ssyncset.done $0x0  }
0x1f8: {  	[sflag:s4] =	ssyncadd.s32 $0xFFFFB500  }
0x1f9: {  	[tilespmem:s10], [sflag:$0x3] =	stream.indirect.gather [hbm4b:s6+s7], $0x30, s23, s7, $0xb8;
	[tilespmem:$0x1EF50] =	vst v63  }
0x1fa: {  	_ =	swait.ge [sflag:s12], $0x4B00  }
0x1fb: {  	[sflag:s12] =	ssyncset.done $0x0  }
0x1fc: {  	[sflag:s12] =	ssyncadd.s32 $0xFFFFB500  }
0x1fd: {  	[spmem:s3] =	stream.indirect.scatter.add.f32 [tilespmem:s9], [sflag:$0x5], $0x30, s22, s7, $0xb8;
	[tilespmem:$0x1EF50] =	vst v63  }
0x1fe: {  	_ =	swait.ge [sflag:s4], $0x4B00  }
0x1ff: {  	[sflag:s4] =	ssyncset.done $0x0  }
0x200: {  	[sflag:s4] =	ssyncadd.s32 $0xFFFFB500  }
0x201: {  	[tilespmem:s9], [sflag:$0x4] =	stream.indirect.gather [hbm4b:s6+s7], $0x30, s21, s7, $0xb8;
	[tilespmem:$0x1EF50] =	vst v63  }
0x202: {  	_ =	swait.ge [sflag:s8], $0x4B00  }
0x203: {  	[sflag:s8] =	ssyncset.done $0x0  }
0x204: {  	[sflag:s8] =	ssyncadd.s32 $0xFFFFB500  }
0x205: {  	[spmem:s3] =	stream.indirect.scatter.add.f32 [tilespmem:s5], [sflag:$0x5], $0x30, s20, s7, $0xb8;
	[tilespmem:$0x1EF50] =	vst v63  }
0x206: {  	_ =	swait.ge [sflag:s4], $0x4B00  }
0x207: {  	[sflag:s4] =	ssyncset.done $0x0  }
0x208: {  	[sflag:s4] =	ssyncadd.s32 $0xFFFFB500  }
0x209: {  	[tilespmem:s5], [sflag:$0x1] =	stream.indirect.gather [hbm4b:s6+s7], $0x30, s19, s7, $0xb8;
	[tilespmem:$0x1EF50] =	vst v63  }
0x20a: {  	_ =	swait.ge [sflag:s14], $0x4B00  }
0x20b: {  	[sflag:s14] =	ssyncset.done $0x0  }
0x20c: {  	[sflag:s14] =	ssyncadd.s32 $0xFFFFB500  }
0x20d: {  	[spmem:s3] =	stream.indirect.scatter.add.f32 [tilespmem:s11], [sflag:$0x5], $0x30, s18, s7, $0xb8;
	[tilespmem:$0x1EF50] =	vst v63  }
0x20e: {  	_ =	swait.ge [sflag:s4], $0x4B00  }
0x20f: {  	[sflag:s4] =	ssyncset.done $0x0  }
0x210: {  	[sflag:s4] =	ssyncadd.s32 $0xFFFFB500  }
0x211: {  	_ =	swait.ge [sflag:s13], $0x4B00  }
0x212: {  	[sflag:s13] =	ssyncset.done $0x0  }
0x213: {  	[sflag:s13] =	ssyncadd.s32 $0xFFFFB500  }
0x214: {  	[spmem:s3] =	stream.indirect.scatter.add.f32 [tilespmem:s10], [sflag:$0x5], $0x30, s17, s7, $0xb8;
	[tilespmem:$0x1EF50] =	vst v63  }
0x215: {  	_ =	swait.ge [sflag:s4], $0x4B00  }
0x216: {  	[sflag:s4] =	ssyncset.done $0x0  }
0x217: {  	[sflag:s4] =	ssyncadd.s32 $0xFFFFB500  }
0x218: {  	_ =	swait.ge [sflag:s12], $0x4B00  }
0x219: {  	[sflag:s12] =	ssyncset.done $0x0  }
0x21a: {  	[sflag:s12] =	ssyncadd.s32 $0xFFFFB500  }
0x21b: {  	[spmem:s3] =	stream.indirect.scatter.add.f32 [tilespmem:s9], [sflag:$0x5], $0x30, s16, s7, $0xb8;
	[tilespmem:$0x1EF50] =	vst v63  }
0x21c: {  	_ =	swait.ge [sflag:s4], $0x4B00  }
0x21d: {  	[sflag:s4] =	ssyncset.done $0x0  }
0x21e: {  	[sflag:s4] =	ssyncadd.s32 $0xFFFFB500  }
0x21f: {  	_ =	swait.ge [sflag:s8], $0x4B00  }
0x220: {  	[sflag:s8] =	ssyncset.done $0x0  }
0x221: {  	s15 =	simm.s32 $0x4C90;
	[sflag:s8] =	ssyncadd.s32 $0xFFFFB500  }
0x222: {  	[spmem:s3] =	stream.indirect.scatter.add.f32 [tilespmem:s5], [sflag:$0x5], $0x30, s15, s7, $0xb8;
	[tilespmem:$0x1EF50] =	vst v63  }
0x223: {  	_ =	swait.ge [sflag:s4], $0x4B00  }
0x224: {  	[sflag:s4] =	ssyncset.done $0x0  }
0x225: {  	[sflag:s4] =	ssyncadd.s32 $0xFFFFB500  }
0x226: {  	[bflag:$0x0] =	sbarrier.arrive $0xFFFF  }
0x227: {  	s15 =	rddreg [dreg:$0x9]  }
0x228: {  	[tilespmem:s5], [sflag:$0x5] =	stream.linear.gather [spmem:s15], $0x4B00, $0x38;
	[tilespmem:$0x1EF50] =	vst v63  }
0x229: {  	_ =	swait.ge [sflag:s4], $0x4B00  }
0x22a: {  	[sflag:s4] =	ssyncset.done $0x0  }
0x22b: {  	s15 =	rddreg [dreg:$0xa];
	[sflag:s4] =	ssyncadd.s32 $0xFFFFB500  }
0x22c: {  	[hbm4b:s15+s2] =	stream.linear.scatter [tilespmem:s5], [sflag:$0x5], $0x4B00, $0x38;
	[tilespmem:$0x1EF50] =	vst v63  }
0x22d: {  	_ =	swait.ge [sflag:s4], $0x4B00  }
0x22e: {  	[sflag:s4] =	ssyncset.done $0x0  }
0x22f: {  	s31 =	sadd.s32 $0xFFFFFFFF, s31;
	s0 =	rddreg [dreg:$0xb];
	[sflag:s4] =	ssyncadd.s32 $0xFFFFB500  }
0x230: {  	[tilespmem:s30], [sflag:$0x5] =	stream.linear.gather @!p0 [spmem:s0], $0x4B00, $0x38;
	[tilespmem:$0x1EF50] =	vst v63  }
0x231: {  	p2 =	sne.s32 s31, $0x0;
	_ =	swait.ge @!p0 [sflag:s29], $0x4B00  }
.Ltmp2:
0x232: {  	[sflag:s29] =	ssyncset.done @!p0 $0x0;
	(pc) =	sbr.rel @p2 .LBB2_4-.Ltmp2, $4  }
0x233: {  	s0 =	rddreg [dreg:$0xc];
	[sflag:s29] =	ssyncadd.s32 @!p0 $0xFFFFB500  }
0x234: {  	[hbm4b:s0+s1] =	stream.linear.scatter @!p0 [tilespmem:s30], [sflag:$0x5], $0x4B00, $0x38;
	[tilespmem:$0x1EF50] =	vst v63  }
0x235: {  	_ =	swait.ge @!p0 [sflag:s29], $0x4B00  }
0x236: {  	s0 =	rddreg [dreg:$0x4];
	[sflag:s29] =	ssyncset.done @!p0 $0x0  }
0x237: {  	s30 =	stileid.u32;
	s31 =	rddreg [dreg:$0x3]  }
.LBB2_6:
0x238: {  	p1 =	por p0, !p1  }
0x239: {  	[sflag:s29] =	ssyncadd.s32 @!p1 $0xFFFFB500  }
0x23a: {  	[tilespmem:s5], [sflag:$0x5] =	stream.linear.gather [hbm4b:s0+s2], $0x4B00, $0x38;
	[tilespmem:$0x1EF50] =	vst v63  }
0x23b: {  	_ =	swait.ge [sflag:s4], $0x4B00  }
0x23c: {  	[sflag:s4] =	ssyncset.done $0x0  }
0x23d: {  	s1 =	rddreg [dreg:$0x5];
	[sflag:s4] =	ssyncadd.s32 $0xFFFFB500  }
0x23e: {  	[spmem:s1] =	stream.linear.scatter [tilespmem:s5], [sflag:$0x5], $0x4B00, $0x38;
	[tilespmem:$0x1EF50] =	vst v63  }
0x23f: {  	_ =	swait.ge [sflag:s4], $0x4B00  }
0x240: {  	s29 =	simm.s32 @!p0 $0x4E20;
	[sflag:s4] =	ssyncset.done $0x0  }
0x241: {  	s1 =	simm.s32 @!p0 $0x5;
	s0 =	rddreg [dreg:$0x6];
	[sflag:s4] =	ssyncadd.s32 $0xFFFFB500  }
0x242: {  	[spmem:s0] =	stream.linear.scatter @!p0 [tilespmem:s29], [sflag:$0x5], $0x4B00, $0x38;
	[tilespmem:$0x1EF50] =	vst v63  }
0x243: {  	_ =	swait.ge @!p0 [sflag:s1], $0x4B00  }
0x244: {  	[sflag:s1] =	ssyncset.done @!p0 $0x0  }
0x245: {  	s15 =	rddreg [dreg:$0x7];
	[sflag:s1] =	ssyncadd.s32 @!p0 $0xFFFFB500  }
0x246: {  	[tilespmem:s2], [sflag:$0x5] =	stream.linear.gather [hbm4b:s15+s2], $0x2710, $0x38;
	[tilespmem:$0x1EF50] =	vst v63  }
0x247: {  	_ =	swait.ge [sflag:s4], $0x2710  }
0x248: {  	[sflag:s4] =	ssyncset.done $0x0  }
0x249: {  	s15 =	rddreg [dreg:$0x8];
	[sflag:s4] =	ssyncadd.s32 $0xFFFFD8F0  }
0x24a: {  	[tilespmem:s28], [sflag:$0x5] =	stream.linear.gather [hbm4b:s15+s2], $0x2710, $0x38;
	[tilespmem:$0x1EF50] =	vst v63  }
0x24b: {  	_ =	swait.ge [sflag:s4], $0x2710  }
0x24c: {  	[sflag:s4] =	ssyncset.done $0x0  }
0x24d: {  	[sflag:s4] =	ssyncadd.s32 $0xFFFFD8F0  }
0x24e: {  	[bflag:$0x0] =	sbarrier.arrive $0xFFFF  }
0x24f: {  	[tilespmem:s5], [sflag:$0x1] =	stream.indirect.gather [hbm4b:s6+s7], $0x30, s2, s7, $0xb8;
	[tilespmem:$0x1EF50] =	vst v63  }
0x250: {  	_ = 	snop  }
0x251: {  	[tilespmem:s11], [sflag:$0x2] =	stream.indirect.gather [hbm4b:s6+s7], $0x30, s7, s7, $0xb8;
	[tilespmem:$0x1EF50] =	vst v63  }
0x252: {  	s0 =	rddreg [dreg:$0xd]  }
0x253: {  	[tilespmem:s10], [sflag:$0x3] =	stream.indirect.gather [hbm4b:s6+s7], $0x30, s0, s7, $0xb8;
	[tilespmem:$0x1EF50] =	vst v63  }
0x254: {  	s15 =	rddreg [dreg:$0xe]  }
0x255: {  	[tilespmem:s9], [sflag:$0x4] =	stream.indirect.gather [hbm4b:s6+s7], $0x30, s15, s7, $0xb8;
	[tilespmem:$0x1EF50] =	vst v63  }
0x256: {  	_ =	swait.ge [sflag:s8], $0x4B00  }
0x257: {  	[sflag:s8] =	ssyncset.done $0x0  }
0x258: {  	[sflag:s8] =	ssyncadd.s32 $0xFFFFB500  }
0x259: {  	[spmem:s3] =	stream.indirect.scatter.add.f32 [tilespmem:s5], [sflag:$0x5], $0x30, s28, s7, $0xb8;
	[tilespmem:$0x1EF50] =	vst v63  }
0x25a: {  	_ =	swait.ge [sflag:s4], $0x4B00  }
0x25b: {  	[sflag:s4] =	ssyncset.done $0x0  }
0x25c: {  	s15 =	rddreg [dreg:$0xf];
	[sflag:s4] =	ssyncadd.s32 $0xFFFFB500  }
0x25d: {  	[tilespmem:s5], [sflag:$0x1] =	stream.indirect.gather [hbm4b:s6+s7], $0x30, s15, s7, $0xb8;
	[tilespmem:$0x1EF50] =	vst v63  }
0x25e: {  	_ =	swait.ge [sflag:s14], $0x4B00  }
0x25f: {  	[sflag:s14] =	ssyncset.done $0x0  }
0x260: {  	s28 =	rddreg [dreg:$0x10];
	[sflag:s14] =	ssyncadd.s32 $0xFFFFB500  }
0x261: {  	[spmem:s3] =	stream.indirect.scatter.add.f32 [tilespmem:s11], [sflag:$0x5], $0x30, s28, s7, $0xb8;
	[tilespmem:$0x1EF50] =	vst v63  }
0x262: {  	_ =	swait.ge [sflag:s4], $0x4B00  }
0x263: {  	[sflag:s4] =	ssyncset.done $0x0  }
0x264: {  	s15 =	rddreg [dreg:$0x11];
	[sflag:s4] =	ssyncadd.s32 $0xFFFFB500  }
0x265: {  	[tilespmem:s11], [sflag:$0x2] =	stream.indirect.gather [hbm4b:s6+s7], $0x30, s15, s7, $0xb8;
	[tilespmem:$0x1EF50] =	vst v63  }
0x266: {  	_ =	swait.ge [sflag:s13], $0x4B00  }
0x267: {  	[sflag:s13] =	ssyncset.done $0x0  }
0x268: {  	s28 =	rddreg [dreg:$0x12];
	[sflag:s13] =	ssyncadd.s32 $0xFFFFB500  }
0x269: {  	[spmem:s3] =	stream.indirect.scatter.add.f32 [tilespmem:s10], [sflag:$0x5], $0x30, s28, s7, $0xb8;
	[tilespmem:$0x1EF50] =	vst v63  }
0x26a: {  	_ =	swait.ge [sflag:s4], $0x4B00  }
0x26b: {  	[sflag:s4] =	ssyncset.done $0x0  }
0x26c: {  	s15 =	rddreg [dreg:$0x13];
	[sflag:s4] =	ssyncadd.s32 $0xFFFFB500  }
0x26d: {  	[tilespmem:s10], [sflag:$0x3] =	stream.indirect.gather [hbm4b:s6+s7], $0x30, s15, s7, $0xb8;
	[tilespmem:$0x1EF50] =	vst v63  }
0x26e: {  	_ =	swait.ge [sflag:s12], $0x4B00  }
0x26f: {  	[sflag:s12] =	ssyncset.done $0x0  }
0x270: {  	s28 =	rddreg [dreg:$0x14];
	[sflag:s12] =	ssyncadd.s32 $0xFFFFB500  }
0x271: {  	[spmem:s3] =	stream.indirect.scatter.add.f32 [tilespmem:s9], [sflag:$0x5], $0x30, s28, s7, $0xb8;
	[tilespmem:$0x1EF50] =	vst v63  }
0x272: {  	_ =	swait.ge [sflag:s4], $0x4B00  }
0x273: {  	[sflag:s4] =	ssyncset.done $0x0  }
0x274: {  	s15 =	rddreg [dreg:$0x15];
	[sflag:s4] =	ssyncadd.s32 $0xFFFFB500  }
0x275: {  	[tilespmem:s9], [sflag:$0x4] =	stream.indirect.gather [hbm4b:s6+s7], $0x30, s15, s7, $0xb8;
	[tilespmem:$0x1EF50] =	vst v63  }
0x276: {  	_ =	swait.ge [sflag:s8], $0x4B00  }
0x277: {  	[sflag:s8] =	ssyncset.done $0x0  }
0x278: {  	s28 =	rddreg [dreg:$0x16];
	[sflag:s8] =	ssyncadd.s32 $0xFFFFB500  }
0x279: {  	[spmem:s3] =	stream.indirect.scatter.add.f32 [tilespmem:s5], [sflag:$0x5], $0x30, s28, s7, $0xb8;
	[tilespmem:$0x1EF50] =	vst v63  }
0x27a: {  	_ =	swait.ge [sflag:s4], $0x4B00  }
0x27b: {  	[sflag:s4] =	ssyncset.done $0x0  }
0x27c: {  	s15 =	rddreg [dreg:$0x17];
	[sflag:s4] =	ssyncadd.s32 $0xFFFFB500  }
0x27d: {  	[tilespmem:s5], [sflag:$0x1] =	stream.indirect.gather [hbm4b:s6+s7], $0x30, s15, s7, $0xb8;
	[tilespmem:$0x1EF50] =	vst v63  }
0x27e: {  	_ =	swait.ge [sflag:s14], $0x4B00  }
0x27f: {  	[sflag:s14] =	ssyncset.done $0x0  }
0x280: {  	s28 =	rddreg [dreg:$0x18];
	[sflag:s14] =	ssyncadd.s32 $0xFFFFB500  }
0x281: {  	[spmem:s3] =	stream.indirect.scatter.add.f32 [tilespmem:s11], [sflag:$0x5], $0x30, s28, s7, $0xb8;
	[tilespmem:$0x1EF50] =	vst v63  }
0x282: {  	_ =	swait.ge [sflag:s4], $0x4B00  }
0x283: {  	[sflag:s4] =	ssyncset.done $0x0  }
0x284: {  	s15 =	rddreg [dreg:$0x19];
	[sflag:s4] =	ssyncadd.s32 $0xFFFFB500  }
0x285: {  	[tilespmem:s11], [sflag:$0x2] =	stream.indirect.gather [hbm4b:s6+s7], $0x30, s15, s7, $0xb8;
	[tilespmem:$0x1EF50] =	vst v63  }
0x286: {  	_ =	swait.ge [sflag:s13], $0x4B00  }
0x287: {  	[sflag:s13] =	ssyncset.done $0x0  }
0x288: {  	s28 =	rddreg [dreg:$0x1a];
	[sflag:s13] =	ssyncadd.s32 $0xFFFFB500  }
0x289: {  	[spmem:s3] =	stream.indirect.scatter.add.f32 [tilespmem:s10], [sflag:$0x5], $0x30, s28, s7, $0xb8;
	[tilespmem:$0x1EF50] =	vst v63  }
0x28a: {  	_ =	swait.ge [sflag:s4], $0x4B00  }
0x28b: {  	[sflag:s4] =	ssyncset.done $0x0  }
0x28c: {  	s15 =	rddreg [dreg:$0x1b];
	[sflag:s4] =	ssyncadd.s32 $0xFFFFB500  }
0x28d: {  	[tilespmem:s10], [sflag:$0x3] =	stream.indirect.gather [hbm4b:s6+s7], $0x30, s15, s7, $0xb8;
	[tilespmem:$0x1EF50] =	vst v63  }
0x28e: {  	_ =	swait.ge [sflag:s12], $0x4B00  }
0x28f: {  	[sflag:s12] =	ssyncset.done $0x0  }
0x290: {  	s28 =	rddreg [dreg:$0x1c];
	[sflag:s12] =	ssyncadd.s32 $0xFFFFB500  }
0x291: {  	[spmem:s3] =	stream.indirect.scatter.add.f32 [tilespmem:s9], [sflag:$0x5], $0x30, s28, s7, $0xb8;
	[tilespmem:$0x1EF50] =	vst v63  }
0x292: {  	_ =	swait.ge [sflag:s4], $0x4B00  }
0x293: {  	[sflag:s4] =	ssyncset.done $0x0  }
0x294: {  	s15 =	rddreg [dreg:$0x1d];
	[sflag:s4] =	ssyncadd.s32 $0xFFFFB500  }
0x295: {  	[tilespmem:s9], [sflag:$0x4] =	stream.indirect.gather [hbm4b:s6+s7], $0x30, s15, s7, $0xb8;
	[tilespmem:$0x1EF50] =	vst v63  }
0x296: {  	_ =	swait.ge [sflag:s8], $0x4B00  }
0x297: {  	[sflag:s8] =	ssyncset.done $0x0  }
0x298: {  	s28 =	rddreg [dreg:$0x1e];
	[sflag:s8] =	ssyncadd.s32 $0xFFFFB500  }
0x299: {  	[spmem:s3] =	stream.indirect.scatter.add.f32 [tilespmem:s5], [sflag:$0x5], $0x30, s28, s7, $0xb8;
	[tilespmem:$0x1EF50] =	vst v63  }
0x29a: {  	_ =	swait.ge [sflag:s4], $0x4B00  }
0x29b: {  	[sflag:s4] =	ssyncset.done $0x0  }
0x29c: {  	s15 =	rddreg [dreg:$0x1f];
	[sflag:s4] =	ssyncadd.s32 $0xFFFFB500  }
0x29d: {  	[tilespmem:s5], [sflag:$0x1] =	stream.indirect.gather [hbm4b:s6+s7], $0x30, s15, s7, $0xb8;
	[tilespmem:$0x1EF50] =	vst v63  }
0x29e: {  	_ =	swait.ge [sflag:s14], $0x4B00  }
0x29f: {  	s28 =	sld [smem:$0x7EE]  }
0x2a0: {  	[sflag:s14] =	ssyncset.done $0x0  }
0x2a1: {  	[sflag:s14] =	ssyncadd.s32 $0xFFFFB500  }
0x2a2: {  	[spmem:s3] =	stream.indirect.scatter.add.f32 [tilespmem:s11], [sflag:$0x5], $0x30, s28, s7, $0xb8;
	[tilespmem:$0x1EF50] =	vst v63  }
0x2a3: {  	_ =	swait.ge [sflag:s4], $0x4B00  }
0x2a4: {  	s15 =	sld [smem:$0x7EF]  }
0x2a5: {  	[sflag:s4] =	ssyncset.done $0x0  }
0x2a6: {  	[sflag:s4] =	ssyncadd.s32 $0xFFFFB500  }
0x2a7: {  	[tilespmem:s11], [sflag:$0x2] =	stream.indirect.gather [hbm4b:s6+s7], $0x30, s15, s7, $0xb8;
	[tilespmem:$0x1EF50] =	vst v63  }
0x2a8: {  	_ =	swait.ge [sflag:s13], $0x4B00  }
0x2a9: {  	s28 =	sld [smem:$0x7F0]  }
0x2aa: {  	[sflag:s13] =	ssyncset.done $0x0  }
0x2ab: {  	[sflag:s13] =	ssyncadd.s32 $0xFFFFB500  }
0x2ac: {  	[spmem:s3] =	stream.indirect.scatter.add.f32 [tilespmem:s10], [sflag:$0x5], $0x30, s28, s7, $0xb8;
	[tilespmem:$0x1EF50] =	vst v63  }
0x2ad: {  	_ =	swait.ge [sflag:s4], $0x4B00  }
0x2ae: {  	s15 =	sld [smem:$0x7F1]  }
0x2af: {  	[sflag:s4] =	ssyncset.done $0x0  }
0x2b0: {  	[sflag:s4] =	ssyncadd.s32 $0xFFFFB500  }
0x2b1: {  	[tilespmem:s10], [sflag:$0x3] =	stream.indirect.gather [hbm4b:s6+s7], $0x30, s15, s7, $0xb8;
	[tilespmem:$0x1EF50] =	vst v63  }
0x2b2: {  	_ =	swait.ge [sflag:s12], $0x4B00  }
0x2b3: {  	s28 =	sld [smem:$0x7F2]  }
0x2b4: {  	[sflag:s12] =	ssyncset.done $0x0  }
0x2b5: {  	[sflag:s12] =	ssyncadd.s32 $0xFFFFB500  }
0x2b6: {  	[spmem:s3] =	stream.indirect.scatter.add.f32 [tilespmem:s9], [sflag:$0x5], $0x30, s28, s7, $0xb8;
	[tilespmem:$0x1EF50] =	vst v63  }
0x2b7: {  	_ =	swait.ge [sflag:s4], $0x4B00  }
0x2b8: {  	s15 =	sld [smem:$0x7F3]  }
0x2b9: {  	[sflag:s4] =	ssyncset.done $0x0  }
0x2ba: {  	[sflag:s4] =	ssyncadd.s32 $0xFFFFB500  }
0x2bb: {  	[tilespmem:s9], [sflag:$0x4] =	stream.indirect.gather [hbm4b:s6+s7], $0x30, s15, s7, $0xb8;
	[tilespmem:$0x1EF50] =	vst v63  }
0x2bc: {  	_ =	swait.ge [sflag:s8], $0x4B00  }
0x2bd: {  	s28 =	sld [smem:$0x7F4]  }
0x2be: {  	[sflag:s8] =	ssyncset.done $0x0  }
0x2bf: {  	[sflag:s8] =	ssyncadd.s32 $0xFFFFB500  }
0x2c0: {  	[spmem:s3] =	stream.indirect.scatter.add.f32 [tilespmem:s5], [sflag:$0x5], $0x30, s28, s7, $0xb8;
	[tilespmem:$0x1EF50] =	vst v63  }
0x2c1: {  	_ =	swait.ge [sflag:s4], $0x4B00  }
0x2c2: {  	s15 =	sld [smem:$0x7F5]  }
0x2c3: {  	[sflag:s4] =	ssyncset.done $0x0  }
0x2c4: {  	[sflag:s4] =	ssyncadd.s32 $0xFFFFB500  }
0x2c5: {  	[tilespmem:s5], [sflag:$0x1] =	stream.indirect.gather [hbm4b:s6+s7], $0x30, s15, s7, $0xb8;
	[tilespmem:$0x1EF50] =	vst v63  }
0x2c6: {  	_ =	swait.ge [sflag:s14], $0x4B00  }
0x2c7: {  	s28 =	sld [smem:$0x7F6]  }
0x2c8: {  	[sflag:s14] =	ssyncset.done $0x0  }
0x2c9: {  	[sflag:s14] =	ssyncadd.s32 $0xFFFFB500  }
0x2ca: {  	[spmem:s3] =	stream.indirect.scatter.add.f32 [tilespmem:s11], [sflag:$0x5], $0x30, s28, s7, $0xb8;
	[tilespmem:$0x1EF50] =	vst v63  }
0x2cb: {  	_ =	swait.ge [sflag:s4], $0x4B00  }
0x2cc: {  	s15 =	sld [smem:$0x7F7]  }
0x2cd: {  	[sflag:s4] =	ssyncset.done $0x0  }
0x2ce: {  	[sflag:s4] =	ssyncadd.s32 $0xFFFFB500  }
0x2cf: {  	[tilespmem:s11], [sflag:$0x2] =	stream.indirect.gather [hbm4b:s6+s7], $0x30, s15, s7, $0xb8;
	[tilespmem:$0x1EF50] =	vst v63  }
0x2d0: {  	_ =	swait.ge [sflag:s13], $0x4B00  }
0x2d1: {  	s28 =	sld [smem:$0x7F8]  }
0x2d2: {  	[sflag:s13] =	ssyncset.done $0x0  }
0x2d3: {  	[sflag:s13] =	ssyncadd.s32 $0xFFFFB500  }
0x2d4: {  	[spmem:s3] =	stream.indirect.scatter.add.f32 [tilespmem:s10], [sflag:$0x5], $0x30, s28, s7, $0xb8;
	[tilespmem:$0x1EF50] =	vst v63  }
0x2d5: {  	_ =	swait.ge [sflag:s4], $0x4B00  }
0x2d6: {  	s15 =	sld [smem:$0x7F9]  }
0x2d7: {  	[sflag:s4] =	ssyncset.done $0x0  }
0x2d8: {  	[sflag:s4] =	ssyncadd.s32 $0xFFFFB500  }
0x2d9: {  	[tilespmem:s10], [sflag:$0x3] =	stream.indirect.gather [hbm4b:s6+s7], $0x30, s15, s7, $0xb8;
	[tilespmem:$0x1EF50] =	vst v63  }
0x2da: {  	_ =	swait.ge [sflag:s12], $0x4B00  }
0x2db: {  	s28 =	sld [smem:$0x7FA]  }
0x2dc: {  	[sflag:s12] =	ssyncset.done $0x0  }
0x2dd: {  	[sflag:s12] =	ssyncadd.s32 $0xFFFFB500  }
0x2de: {  	[spmem:s3] =	stream.indirect.scatter.add.f32 [tilespmem:s9], [sflag:$0x5], $0x30, s28, s7, $0xb8;
	[tilespmem:$0x1EF50] =	vst v63  }
0x2df: {  	_ =	swait.ge [sflag:s4], $0x4B00  }
0x2e0: {  	s15 =	sld [smem:$0x7FB]  }
0x2e1: {  	[sflag:s4] =	ssyncset.done $0x0  }
0x2e2: {  	[sflag:s4] =	ssyncadd.s32 $0xFFFFB500  }
0x2e3: {  	[tilespmem:s9], [sflag:$0x4] =	stream.indirect.gather [hbm4b:s6+s7], $0x30, s15, s7, $0xb8;
	[tilespmem:$0x1EF50] =	vst v63  }
0x2e4: {  	_ =	swait.ge [sflag:s8], $0x4B00  }
0x2e5: {  	s28 =	sld [smem:$0x7FC]  }
0x2e6: {  	[sflag:s8] =	ssyncset.done $0x0  }
0x2e7: {  	[sflag:s8] =	ssyncadd.s32 $0xFFFFB500  }
0x2e8: {  	[spmem:s3] =	stream.indirect.scatter.add.f32 [tilespmem:s5], [sflag:$0x5], $0x30, s28, s7, $0xb8;
	[tilespmem:$0x1EF50] =	vst v63  }
0x2e9: {  	_ =	swait.ge [sflag:s4], $0x4B00  }
0x2ea: {  	s15 =	sld [smem:$0x7FD]  }
0x2eb: {  	[sflag:s4] =	ssyncset.done $0x0  }
0x2ec: {  	[sflag:s4] =	ssyncadd.s32 $0xFFFFB500  }
0x2ed: {  	[tilespmem:s5], [sflag:$0x1] =	stream.indirect.gather [hbm4b:s6+s7], $0x30, s15, s7, $0xb8;
	[tilespmem:$0x1EF50] =	vst v63  }
0x2ee: {  	_ =	swait.ge [sflag:s14], $0x4B00  }
0x2ef: {  	[sflag:s14] =	ssyncset.done $0x0  }
0x2f0: {  	[sflag:s14] =	ssyncadd.s32 $0xFFFFB500  }
0x2f1: {  	[spmem:s3] =	stream.indirect.scatter.add.f32 [tilespmem:s11], [sflag:$0x5], $0x30, s26, s7, $0xb8;
	[tilespmem:$0x1EF50] =	vst v63  }
0x2f2: {  	_ =	swait.ge [sflag:s4], $0x4B00  }
0x2f3: {  	[sflag:s4] =	ssyncset.done $0x0  }
0x2f4: {  	[sflag:s4] =	ssyncadd.s32 $0xFFFFB500  }
0x2f5: {  	[tilespmem:s11], [sflag:$0x2] =	stream.indirect.gather [hbm4b:s6+s7], $0x30, s25, s7, $0xb8;
	[tilespmem:$0x1EF50] =	vst v63  }
0x2f6: {  	_ =	swait.ge [sflag:s13], $0x4B00  }
0x2f7: {  	[sflag:s13] =	ssyncset.done $0x0  }
0x2f8: {  	[sflag:s13] =	ssyncadd.s32 $0xFFFFB500  }
0x2f9: {  	[spmem:s3] =	stream.indirect.scatter.add.f32 [tilespmem:s10], [sflag:$0x5], $0x30, s24, s7, $0xb8;
	[tilespmem:$0x1EF50] =	vst v63  }
0x2fa: {  	_ =	swait.ge [sflag:s4], $0x4B00  }
0x2fb: {  	[sflag:s4] =	ssyncset.done $0x0  }
0x2fc: {  	[sflag:s4] =	ssyncadd.s32 $0xFFFFB500  }
0x2fd: {  	[tilespmem:s10], [sflag:$0x3] =	stream.indirect.gather [hbm4b:s6+s7], $0x30, s23, s7, $0xb8;
	[tilespmem:$0x1EF50] =	vst v63  }
0x2fe: {  	_ =	swait.ge [sflag:s12], $0x4B00  }
0x2ff: {  	[sflag:s12] =	ssyncset.done $0x0  }
0x300: {  	[sflag:s12] =	ssyncadd.s32 $0xFFFFB500  }
0x301: {  	[spmem:s3] =	stream.indirect.scatter.add.f32 [tilespmem:s9], [sflag:$0x5], $0x30, s22, s7, $0xb8;
	[tilespmem:$0x1EF50] =	vst v63  }
0x302: {  	_ =	swait.ge [sflag:s4], $0x4B00  }
0x303: {  	[sflag:s4] =	ssyncset.done $0x0  }
0x304: {  	[sflag:s4] =	ssyncadd.s32 $0xFFFFB500  }
0x305: {  	[tilespmem:s9], [sflag:$0x4] =	stream.indirect.gather [hbm4b:s6+s7], $0x30, s21, s7, $0xb8;
	[tilespmem:$0x1EF50] =	vst v63  }
0x306: {  	_ =	swait.ge [sflag:s8], $0x4B00  }
0x307: {  	[sflag:s8] =	ssyncset.done $0x0  }
0x308: {  	[sflag:s8] =	ssyncadd.s32 $0xFFFFB500  }
0x309: {  	[spmem:s3] =	stream.indirect.scatter.add.f32 [tilespmem:s5], [sflag:$0x5], $0x30, s20, s7, $0xb8;
	[tilespmem:$0x1EF50] =	vst v63  }
0x30a: {  	_ =	swait.ge [sflag:s4], $0x4B00  }
0x30b: {  	[sflag:s4] =	ssyncset.done $0x0  }
0x30c: {  	[sflag:s4] =	ssyncadd.s32 $0xFFFFB500  }
0x30d: {  	[tilespmem:s5], [sflag:$0x1] =	stream.indirect.gather [hbm4b:s6+s7], $0x30, s19, s7, $0xb8;
	[tilespmem:$0x1EF50] =	vst v63  }
0x30e: {  	_ =	swait.ge [sflag:s14], $0x4B00  }
0x30f: {  	[sflag:s14] =	ssyncset.done $0x0  }
0x310: {  	[sflag:s14] =	ssyncadd.s32 $0xFFFFB500  }
0x311: {  	[spmem:s3] =	stream.indirect.scatter.add.f32 [tilespmem:s11], [sflag:$0x5], $0x30, s18, s7, $0xb8;
	[tilespmem:$0x1EF50] =	vst v63  }
0x312: {  	_ =	swait.ge [sflag:s4], $0x4B00  }
0x313: {  	[sflag:s4] =	ssyncset.done $0x0  }
0x314: {  	[sflag:s4] =	ssyncadd.s32 $0xFFFFB500  }
0x315: {  	_ =	swait.ge [sflag:s13], $0x4B00  }
0x316: {  	[sflag:s13] =	ssyncset.done $0x0  }
0x317: {  	[sflag:s13] =	ssyncadd.s32 $0xFFFFB500  }
0x318: {  	[spmem:s3] =	stream.indirect.scatter.add.f32 [tilespmem:s10], [sflag:$0x5], $0x30, s17, s7, $0xb8;
	[tilespmem:$0x1EF50] =	vst v63  }
0x319: {  	_ =	swait.ge [sflag:s4], $0x4B00  }
0x31a: {  	[sflag:s4] =	ssyncset.done $0x0  }
0x31b: {  	[sflag:s4] =	ssyncadd.s32 $0xFFFFB500  }
0x31c: {  	_ =	swait.ge [sflag:s12], $0x4B00  }
0x31d: {  	[sflag:s12] =	ssyncset.done $0x0  }
0x31e: {  	[sflag:s12] =	ssyncadd.s32 $0xFFFFB500  }
0x31f: {  	[spmem:s3] =	stream.indirect.scatter.add.f32 [tilespmem:s9], [sflag:$0x5], $0x30, s16, s7, $0xb8;
	[tilespmem:$0x1EF50] =	vst v63  }
0x320: {  	_ =	swait.ge [sflag:s4], $0x4B00  }
0x321: {  	[sflag:s4] =	ssyncset.done $0x0  }
0x322: {  	[sflag:s4] =	ssyncadd.s32 $0xFFFFB500  }
0x323: {  	_ =	swait.ge [sflag:s8], $0x4B00  }
0x324: {  	[sflag:s8] =	ssyncset.done $0x0  }
0x325: {  	s25 =	simm.s32 $0x4C90;
	[sflag:s8] =	ssyncadd.s32 $0xFFFFB500  }
0x326: {  	[spmem:s3] =	stream.indirect.scatter.add.f32 [tilespmem:s5], [sflag:$0x5], $0x30, s25, s7, $0xb8;
	[tilespmem:$0x1EF50] =	vst v63  }
0x327: {  	_ =	swait.ge [sflag:s4], $0x4B00  }
0x328: {  	[sflag:s4] =	ssyncset.done $0x0  }
0x329: {  	[sflag:s4] =	ssyncadd.s32 $0xFFFFB500  }
0x32a: {  	[bflag:$0x0] =	sbarrier.arrive $0xFFFF  }
0x32b: {  	s26 =	rddreg [dreg:$0x9]  }
0x32c: {  	[tilespmem:s5], [sflag:$0x5] =	stream.linear.gather [spmem:s26], $0x4B00, $0x38;
	[tilespmem:$0x1EF50] =	vst v63  }
0x32d: {  	_ =	swait.ge [sflag:s4], $0x4B00  }
0x32e: {  	[sflag:s4] =	ssyncset.done $0x0  }
0x32f: {  	s28 =	rddreg [dreg:$0xa];
	[sflag:s4] =	ssyncadd.s32 $0xFFFFB500  }
0x330: {  	[hbm4b:s28+s2] =	stream.linear.scatter [tilespmem:s5], [sflag:$0x5], $0x4B00, $0x38;
	[tilespmem:$0x1EF50] =	vst v63  }
0x331: {  	_ =	swait.ge [sflag:s4], $0x4B00  }
0x332: {  	[sflag:s4] =	ssyncset.done $0x0  }
0x333: {  	s0 =	rddreg [dreg:$0xb];
	[sflag:s4] =	ssyncadd.s32 $0xFFFFB500  }
0x334: {  	[tilespmem:s29], [sflag:$0x5] =	stream.linear.gather @!p0 [spmem:s0], $0x4B00, $0x38;
	[tilespmem:$0x1EF50] =	vst v63  }
0x335: {  	_ =	swait.ge @!p0 [sflag:s1], $0x4B00  }
0x336: {  	[sflag:s1] =	ssyncset.done @!p0 $0x0  }
0x337: {  	s2 =	simm.s32 @!p0 $0x0;
	s0 =	rddreg [dreg:$0xc];
	[sflag:s1] =	ssyncadd.s32 @!p0 $0xFFFFB500  }
0x338: {  	[hbm4b:s0+s2] =	stream.linear.scatter @!p0 [tilespmem:s29], [sflag:$0x5], $0x4B00, $0x38;
	[tilespmem:$0x1EF50] =	vst v63  }
0x339: {  	_ =	swait.ge @!p0 [sflag:s1], $0x4B00  }
0x33a: {  	[sflag:s1] =	ssyncset.done @!p0 $0x0  }
0x33b: {  	[sflag:s1] =	ssyncadd.s32 @!p0 $0xFFFFB500  }
0x33c: {  	_ =	sfence.sel $0x180000  }
0x33d: {  	[bflag:$0x0] =	sbarrier.arrive $0xFFFF  }
0x33e: {  	p0 =	sne.s32 s30, $0x0;
	_ =	strace $0x9000004D  }
0x33f: {  	s0 =	sadd.s32 @!p0 $0x100000, s31;
	[bflag:$0x2] =	sbarrier.arrive $0xFFFF  }
0x340: {  	[sflag:s0] =	ssyncadd.tile.s32 @!p0 $0x1;
	_ =	shalt  }
.LBB2_1:
.Ltmp3:
0x341: {  	(pc) =	sbr.rel .LBB2_6-.Ltmp3, $2  }
0x342: {  	_ =	sdelay $0x2  }
0x343: {  	_ = 	snop  }
.LBB2_3:
.Ltmp4:
0x344: {  	(pc) =	sbr.rel .LBB2_6-.Ltmp4, $2  }
0x345: {  	_ =	sdelay $0x2  }
0x346: {  	s30 =	stileid.u32;
	s31 =	rddreg [dreg:$0x3]  }
.Lfunc_end2:
_tile_overlayer_lowered:
.L_overlay_start_2:
0x347: {  	(tag) =	ssettag $0x2  }
0x348: {  	s0 =	rddreg [dreg:$0x0];
	s2 =	stileid.u32  }
0x349: {  	s1 =	rddreg [dreg:$0x1];
	p0 =	sne.s32 s2, $0x0  }
0x34a: {  	s3 =	rddreg [dreg:$0x2];
	[bflag:$0x3] =	sbarrier.arrive $0xFFFF;
	s2 =	simm.s32 @!p0 $0x1C05  }
0x34b: {  	[timem:s3], [sflag:s2] =	dma.local @!p0 [hbm:s0], s1  }
0x34c: {  	s0 =	simm.s32 @!p0 $0x5  }
0x34d: {  	_ =	swait.ge @!p0 [sflag:s0], s1  }
0x34e: {  	s1 =	ssub.s32 @!p0 $0x0, s1;
	[sflag:s0] =	ssyncset.done @!p0 $0x0  }
0x34f: {  	[sflag:s0] =	ssyncadd.s32 @!p0 s1  }
0x350: {  	[bflag:$0x3] =	sbarrier.arrive $0xFFFF  }
0x351: {  	_ =	shalt  }

// kernel: kernel.8.cloned.1.call-start
scs
__scs_entry_jumppad:
0x0: {  	(pc) =	sbr.rel $0x88, $3  }
0x1: {  	(tag) =	ssettag $0x0;
	lr =	simm.s32 $0x1  }
0x2: {  	[smem:$0x3F9B] =	sst lr;
	_ =	strace $0xD0000000  }
0x3: {  	_ = 	snop  }
0x4: {  	_ = 	snop  }
0x5: {  	_ = 	snop  }
0x6: {  	_ = 	snop  }
0x7: {  	_ = 	snop  }
__scs_overlays_trampoline_lowered:
0x8: {  	[smem:$0x3FAA] =	sst s0  }
0x9: {  	[smem:$0x3FAB] =	sst s1  }
0xa: {  	[smem:$0x3FAC] =	sst s2  }
0xb: {  	[smem:$0x3FAD] =	sst s3  }
0xc: {  	[smem:$0x3FAE] =	sst s4  }
0xd: {  	[smem:$0x3FAF] =	sst s5  }
0xe: {  	[smem:$0x3FB0] =	sst s6  }
0xf: {  	[smem:$0x3FB1] =	sst s7  }
0x10: {  	[smem:$0x3FB2] =	sst s8  }
0x11: {  	[smem:$0x3FB3] =	sst s9;
	s0 =	simm.s32 @!p0 $0x0  }
0x12: {  	s1 =	sld [smem:$0x3F99];
	s0 =	simm.s32 @p0 $0x1  }
0x13: {  	[smem:$0x3FB4] =	sst s0;
	s0 =	simm.s32 @!p1 $0x0  }
0x14: {  	s2 =	sld [smem:$0x3F98];
	s0 =	simm.s32 @p1 $0x1  }
0x15: {  	[smem:$0x3FB5] =	sst s0;
	s0 =	simm.s32 @!p2 $0x0  }
0x16: {  	s3 =	sld [smem:$0x3FDB];
	s0 =	simm.s32 @p2 $0x1  }
0x17: {  	s4 =	simm.s32 $0x1BF5;
	[smem:$0x3FB7] =	sst s0  }
0x18: {  	s0 =	sld [smem:$0x3F9A];
	_ =	swait.ge [sflag:s4], $0x0  }
0x19: {  	s7 =	sld [smem:$0x3F9B]  }
0x1a: {  	s8 =	sadd.s32 $0xFFFFE003, lr  }
0x1b: {  	s9 =	sadd.s32 $0xFFFFFEF7, lr;
	s5 =	simm.s32 $0xFFFFFFFF;
	p2 =	slt.u32 s8, $0xFFFFF086  }
0x1c: {  	p1 =	slt.u32 s9, $0xF7A;
	s5 =	simm.s32 @!p2 $0x0  }
0x1d: {  	s5 =	simm.s32 @p1 $0x1;
	p0 =	seq.s32 s7, s2  }
0x1e: {  	s7 =	smul.u32 @!p0 $0xF7A, s2;
	p2 =	seq.s32 @!p0 s5, $0x0  }
0x1f: {  	s9 =	smul.u32 $0xF7A, s1;
	s8 =	simm.s32 @!p0 $0x1BF5;
	p2 =	por !p2, p0  }
0x20: {  	[sflag:s8] =	ssyncset.s32 @!p0 $0xFFFFF086;
	s6 =	sadd.s32 @!p0 s3, s7;
	s7 =	simm.s32 @!p0 $0x108  }
0x21: {  	s3 =	sadd.s32 s3, s9;
	s6 =	sadd.s32 @!p0 $0x88, s6;
	s7 =	simm.s32 @p2 $0x1082  }
0x22: {  	[simem:s7], [sflag:s8] =	dma.local @!p0 [hbm:s6], $0xF7A  }
0x23: {  	s9 =	sor.u32 $0xD0000000, s2;
	s6 =	simm.s32 $0x108;
	_ =	swait.ge @!p0 [sflag:s8], $0x0  }
0x24: {  	s3 =	sadd.s32 $0x88, s3;
	s6 =	simm.s32 @!p1 $0x1082;
	[sflag:s4] =	ssyncset.s32 $0xFFFFF086  }
0x25: {  	[simem:s6], [sflag:s4] =	dma.local [hbm:s3], $0xF7A  }
0x26: {  	[smem:$0x3F9B] =	sst s1;
	(tag) =	ssettag s2;
	_ =	strace s9  }
0x27: {  	s1 =	sld [smem:$0x3FAB]  }
0x28: {  	s2 =	sld [smem:$0x3FAC]  }
0x29: {  	s4 =	sld [smem:$0x3FAE]  }
0x2a: {  	p0 =	seq.s32 s5, $0x0;
	s5 =	sld [smem:$0x3FAF]  }
0x2b: {  	s6 =	sld [smem:$0x3FB0]  }
0x2c: {  	s7 =	sld [smem:$0x3FB1]  }
0x2d: {  	s3 =	simm.s32 $0x108;
	s8 =	sld [smem:$0x3FB2]  }
0x2e: {  	s3 =	simm.s32 @!p0 $0x1082;
	s9 =	sld [smem:$0x3FB3]  }
0x2f: {  	lr =	sadd.s32 s0, s3;
	s0 =	sld [smem:$0x3FAA]  }
0x30: {  	s3 =	sld [smem:$0x3FAD]  }
0x31: {  	[smem:$0x3FB6] =	sst s10  }
0x32: {  	s10 =	sld [smem:$0x3FB4];
	_ =	sdelay $0x3  }
0x33: {  	p0 =	seq.s32 s10, $0x1;
	s10 =	sld [smem:$0x3FB6];
	_ =	sdelay $0x3  }
0x34: {  	[smem:$0x3FB6] =	sst s10  }
0x35: {  	s10 =	sld [smem:$0x3FB5];
	_ =	sdelay $0x3  }
0x36: {  	p1 =	seq.s32 s10, $0x1;
	s10 =	sld [smem:$0x3FB6];
	_ =	sdelay $0x3  }
0x37: {  	[smem:$0x3FB6] =	sst s10  }
0x38: {  	s10 =	sld [smem:$0x3FB7]  }
0x39: {  	_ = 	snop;
	(pc) =	sbr.ind lr, $3  }
0x3a: {  	_ = 	snop  }
0x3b: {  	_ = 	snop  }
0x3c: {  	p2 =	seq.s32 s10, $0x1;
	s10 =	sld [smem:$0x3FB6]  }
0x3d: {  	_ =	shalt  }
0x3e: {  	_ =	shalt  }
0x3f: {  	_ =	shalt  }
0x40: {  	_ =	shalt  }
0x41: {  	_ =	shalt  }
0x42: {  	_ =	shalt  }
0x43: {  	_ =	shalt  }
0x44: {  	_ =	shalt  }
0x45: {  	_ =	shalt  }
0x46: {  	_ =	shalt  }
0x47: {  	_ =	shalt  }
0x48: {  	_ =	shalt  }
0x49: {  	_ =	shalt  }
0x4a: {  	_ =	shalt  }
0x4b: {  	_ =	shalt  }
0x4c: {  	_ =	shalt  }
0x4d: {  	_ =	shalt  }
0x4e: {  	_ =	shalt  }
0x4f: {  	_ =	shalt  }
0x50: {  	_ =	shalt  }
0x51: {  	_ =	shalt  }
0x52: {  	_ =	shalt  }
0x53: {  	_ =	shalt  }
0x54: {  	_ =	shalt  }
0x55: {  	_ =	shalt  }
0x56: {  	_ =	shalt  }
0x57: {  	_ =	shalt  }
0x58: {  	_ =	shalt  }
0x59: {  	_ =	shalt  }
0x5a: {  	_ =	shalt  }
0x5b: {  	_ =	shalt  }
0x5c: {  	_ =	shalt  }
0x5d: {  	_ =	shalt  }
0x5e: {  	_ =	shalt  }
0x5f: {  	_ =	shalt  }
0x60: {  	_ =	shalt  }
0x61: {  	_ =	shalt  }
0x62: {  	_ =	shalt  }
0x63: {  	_ =	shalt  }
0x64: {  	_ =	shalt  }
0x65: {  	_ =	shalt  }
0x66: {  	_ =	shalt  }
0x67: {  	_ =	shalt  }
0x68: {  	_ =	shalt  }
0x69: {  	_ =	shalt  }
0x6a: {  	_ =	shalt  }
0x6b: {  	_ =	shalt  }
0x6c: {  	_ =	shalt  }
0x6d: {  	_ =	shalt  }
0x6e: {  	_ =	shalt  }
0x6f: {  	_ =	shalt  }
0x70: {  	_ =	shalt  }
0x71: {  	_ =	shalt  }
0x72: {  	_ =	shalt  }
0x73: {  	_ =	shalt  }
0x74: {  	_ =	shalt  }
0x75: {  	_ =	shalt  }
0x76: {  	_ =	shalt  }
0x77: {  	_ =	shalt  }
0x78: {  	_ =	shalt  }
0x79: {  	_ =	shalt  }
0x7a: {  	_ =	shalt  }
0x7b: {  	_ =	shalt  }
0x7c: {  	_ =	shalt  }
0x7d: {  	_ =	shalt  }
0x7e: {  	_ =	shalt  }
0x7f: {  	_ =	shalt  }
0x80: {  	_ =	shalt  }
0x81: {  	_ =	shalt  }
0x82: {  	_ =	shalt  }
0x83: {  	_ =	shalt  }
0x84: {  	_ =	shalt  }
0x85: {  	_ =	shalt  }
0x86: {  	_ =	shalt  }
0x87: {  	_ =	shalt  }
.Lfunc_end0:
.L_simem_size_0:
called_computation_lowered:
.L_overlay_start_0:
0x88: {  	s2 =	sld [smem:$0x3FD9]  }
0x89: {  	s3 =	sld [smem:$0x3FFE];
	_ =	sdelay $0x1  }
0x8a: {  	s1 =	srdreg.scid  }
0x8b: {  	s0 =	sand.u32 $0x1, s1  }
0x8c: {  	s17 =	sshll.u32 s0, $0xA;
	s2 =	sadd.s32 s3, s2  }
0x8d: {  	s2 =	sadd.s32 s2, s17  }
0x8e: {  	[smem:$0x3FC2] =	sst s2  }
0x8f: {  	_ = 	snop  }
0x90: {  	s2 =	sld [smem:$0x3FD0];
	(tm) =	ssettm $0x1  }
0x91: {  	s18 =	sld [smem:$0x3FFB];
	_ =	sdelay $0x3  }
0x92: {  	_ =	strace s18  }
0x93: {  	s3 =	sld [smem:$0x3FFC];
	_ =	sdelay $0x3  }
0x94: {  	_ =	strace s3  }
0x95: {  	s3 =	sld [smem:$0x3FFD];
	_ =	sdelay $0x3  }
0x96: {  	_ =	strace s3  }
0x97: {  	_ =	strace $0x8FFFFFFF  }
0x98: {  	s19 =	sld [smem:$0x3FDB];
	_ =	sdelay $0x1  }
0x99: {  	s4 =	simm.s32 $_scs_section_size  }
0x9a: {  	s5 =	simm.s32 $_size__tile_overlayer_lowered;
	s6 =	simm.s32 $_tile_overlayer_lowered  }
0x9b: {  	s22 =	simm.s32 $0x1BFF;
	s21 =	sshll.u32 s6, $0x1;
	s3 =	sadd.s32 s4, s19  }
0x9c: {  	s7 =	simm.s32 $0x0;
	s20 =	sshll.u32 s5, $0x1;
	s5 =	sadd.s32 s21, s3  }
0x9d: {  	[timem:s7], [sflag:s22] =	dma.local [hbm:s5], s20  }
0x9e: {  	_ =	swait.ge [sflag:s22], s20  }
0x9f: {  	s4 =	ssub.s32 $0x0, s20;
	[sflag:s22] =	ssyncset.done $0x0  }
0xa0: {  	[sflag:s22] =	ssyncadd.s32 s4;
	_ =	sdelay $0x1  }
0xa1: {  	s23 =	simm.s32 $0x1B8B  }
0xa2: {  	_ =	swait.ge [sflag:s23], $0x1  }
0xa3: {  	[sflag:s23] =	ssyncset.done $0x0  }
0xa4: {  	s25 =	simm.s32 $0x1B8E;
	s24 =	sld [smem:$0x3FFE];
	[sflag:s23] =	ssyncadd.s32 $0xFFFFFFFF  }
0xa5: {  	s26 =	simm.s32 $execute0_lowered;
	[smem:$0x3FD2] =	sst s25  }
0xa6: {  	s5 =	sshll.u32 s26, $0x1;
	_ =	strace $0x80000046;
	[dreg:$0x1] =	wrdreg $0xFFFFFFFF  }
0xa7: {  	s28 =	simm.s32 $_size_execute0_lowered;
	s3 =	sadd.s32 s3, s5;
	[dreg:$0x0] =	wrdreg $0x0  }
0xa8: {  	s5 =	sshll.u32 s28, $0x1;
	[dreg:$0x2] =	wrdreg s3  }
0xa9: {  	[dreg:$0x3] =	wrdreg s5  }
0xaa: {  	[dreg:$0x4] =	wrdreg $0xC0  }
0xab: {  	_ =	task [dreg:s7], $0x5FFFF  }
0xac: {  	[dreg:$0x1] =	wrdreg $0xFFFFFFFF  }
0xad: {  	[dreg:$0x0] =	wrdreg $0x60  }
0xae: {  	[dreg:$0x2] =	wrdreg s2  }
0xaf: {  	[dreg:$0x3] =	wrdreg s24  }
0xb0: {  	[dreg:$0x4] =	wrdreg $0x7A800  }
0xb1: {  	[dreg:$0x5] =	wrdreg $0x7CF80  }
0xb2: {  	[dreg:$0x6] =	wrdreg $0x9  }
0xb3: {  	_ =	task.clear_ibuf [dreg:s7], $0x7FFFF;
	_ =	strace $0x90000046  }
0xb4: {  	s29 =	simm.s32 $0x9;
	_ =	strace $0x80000048  }
0xb5: {  	_ =	swait.ge [sflag:s29], $0x1  }
0xb6: {  	[sflag:s29] =	ssyncadd.s32 $0xFFFFFFFF  }
0xb7: {  	_ =	strace $0x90000048  }
0xb8: {  	_ =	sfence  }
0xb9: {  	s30 =	sld [smem:$0x0];
	_ =	sdelay $0x2  }
0xba: {  	s31 =	sshll.u32 s1, $0xD;
	s1 =	sshrl.u32 s1, $0x2  }
0xbb: {  	s3 =	sand.u32 $0x4000, s31;
	s1 =	sadd.s32 s1, s30  }
0xbc: {  	s0 =	sor.u32 s3, s0;
	s1 =	sshll.u32 s1, $0x11  }
0xbd: {  	s0 =	sor.u32 s1, s0  }
0xbe: {  	s0 =	sadd.s32 $0x8F2B, s0  }
0xbf: {  	[sflag:s0] =	ssyncadd.remote.s32 $0x1  }
0xc0: {  	_ =	sfence.sel $0xFFFF  }
0xc1: {  	[dreg:$0x0] =	wrdreg $0xFFFFFFFF;
	(pc) =	sbr.abs _section_cstart, $3  }
0xc2: {  	[dreg:$0x1] =	wrdreg $0xFFFFFFFF  }
0xc3: {  	_ =	task.clear_ibuf [dreg:s7], $0x2FFFF;
	_ =	strace $0x9FFFFFFF  }
0xc4: {  	(tm) =	ssettm $0x7FFFFFFF  }
0xc5: {  	_ =	shalt  }
tec
execute0_lowered:
.L_overlay_start_1:
0x0: {  	(tag) =	ssettag $0x1  }
0x1: {  	s8 =	rddreg [dreg:$0x0]  }
0x2: {  	s28 =	rddreg [dreg:$0x1]  }
0x3: {  	s2 =	rddreg [dreg:$0x2]  }
0x4: {  	s3 =	rddreg [dreg:$0x3]  }
0x5: {  	s0 =	rddreg [dreg:$0x4];
	s5 =	srdreg.scid  }
0x6: {  	s4 =	simm.s32 $0x0;
	s1 =	stileid.u32;
	s29 =	sand.u32 $0x1, s5  }
0x7: {  	s31 =	sshrl.u32 s1, $0x2;
	s6 =	sshll.u32 s1, $0x8;
	[smem:$0x7FF] =	sst s4  }
0x8: {  	s5 =	smul.u32 $0x13C00, s31;
	s7 =	sshll.u32 s29, $0x7;
	s6 =	sand.u32 $0x300, s6  }
0x9: {  	_ =	strace $0x80000047;
	s6 =	sor.u32 s7, s6;
	s7 =	simm.s32 $0x1  }
0xa: {  	s9 =	sor.u32 s5, s6;
	s5 =	sadd.s32 $0x1FA00, s28;
	s6 =	simm.s32 $0x4F00  }
0xb: {  	[tilespmem:s6], [sflag:$0x1] =	stream.linear.gather [hbm4b:s5+s4], $0x2780, $0x38;
	[tilespmem:$0x7F70] =	vst v63  }
0xc: {  	_ =	swait.ge [sflag:s7], $0x2780  }
0xd: {  	s10 =	simm.s32 $0x400;
	s11 =	sshrl.u32 s9, $0x3;
	[sflag:s7] =	ssyncset.done $0x0  }
0xe: {  	s9 =	simm.s32 $0x80;
	s8 =	sadd.s32 s8, s11;
	[sflag:s7] =	ssyncadd.s32 $0xFFFFD880  }
0xf: {  	[tilespmem:s4], [sflag:$0x1] =	stream.strided.gather [hbm4b:s8+s9], $0x2780, s10, s9, $0x38;
	[tilespmem:$0x7F70] =	vst v63  }
0x10: {  	_ =	swait.ge [sflag:s7], $0x2780  }
0x11: {  	s11 =	sadd.s32 s11, s28;
	[sflag:s7] =	ssyncset.done $0x0  }
0x12: {  	s12 =	simm.s32 $0x2780;
	s11 =	sadd.s32 $0x15C00, s11;
	[sflag:s7] =	ssyncadd.s32 $0xFFFFD880  }
0x13: {  	[tilespmem:s12], [sflag:$0x1] =	stream.strided.gather [hbm4b:s11+s9], $0x2780, s10, s9, $0x38;
	[tilespmem:$0x7F70] =	vst v63  }
0x14: {  	_ =	swait.ge [sflag:s7], $0x2780  }
0x15: {  	p0 =	sgt.u32 s1, $0x9;
	[sflag:s7] =	ssyncset.done $0x0  }
0x16: {  	s13 =	simm.s32 @p0 $0x4F00;
	s14 =	simm.s32 @p0 $0x1;
	[sflag:s7] =	ssyncadd.s32 $0xFFFFD880  }
0x17: {  	s15 =	simm.s32 @p0 $0x2710;
	s16 =	simm.s32 @p0 $0x0;
	[bflag:$0x0] =	sbarrier.arrive @p0 $0xFFFF  }
0x18: {  	[spmem:s2] =	stream.indirect.scatter.add.f32 @p0 [tilespmem:s13], [sflag:$0x1], $0x1, s16, s15, $0xb8;
	[tilespmem:$0x7F70] =	vst v63  }
0x19: {  	_ =	swait.ge @p0 [sflag:s14], $0x2710  }
0x1a: {  	[sflag:s14] =	ssyncset.done @p0 $0x0  }
0x1b: {  	s17 =	simm.s32 @p0 $0x2780;
	[sflag:s14] =	ssyncadd.s32 @p0 $0xFFFFD8F0  }
0x1c: {  	[spmem:s3] =	stream.indirect.scatter.add.f32 @p0 [tilespmem:s13], [sflag:$0x1], $0x1, s17, s15, $0xb8;
	[tilespmem:$0x7F70] =	vst v63  }
0x1d: {  	_ =	swait.ge @p0 [sflag:s14], $0x2710  }
0x1e: {  	[sflag:s14] =	ssyncset.done @p0 $0x0  }
0x1f: {  	s19 =	sadd.s32 $0x20000, s28;
	s18 =	simm.s32 @!p0 $0x1;
	[sflag:s14] =	ssyncadd.s32 @p0 $0xFFFFD8F0  }
0x20: {  	s20 =	simm.s32 @!p0 $0x0;
	s21 =	simm.s32 @!p0 $0x7680;
	[bflag:$0x0] =	sbarrier.arrive @p0 $0xFFFF  }
0x21: {  	[tilespmem:s21], [sflag:$0x1] =	stream.linear.gather @!p0 [hbm4b:s19+s20], $0x400, $0x38;
	[tilespmem:$0x7F70] =	vst v63  }
0x22: {  	s30 =	smul.u32 $0x3E8, s1;
	_ =	swait.ge @!p0 [sflag:s18], $0x400  }
0x23: {  	[sflag:s18] =	ssyncset.done @!p0 $0x0  }
0x24: {  	s22 =	sadd.s32 s30, s2;
	[sflag:s18] =	ssyncadd.s32 @!p0 $0xFFFFFC00  }
0x25: {  	[spmem:s22] =	stream.linear.scatter @!p0 [tilespmem:s21], [sflag:$0x1], $0x3E8, $0x38;
	[tilespmem:$0x7F70] =	vst v63  }
0x26: {  	_ =	swait.ge @!p0 [sflag:s18], $0x3E8  }
0x27: {  	[sflag:s18] =	ssyncset.done @!p0 $0x0  }
0x28: {  	s23 =	sadd.s32 s30, s3;
	[sflag:s18] =	ssyncadd.s32 @!p0 $0xFFFFFC18  }
0x29: {  	[spmem:s23] =	stream.linear.scatter @!p0 [tilespmem:s21], [sflag:$0x1], $0x3E8, $0x38;
	[tilespmem:$0x7F70] =	vst v63  }
0x2a: {  	_ =	swait.ge @!p0 [sflag:s18], $0x3E8  }
0x2b: {  	[sflag:s18] =	ssyncset.done @!p0 $0x0  }
0x2c: {  	[sflag:s18] =	ssyncadd.s32 @!p0 $0xFFFFFC18  }
0x2d: {  	s24 =	simm.s32 @!p0 $0x2710;
	s25 =	simm.s32 @!p0 $0x4F00;
	[bflag:$0x0] =	sbarrier.arrive @!p0 $0xFFFF  }
0x2e: {  	[spmem:s2] =	stream.indirect.scatter.add.f32 @!p0 [tilespmem:s25], [sflag:$0x1], $0x1, s20, s24, $0xb8;
	[tilespmem:$0x7F70] =	vst v63  }
0x2f: {  	_ =	swait.ge @!p0 [sflag:s18], $0x2710  }
0x30: {  	[sflag:s18] =	ssyncset.done @!p0 $0x0  }
0x31: {  	s26 =	simm.s32 @!p0 $0x2780;
	[sflag:s18] =	ssyncadd.s32 @!p0 $0xFFFFD8F0  }
0x32: {  	[spmem:s3] =	stream.indirect.scatter.add.f32 @!p0 [tilespmem:s25], [sflag:$0x1], $0x1, s26, s24, $0xb8;
	[tilespmem:$0x7F70] =	vst v63  }
0x33: {  	_ =	swait.ge @!p0 [sflag:s18], $0x2710  }
0x34: {  	s31 =	smul.u32 $0x2710, s29;
	[sflag:s18] =	ssyncset.done @!p0 $0x0  }
0x35: {  	[sflag:s18] =	ssyncadd.s32 @!p0 $0xFFFFD8F0  }
0x36: {  	s30 =	sadd.s32 s30, s31;
	[bflag:$0x0] =	sbarrier.arrive @!p0 $0xFFFF  }
0x37: {  	[tilespmem:s21], [sflag:$0x1] =	stream.linear.gather @!p0 [spmem:s22], $0x3E8, $0x38;
	[tilespmem:$0x7F70] =	vst v63  }
0x38: {  	s30 =	sshrl.u32 s30, $0x3;
	_ =	swait.ge @!p0 [sflag:s18], $0x3E8  }
0x39: {  	s29 =	ssub.s32 $0x2, s29;
	s30 =	sadd.s32 s30, s28;
	[sflag:s18] =	ssyncset.done @!p0 $0x0  }
0x3a: {  	s31 =	sshrl.u32 s29, $0x1;
	s28 =	sadd.s32 $0x20200, s30;
	[sflag:s18] =	ssyncadd.s32 @!p0 $0xFFFFFC18  }
0x3b: {  	[hbm4b:s28+s20] =	stream.linear.scatter @!p0 [tilespmem:s21], [sflag:$0x1], $0x3E8, $0x38;
	[tilespmem:$0x7F70] =	vst v63  }
0x3c: {  	s29 =	ssub.s32 s29, s31;
	_ =	swait.ge @!p0 [sflag:s18], $0x3E8  }
0x3d: {  	s31 =	smax.u32 s29, $0x1;
	[sflag:s18] =	ssyncset.done @!p0 $0x0  }
0x3e: {  	s29 =	sadd.s32 $0x20C00, s30;
	s30 =	sadd.s32 $0xFFFFFFFF, s31;
	[sflag:s18] =	ssyncadd.s32 @!p0 $0xFFFFFC18  }
0x3f: {  	[tilespmem:s21], [sflag:$0x1] =	stream.linear.gather @!p0 [spmem:s23], $0x3E8, $0x38;
	[tilespmem:$0x7F70] =	vst v63  }
0x40: {  	p1 =	sne.s32 s30, $0x0;
	_ =	swait.ge @!p0 [sflag:s18], $0x3E8  }
.Ltmp0:
0x41: {  	[sflag:s18] =	ssyncset.done @!p0 $0x0;
	(pc) =	sbr.rel @!p1 .LBB2_2-.Ltmp0, $4  }
0x42: {  	[sflag:s18] =	ssyncadd.s32 @!p0 $0xFFFFFC18  }
0x43: {  	[hbm4b:s29+s20] =	stream.linear.scatter @!p0 [tilespmem:s21], [sflag:$0x1], $0x3E8, $0x38;
	[tilespmem:$0x7F70] =	vst v63  }
0x44: {  	_ =	swait.ge @!p0 [sflag:s18], $0x3E8  }
0x45: {  	[sflag:s18] =	ssyncset.done @!p0 $0x0  }
.LBB2_1:
0x46: {  	s30 =	sadd.s32 $0xFFFFFFFF, s30;
	[sflag:s18] =	ssyncadd.s32 @!p0 $0xFFFFFC18  }
0x47: {  	[tilespmem:s6], [sflag:$0x1] =	stream.linear.gather [hbm4b:s5+s4], $0x2780, $0x38;
	[tilespmem:$0x7F70] =	vst v63  }
0x48: {  	p1 =	sne.s32 s30, $0x0;
	_ =	swait.ge [sflag:s7], $0x2780  }
0x49: {  	[sflag:s7] =	ssyncset.done $0x0  }
0x4a: {  	[sflag:s7] =	ssyncadd.s32 $0xFFFFD880  }
0x4b: {  	[tilespmem:s4], [sflag:$0x1] =	stream.strided.gather [hbm4b:s8+s9], $0x2780, s10, s9, $0x38;
	[tilespmem:$0x7F70] =	vst v63  }
0x4c: {  	_ =	swait.ge [sflag:s7], $0x2780  }
0x4d: {  	[sflag:s7] =	ssyncset.done $0x0  }
0x4e: {  	[sflag:s7] =	ssyncadd.s32 $0xFFFFD880  }
0x4f: {  	[tilespmem:s12], [sflag:$0x1] =	stream.strided.gather [hbm4b:s11+s9], $0x2780, s10, s9, $0x38;
	[tilespmem:$0x7F70] =	vst v63  }
0x50: {  	_ =	swait.ge [sflag:s7], $0x2780  }
0x51: {  	[sflag:s7] =	ssyncset.done $0x0  }
0x52: {  	[sflag:s7] =	ssyncadd.s32 $0xFFFFD880  }
0x53: {  	[bflag:$0x0] =	sbarrier.arrive @p0 $0xFFFF  }
0x54: {  	[spmem:s2] =	stream.indirect.scatter.add.f32 @p0 [tilespmem:s13], [sflag:$0x1], $0x1, s16, s15, $0xb8;
	[tilespmem:$0x7F70] =	vst v63  }
0x55: {  	_ =	swait.ge @p0 [sflag:s14], $0x2710  }
0x56: {  	[sflag:s14] =	ssyncset.done @p0 $0x0  }
0x57: {  	[sflag:s14] =	ssyncadd.s32 @p0 $0xFFFFD8F0  }
0x58: {  	[spmem:s3] =	stream.indirect.scatter.add.f32 @p0 [tilespmem:s13], [sflag:$0x1], $0x1, s17, s15, $0xb8;
	[tilespmem:$0x7F70] =	vst v63  }
0x59: {  	_ =	swait.ge @p0 [sflag:s14], $0x2710  }
0x5a: {  	[sflag:s14] =	ssyncset.done @p0 $0x0  }
0x5b: {  	[sflag:s14] =	ssyncadd.s32 @p0 $0xFFFFD8F0  }
0x5c: {  	[bflag:$0x0] =	sbarrier.arrive @p0 $0xFFFF  }
0x5d: {  	[tilespmem:s21], [sflag:$0x1] =	stream.linear.gather @!p0 [hbm4b:s19+s20], $0x400, $0x38;
	[tilespmem:$0x7F70] =	vst v63  }
0x5e: {  	_ =	swait.ge @!p0 [sflag:s18], $0x400  }
0x5f: {  	[sflag:s18] =	ssyncset.done @!p0 $0x0  }
0x60: {  	[sflag:s18] =	ssyncadd.s32 @!p0 $0xFFFFFC00  }
0x61: {  	[spmem:s22] =	stream.linear.scatter @!p0 [tilespmem:s21], [sflag:$0x1], $0x3E8, $0x38;
	[tilespmem:$0x7F70] =	vst v63  }
0x62: {  	_ =	swait.ge @!p0 [sflag:s18], $0x3E8  }
0x63: {  	[sflag:s18] =	ssyncset.done @!p0 $0x0  }
0x64: {  	[sflag:s18] =	ssyncadd.s32 @!p0 $0xFFFFFC18  }
0x65: {  	[spmem:s23] =	stream.linear.scatter @!p0 [tilespmem:s21], [sflag:$0x1], $0x3E8, $0x38;
	[tilespmem:$0x7F70] =	vst v63  }
0x66: {  	_ =	swait.ge @!p0 [sflag:s18], $0x3E8  }
0x67: {  	[sflag:s18] =	ssyncset.done @!p0 $0x0  }
0x68: {  	[sflag:s18] =	ssyncadd.s32 @!p0 $0xFFFFFC18  }
0x69: {  	[bflag:$0x0] =	sbarrier.arrive @!p0 $0xFFFF  }
0x6a: {  	[spmem:s2] =	stream.indirect.scatter.add.f32 @!p0 [tilespmem:s25], [sflag:$0x1], $0x1, s20, s24, $0xb8;
	[tilespmem:$0x7F70] =	vst v63  }
0x6b: {  	_ =	swait.ge @!p0 [sflag:s18], $0x2710  }
0x6c: {  	[sflag:s18] =	ssyncset.done @!p0 $0x0  }
0x6d: {  	[sflag:s18] =	ssyncadd.s32 @!p0 $0xFFFFD8F0  }
0x6e: {  	[spmem:s3] =	stream.indirect.scatter.add.f32 @!p0 [tilespmem:s25], [sflag:$0x1], $0x1, s26, s24, $0xb8;
	[tilespmem:$0x7F70] =	vst v63  }
0x6f: {  	_ =	swait.ge @!p0 [sflag:s18], $0x2710  }
0x70: {  	[sflag:s18] =	ssyncset.done @!p0 $0x0  }
0x71: {  	[sflag:s18] =	ssyncadd.s32 @!p0 $0xFFFFD8F0  }
0x72: {  	[bflag:$0x0] =	sbarrier.arrive @!p0 $0xFFFF  }
0x73: {  	[tilespmem:s21], [sflag:$0x1] =	stream.linear.gather @!p0 [spmem:s22], $0x3E8, $0x38;
	[tilespmem:$0x7F70] =	vst v63  }
0x74: {  	_ =	swait.ge @!p0 [sflag:s18], $0x3E8  }
0x75: {  	[sflag:s18] =	ssyncset.done @!p0 $0x0  }
0x76: {  	[sflag:s18] =	ssyncadd.s32 @!p0 $0xFFFFFC18  }
0x77: {  	[hbm4b:s28+s20] =	stream.linear.scatter @!p0 [tilespmem:s21], [sflag:$0x1], $0x3E8, $0x38;
	[tilespmem:$0x7F70] =	vst v63  }
0x78: {  	_ =	swait.ge @!p0 [sflag:s18], $0x3E8  }
0x79: {  	[sflag:s18] =	ssyncset.done @!p0 $0x0  }
0x7a: {  	[sflag:s18] =	ssyncadd.s32 @!p0 $0xFFFFFC18  }
0x7b: {  	[tilespmem:s21], [sflag:$0x1] =	stream.linear.gather @!p0 [spmem:s23], $0x3E8, $0x38;
	[tilespmem:$0x7F70] =	vst v63  }
0x7c: {  	_ =	swait.ge @!p0 [sflag:s18], $0x3E8  }
.Ltmp1:
0x7d: {  	[sflag:s18] =	ssyncset.done @!p0 $0x0;
	(pc) =	sbr.rel @p1 .LBB2_1-.Ltmp1, $4  }
0x7e: {  	[sflag:s18] =	ssyncadd.s32 @!p0 $0xFFFFFC18  }
0x7f: {  	[hbm4b:s29+s20] =	stream.linear.scatter @!p0 [tilespmem:s21], [sflag:$0x1], $0x3E8, $0x38;
	[tilespmem:$0x7F70] =	vst v63  }
0x80: {  	_ =	swait.ge @!p0 [sflag:s18], $0x3E8  }
0x81: {  	[sflag:s18] =	ssyncset.done @!p0 $0x0  }
.LBB2_2:
0x82: {  	[sflag:s18] =	ssyncadd.s32 @!p0 $0xFFFFFC18  }
0x83: {  	_ =	sfence.sel $0x180000  }
0x84: {  	[bflag:$0x0] =	sbarrier.arrive $0xFFFF  }
0x85: {  	p0 =	sne.s32 s1, $0x0;
	_ =	strace $0x90000047  }
0x86: {  	s0 =	sadd.s32 @!p0 $0x100000, s0;
	[bflag:$0x2] =	sbarrier.arrive $0xFFFF  }
0x87: {  	[sflag:s0] =	ssyncadd.tile.s32 @!p0 $0x1;
	_ =	shalt  }
.Lfunc_end2:
_tile_overlayer_lowered:
.L_overlay_start_2:
0x88: {  	(tag) =	ssettag $0x2  }
0x89: {  	s0 =	rddreg [dreg:$0x0];
	s2 =	stileid.u32  }
0x8a: {  	s1 =	rddreg [dreg:$0x1];
	p0 =	sne.s32 s2, $0x0  }
0x8b: {  	s3 =	rddreg [dreg:$0x2];
	[bflag:$0x3] =	sbarrier.arrive $0xFFFF;
	s2 =	simm.s32 @!p0 $0x1C01  }
0x8c: {  	[timem:s3], [sflag:s2] =	dma.local @!p0 [hbm:s0], s1  }
0x8d: {  	s0 =	simm.s32 @!p0 $0x1  }
0x8e: {  	_ =	swait.ge @!p0 [sflag:s0], s1  }
0x8f: {  	s1 =	ssub.s32 @!p0 $0x0, s1;
	[sflag:s0] =	ssyncset.done @!p0 $0x0  }
0x90: {  	[sflag:s0] =	ssyncadd.s32 @!p0 s1  }
0x91: {  	[bflag:$0x3] =	sbarrier.arrive $0xFFFF  }
0x92: {  	_ =	shalt  }

</sc_bundles>
